<compile_context>
chip_gen: v7x
topology: tpu7x:2x2x1
jax: 0.10.2.dev20260603
libtpu: 0.0.44.dev20260713+nightly
codegen_flags: <defaults>
</compile_context>

<pallas_src>
import jax
import jax.numpy as jnp
from jax import lax
from jax.experimental import pallas as pl
from jax.experimental.pallas import tpu as pltpu
from jax.experimental.pallas import tpu_sc as plsc

N = 10000
E = 320000
C = 128
NC, NS, LN = 2, 16, 16
NW = NC * NS
B = 80
EPW = E // NW
NB = EPW // B
EPAD = 327680
CROWS = EPAD // 128
R_PS = CROWS // NS
NPAD = 10240
NPT = NPAD // NS


def _node_tables(y):
    blk = 2000

    def body(y_ref, l_ref, p_ref, a_ref):
        x = y_ref[...]
        m = jnp.max(x, axis=1, keepdims=True)
        xm = x - m
        ex = jnp.exp(xm)
        sex = jnp.sum(ex, axis=1, keepdims=True)
        lsm = xm - jnp.log(sex)
        p = ex / sex
        l_ref[...] = lsm
        p_ref[...] = p
        a_ref[...] = jnp.sum(p * lsm, axis=1, keepdims=True)

    def imap(i):
        return (i, jnp.asarray(0, i.dtype) if hasattr(i, "dtype") else 0)

    return pl.pallas_call(
        body,
        grid=(N // blk,),
        in_specs=[pl.BlockSpec((blk, C), imap)],
        out_specs=[
            pl.BlockSpec((blk, C), imap),
            pl.BlockSpec((blk, C), imap),
            pl.BlockSpec((blk, 1), imap),
        ],
        out_shape=[
            jax.ShapeDtypeStruct((N, C), jnp.float32),
            jax.ShapeDtypeStruct((N, C), jnp.float32),
            jax.ShapeDtypeStruct((N, 1), jnp.float32),
        ],
    )(y)


def _sc_body(p_hbm, l_hbm, a_hbm, src_hbm, dst_hbm, dst2_hbm, w2_hbm,
             cross_out, asum_out, scnt_out,
             a_tab, P0, P1, L0, L1, sbuf, dbuf, wchunk, dchunk,
             zbuf, cbuf, stage, colsum_sh,
             semP0, semP1, semL0, semL1, semC):
    def _i32(x):
        if getattr(x, "dtype", None) == jnp.int32:
            return x
        return jnp.asarray(x, jnp.int32)

    c = _i32(lax.axis_index("c"))
    s = _i32(lax.axis_index("s"))
    wid = c * NS + s

    fzero = jnp.zeros((LN,), jnp.float32)
    fone = jnp.full((LN,), 1.0, jnp.float32)

    e0 = wid * EPW
    d_atab = pltpu.async_copy(a_hbm, a_tab, semP0)
    d_sbuf = pltpu.async_copy(src_hbm.at[pl.ds(e0, EPW)], sbuf, semL0)
    d_dbuf = pltpu.async_copy(dst_hbm.at[pl.ds(e0, EPW)], dbuf, semP1)
    d_dch = pltpu.async_copy(dst2_hbm.at[pl.ds(s * R_PS, R_PS)], dchunk, semL1)
    d_wch = pltpu.async_copy(w2_hbm.at[pl.ds(s * R_PS, R_PS)], wchunk, semL1)

    for i in range(NPT // LN):
        zbuf[pl.ds(i * LN, LN)] = fzero
    pltpu.sync_copy(zbuf, colsum_sh.at[pl.ds(s * NPT, NPT)])
    plsc.subcore_barrier()

    d_sbuf.wait()
    d_dbuf.wait()

    def fire0(batch, slot):
        off = jnp.int32(batch * B)
        pltpu.async_copy(p_hbm.at[sbuf.at[pl.ds(off, B)]], P0 if slot == 0
                         else P1, semP0 if slot == 0 else semP1)
        pltpu.async_copy(l_hbm.at[dbuf.at[pl.ds(off, B)]], L0 if slot == 0
                         else L1, semL0 if slot == 0 else semL1)

    fire0(0, 0)
    fire0(1, 1)

    d_dch.wait()
    d_wch.wait()

    Pb = (P0, P1)
    Lb = (L0, L1)
    semP = (semP0, semP1)
    semL = (semL0, semL1)

    def fire(batch, slot):
        off = _i32(batch) * B
        pltpu.async_copy(p_hbm.at[sbuf.at[pl.ds(off, B)]], Pb[slot], semP[slot])
        pltpu.async_copy(l_hbm.at[dbuf.at[pl.ds(off, B)]], Lb[slot], semL[slot])

    def wait(slot):
        z = _i32(0)
        pltpu.make_async_copy(
            p_hbm.at[sbuf.at[pl.ds(z, B)]], Pb[slot], semP[slot]).wait()
        pltpu.make_async_copy(
            l_hbm.at[dbuf.at[pl.ds(z, B)]], Lb[slot], semL[slot]).wait()

    def batch_compute(batch, slot, carry):
        off = _i32(batch) * B
        accs, aacc = carry
        P_, L_ = Pb[slot], Lb[slot]
        for i in range(B // LN):
            idxv = sbuf[pl.ds(off + i * LN, LN)]
            aacc = aacc + plsc.load_gather(a_tab, [idxv])

        def row_step(e2, a8):
            for r in range(2):
                e = _i32(e2) * 2 + r
                a8 = tuple(
                    a8[j] + P_[e, pl.ds(j * LN, LN)] * L_[e, pl.ds(j * LN, LN)]
                    for j in range(C // LN))
            return a8

        accs = lax.fori_loop(jnp.int32(0), jnp.int32(B // 2), row_step, accs)
        return accs, aacc

    d_atab.wait()

    accs0 = tuple(fzero for _ in range(C // LN))
    carry0 = (accs0, fzero)

    CPI = 4
    NCI = R_PS // CPI

    def ring_step(g2, carry):
        g = g2 * 2
        wait(0)
        fire(g + 2, 0)

        @pl.when(g2 <= NCI - 1)
        def _():
            for j in range(CPI):
                k = g2 * CPI + j
                pltpu.async_copy(wchunk.at[k], colsum_sh.at[dchunk.at[k]],
                                 semC, add=True)

        carry = batch_compute(g, 0, carry)
        wait(1)

        @pl.when(g2 <= (NB - 5) // 2)
        def _():
            fire(g + 3, 1)

        carry = batch_compute(g + 1, 1, carry)

        @pl.when(g2 <= NCI - 1)
        def _():
            z = _i32(0)
            for j in range(CPI):
                pltpu.make_async_copy(
                    wchunk.at[z], colsum_sh.at[dchunk.at[z]], semC).wait()

        return carry

    carry = lax.fori_loop(jnp.int32(0), jnp.int32((NB - 1) // 2), ring_step,
                          carry0)
    wait(0)
    accs, aacc = batch_compute(NB - 1, 0, carry)
    plsc.subcore_barrier()

    crossv = accs[0]
    for j in range(1, C // LN):
        crossv = crossv + accs[j]

    stage[...] = crossv
    pltpu.sync_copy(stage, cross_out.at[wid])
    stage[...] = aacc
    pltpu.sync_copy(stage, asum_out.at[wid])

    pltpu.sync_copy(colsum_sh.at[pl.ds(s * NPT, NPT)], cbuf)

    def cnt_step(i, cnt):
        v = cbuf[pl.ds(i * LN, LN)]
        return cnt + jnp.where(v > 0.0, fone, fzero)

    cnt = lax.fori_loop(jnp.int32(0), jnp.int32(NPT // LN), cnt_step, fzero)
    stage[...] = cnt
    pltpu.sync_copy(stage, scnt_out.at[wid])


def _edge_terms(p, lsm, a, src, dst, dst2, w2):
    mesh = plsc.VectorSubcoreMesh(core_axis_name="c", subcore_axis_name="s")
    f32 = jnp.float32
    i32 = jnp.int32
    return pl.kernel(
        _sc_body,
        out_type=[
            jax.ShapeDtypeStruct((NW, LN), f32),
            jax.ShapeDtypeStruct((NW, LN), f32),
            jax.ShapeDtypeStruct((NW, LN), f32),
        ],
        mesh=mesh,
        compiler_params=pltpu.CompilerParams(needs_layout_passes=False),
        scratch_types=[
            pltpu.VMEM((N,), f32),
            pltpu.VMEM((B, C), f32),
            pltpu.VMEM((B, C), f32),
            pltpu.VMEM((B, C), f32),
            pltpu.VMEM((B, C), f32),
            pltpu.VMEM((EPW,), i32),
            pltpu.VMEM((EPW,), i32),
            pltpu.VMEM((R_PS, 128), f32),
            pltpu.VMEM((R_PS, 128), i32),
            pltpu.VMEM((NPT,), f32),
            pltpu.VMEM((NPT,), f32),
            pltpu.VMEM((LN,), f32),
            pltpu.VMEM_SHARED((NPAD,), f32),
            pltpu.SemaphoreType.DMA,
            pltpu.SemaphoreType.DMA,
            pltpu.SemaphoreType.DMA,
            pltpu.SemaphoreType.DMA,
            pltpu.SemaphoreType.DMA,
        ],
    )(p, lsm, a, src, dst, dst2, w2)


def kernel(y_1, edge_index, edge_weight):
    y = y_1.astype(jnp.float32)
    src = edge_index[0].astype(jnp.int32)
    dst = edge_index[1].astype(jnp.int32)
    w = edge_weight.astype(jnp.float32)
    npad = EPAD - E
    dst2 = jnp.concatenate([dst, jnp.zeros((npad,), jnp.int32)]).reshape(
        CROWS, 128)
    w2 = jnp.concatenate([w, jnp.zeros((npad,), jnp.float32)]).reshape(
        CROWS, 128)

    lsm, p, a2 = _node_tables(y)
    a = a2.reshape(N)

    cross_p, asum_p, scnt_p = _edge_terms(p, lsm, a, src, dst, dst2, w2)

    cross = jnp.sum(cross_p)
    asum = jnp.sum(asum_p)
    s_count = jnp.sum(scnt_p[:NS])
    kl_scalar = (asum - cross) / jnp.float32(E)
    ncr = s_count * kl_scalar / jnp.float32(N)
    return ncr.astype(jnp.float32)

# --- scband reference (transcript-rebuilt; emitter-appended) ---
"""Pipeline reference for scband-neighbor-consistency-58506044506616 (READ-ONLY COPY).

The authoritative reference and input builder live on the scoring server;
editing this copy changes nothing except your own understanding.
"""

import jax
jax.config.update('jax_enable_x64', True)
import jax.numpy as jnp
import numpy as np

N_NODES = 10000
N_EDGES = 320000
N_CLASSES = 128


def setup_inputs(seed: int = 0) -> dict:
    key = jax.random.key(seed)
    k1, k2, k3 = jax.random.split(key, 3)
    y_1 = jax.random.normal(k1, (N_NODES, N_CLASSES), dtype=jnp.float32)
    edge_index = jax.random.randint(k2, (2, N_EDGES), 0, N_NODES, dtype=jnp.int64)
    edge_weight = jax.random.uniform(k3, (N_EDGES,), dtype=jnp.float32)
    return {"y_1": y_1, "edge_index": edge_index, "edge_weight": edge_weight}


def reference(y_1, edge_index, edge_weight):
    # Faithful translation of NeighborConsistency.forward / neighbor_cons.
    N = y_1.shape[0]
    src = edge_index[0]  # rows of the scipy sparse adjacency
    dst = edge_index[1]  # cols of the scipy sparse adjacency
    # edge_weight.detach() in the torch code -> stop_gradient
    w = jax.lax.stop_gradient(edge_weight)
    # colsum = weighted_adj.sum(0): sum over rows for each column -> segment over dst
    colsum = jax.ops.segment_sum(w, dst, num_segments=N_NODES)
    # r_inv = colsum^-1 with inf -> 0
    r_inv = jnp.where(colsum > 0, 1.0 / colsum, 0.0)
    # norm_adj = A @ diag(r_inv): scale each edge by r_inv of its column (dst)
    norm_weight = w * r_inv[dst]
    # kl_loss_compute(pred=y_1[norm_idx[1]], soft_targets=y_1[norm_idx[0]].detach())
    pred = y_1[dst]
    tgt = jax.lax.stop_gradient(y_1[src])
    log_p = jax.nn.log_softmax(pred, axis=1)
    log_t = jax.nn.log_softmax(tgt, axis=1)
    soft_t = jnp.exp(log_t)
    kl = soft_t * (log_t - log_p)  # F.kl_div(log_softmax(pred), softmax(tgt), reduce=False)
    # reduce=True (default): mean over edges of the per-edge class-summed KL -> scalar
    kl_scalar = jnp.mean(jnp.sum(kl, axis=1))
    # ncr = (norm_weight * scalar_kl).sum() / N  (literal torch semantics)
    ncr = (norm_weight * kl_scalar).sum()
    ncr = ncr / N
    return ncr

if __name__ == "__main__":
    import jax
    _d = setup_inputs()
    print(jax.jit(kernel)(*tuple(_d.values())))

</pallas_src>

<mosaic_0001>
#map = affine_map<(d0, d1) -> (0, 0)>
#map1 = affine_map<(d0, d1) -> (0)>
module attributes {stable_mosaic.version = 14 : i64} {
  func.func @_sc_body(%arg0: i32, %arg1: i32, %arg2: memref<10000x128xf32, #tpu.memory_space<hbm>>, %arg3: memref<10000x128xf32, #tpu.memory_space<hbm>>, %arg4: memref<10000xf32, #tpu.memory_space<hbm>>, %arg5: memref<320000xi32, #tpu.memory_space<hbm>>, %arg6: memref<320000xi32, #tpu.memory_space<hbm>>, %arg7: memref<2560x128xi32, #tpu.memory_space<hbm>>, %arg8: memref<2560x128xf32, #tpu.memory_space<hbm>>, %arg9: memref<32x16xf32, #tpu.memory_space<hbm>>, %arg10: memref<32x16xf32, #tpu.memory_space<hbm>>, %arg11: memref<32x16xf32, #tpu.memory_space<hbm>>, %arg12: memref<10000xf32, #tpu.memory_space<vmem>>, %arg13: memref<80x128xf32, #tpu.memory_space<vmem>>, %arg14: memref<80x128xf32, #tpu.memory_space<vmem>>, %arg15: memref<80x128xf32, #tpu.memory_space<vmem>>, %arg16: memref<80x128xf32, #tpu.memory_space<vmem>>, %arg17: memref<10000xi32, #tpu.memory_space<vmem>>, %arg18: memref<10000xi32, #tpu.memory_space<vmem>>, %arg19: memref<160x128xf32, #tpu.memory_space<vmem>>, %arg20: memref<160x128xi32, #tpu.memory_space<vmem>>, %arg21: memref<640xf32, #tpu.memory_space<vmem>>, %arg22: memref<640xf32, #tpu.memory_space<vmem>>, %arg23: memref<16xf32, #tpu.memory_space<vmem>>, %arg24: memref<10240xf32, #tpu.memory_space<vmem_shared>>, %arg25: memref<!tpu.dma_semaphore, #tpu.memory_space<semaphore_mem>>, %arg26: memref<!tpu.dma_semaphore, #tpu.memory_space<semaphore_mem>>, %arg27: memref<!tpu.dma_semaphore, #tpu.memory_space<semaphore_mem>>, %arg28: memref<!tpu.dma_semaphore, #tpu.memory_space<semaphore_mem>>, %arg29: memref<!tpu.dma_semaphore, #tpu.memory_space<semaphore_mem>>) attributes {dimension_semantics = [#tpu.dimension_semantics<core_parallel>, #tpu.dimension_semantics<subcore_parallel>], iteration_bounds = array<i64: 2, 16>, scalar_prefetch = 0 : i64, scratch_operands = 18 : i64, tpu.core_type = #tpu.core_type<sc_vector_subcore>, window_params = [{transform_indices = #map}, {transform_indices = #map}, {transform_indices = #map1}, {transform_indices = #map1}, {transform_indices = #map1}, {transform_indices = #map}, {transform_indices = #map}, {transform_indices = #map}, {transform_indices = #map}, {transform_indices = #map}]} {
    %mul3A = arith.constant 16 : i32
    %mul3A_0 = arith.muli %arg0, %mul3A : i32
    %add3A = arith.addi %mul3A_0, %arg1 : i32
    %broadcast_in_dim3A = arith.constant 0.000000e+00 : f32
    %broadcast_in_dim3A_1 = vector.broadcast %broadcast_in_dim3A : f32 to vector<16xf32>
    %broadcast_in_dim3A_2 = arith.constant 1.000000e+00 : f32
    %broadcast_in_dim3A_3 = vector.broadcast %broadcast_in_dim3A_2 : f32 to vector<16xf32>
    %mul3A_4 = arith.constant 10000 : i32
    %mul3A_5 = arith.muli %add3A, %mul3A_4 : i32
    tpu.enqueue_dma source(%arg4 : memref<10000xf32, #tpu.memory_space<hbm>>) target(%arg12 : memref<10000xf32, #tpu.memory_space<vmem>>) target_semaphore(%arg25 : memref<!tpu.dma_semaphore, #tpu.memory_space<semaphore_mem>>)
    %dma_start3A = tpu.memref_slice %arg5[%mul3A_5] : memref<320000xi32, #tpu.memory_space<hbm>> -> memref<10000xi32, #tpu.memory_space<hbm>>
    %dma_start3A_6 = tpu.memref_slice %arg5[%mul3A_5] : memref<320000xi32, #tpu.memory_space<hbm>> -> memref<10000xi32, #tpu.memory_space<hbm>>
    tpu.enqueue_dma source(%dma_start3A_6 : memref<10000xi32, #tpu.memory_space<hbm>>) target(%arg17 : memref<10000xi32, #tpu.memory_space<vmem>>) target_semaphore(%arg27 : memref<!tpu.dma_semaphore, #tpu.memory_space<semaphore_mem>>)
    %dma_start3A_7 = tpu.memref_slice %arg6[%mul3A_5] : memref<320000xi32, #tpu.memory_space<hbm>> -> memref<10000xi32, #tpu.memory_space<hbm>>
    %dma_start3A_8 = tpu.memref_slice %arg6[%mul3A_5] : memref<320000xi32, #tpu.memory_space<hbm>> -> memref<10000xi32, #tpu.memory_space<hbm>>
    tpu.enqueue_dma source(%dma_start3A_8 : memref<10000xi32, #tpu.memory_space<hbm>>) target(%arg18 : memref<10000xi32, #tpu.memory_space<vmem>>) target_semaphore(%arg26 : memref<!tpu.dma_semaphore, #tpu.memory_space<semaphore_mem>>)
    %mul3A_9 = arith.constant 160 : i32
    %mul3A_10 = arith.muli %arg1, %mul3A_9 : i32
    %dma_start3A_11 = arith.constant 0 : i32
    %dma_start3A_12 = tpu.memref_slice %arg7[%mul3A_10, %dma_start3A_11] : memref<2560x128xi32, #tpu.memory_space<hbm>> -> memref<160x128xi32, #tpu.memory_space<hbm>>
    %dma_start3A_13 = arith.constant 0 : i32
    %dma_start3A_14 = tpu.memref_slice %arg7[%mul3A_10, %dma_start3A_13] : memref<2560x128xi32, #tpu.memory_space<hbm>> -> memref<160x128xi32, #tpu.memory_space<hbm>>
    tpu.enqueue_dma source(%dma_start3A_14 : memref<160x128xi32, #tpu.memory_space<hbm>>) target(%arg20 : memref<160x128xi32, #tpu.memory_space<vmem>>) target_semaphore(%arg28 : memref<!tpu.dma_semaphore, #tpu.memory_space<semaphore_mem>>)
    %mul3A_15 = arith.constant 160 : i32
    %mul3A_16 = arith.muli %arg1, %mul3A_15 : i32
    %dma_start3A_17 = arith.constant 0 : i32
    %dma_start3A_18 = tpu.memref_slice %arg8[%mul3A_16, %dma_start3A_17] : memref<2560x128xf32, #tpu.memory_space<hbm>> -> memref<160x128xf32, #tpu.memory_space<hbm>>
    %dma_start3A_19 = arith.constant 0 : i32
    %dma_start3A_20 = tpu.memref_slice %arg8[%mul3A_16, %dma_start3A_19] : memref<2560x128xf32, #tpu.memory_space<hbm>> -> memref<160x128xf32, #tpu.memory_space<hbm>>
    tpu.enqueue_dma source(%dma_start3A_20 : memref<160x128xf32, #tpu.memory_space<hbm>>) target(%arg19 : memref<160x128xf32, #tpu.memory_space<vmem>>) target_semaphore(%arg28 : memref<!tpu.dma_semaphore, #tpu.memory_space<semaphore_mem>>)
    %swap3A = arith.constant 0 : index
    %swap3A_21 = tpu.vector_load %arg21[%swap3A] {strides = array<i32>} : memref<640xf32, #tpu.memory_space<vmem>>, vector<16xf32>,
    tpu.vector_store %arg21[%swap3A], %broadcast_in_dim3A_1 {strides = array<i32>} : memref<640xf32, #tpu.memory_space<vmem>>, vector<16xf32>,
    %swap3A_22 = arith.constant 16 : index
    %swap3A_23 = tpu.vector_load %arg21[%swap3A_22] {strides = array<i32>} : memref<640xf32, #tpu.memory_space<vmem>>, vector<16xf32>,
    tpu.vector_store %arg21[%swap3A_22], %broadcast_in_dim3A_1 {strides = array<i32>} : memref<640xf32, #tpu.memory_space<vmem>>, vector<16xf32>,
    %swap3A_24 = arith.constant 32 : index
    %swap3A_25 = tpu.vector_load %arg21[%swap3A_24] {strides = array<i32>} : memref<640xf32, #tpu.memory_space<vmem>>, vector<16xf32>,
    tpu.vector_store %arg21[%swap3A_24], %broadcast_in_dim3A_1 {strides = array<i32>} : memref<640xf32, #tpu.memory_space<vmem>>, vector<16xf32>,
    %swap3A_26 = arith.constant 48 : index
    %swap3A_27 = tpu.vector_load %arg21[%swap3A_26] {strides = array<i32>} : memref<640xf32, #tpu.memory_space<vmem>>, vector<16xf32>,
    tpu.vector_store %arg21[%swap3A_26], %broadcast_in_dim3A_1 {strides = array<i32>} : memref<640xf32, #tpu.memory_space<vmem>>, vector<16xf32>,
    %swap3A_28 = arith.constant 64 : index
    %swap3A_29 = tpu.vector_load %arg21[%swap3A_28] {strides = array<i32>} : memref<640xf32, #tpu.memory_space<vmem>>, vector<16xf32>,
    tpu.vector_store %arg21[%swap3A_28], %broadcast_in_dim3A_1 {strides = array<i32>} : memref<640xf32, #tpu.memory_space<vmem>>, vector<16xf32>,
    %swap3A_30 = arith.constant 80 : index
    %swap3A_31 = tpu.vector_load %arg21[%swap3A_30] {strides = array<i32>} : memref<640xf32, #tpu.memory_space<vmem>>, vector<16xf32>,
    tpu.vector_store %arg21[%swap3A_30], %broadcast_in_dim3A_1 {strides = array<i32>} : memref<640xf32, #tpu.memory_space<vmem>>, vector<16xf32>,
    %swap3A_32 = arith.constant 96 : index
    %swap3A_33 = tpu.vector_load %arg21[%swap3A_32] {strides = array<i32>} : memref<640xf32, #tpu.memory_space<vmem>>, vector<16xf32>,
    tpu.vector_store %arg21[%swap3A_32], %broadcast_in_dim3A_1 {strides = array<i32>} : memref<640xf32, #tpu.memory_space<vmem>>, vector<16xf32>,
    %swap3A_34 = arith.constant 112 : index
    %swap3A_35 = tpu.vector_load %arg21[%swap3A_34] {strides = array<i32>} : memref<640xf32, #tpu.memory_space<vmem>>, vector<16xf32>,
    tpu.vector_store %arg21[%swap3A_34], %broadcast_in_dim3A_1 {strides = array<i32>} : memref<640xf32, #tpu.memory_space<vmem>>, vector<16xf32>,
    %swap3A_36 = arith.constant 128 : index
    %swap3A_37 = tpu.vector_load %arg21[%swap3A_36] {strides = array<i32>} : memref<640xf32, #tpu.memory_space<vmem>>, vector<16xf32>,
    tpu.vector_store %arg21[%swap3A_36], %broadcast_in_dim3A_1 {strides = array<i32>} : memref<640xf32, #tpu.memory_space<vmem>>, vector<16xf32>,
    %swap3A_38 = arith.constant 144 : index
    %swap3A_39 = tpu.vector_load %arg21[%swap3A_38] {strides = array<i32>} : memref<640xf32, #tpu.memory_space<vmem>>, vector<16xf32>,
    tpu.vector_store %arg21[%swap3A_38], %broadcast_in_dim3A_1 {strides = array<i32>} : memref<640xf32, #tpu.memory_space<vmem>>, vector<16xf32>,
    %swap3A_40 = arith.constant 160 : index
    %swap3A_41 = tpu.vector_load %arg21[%swap3A_40] {strides = array<i32>} : memref<640xf32, #tpu.memory_space<vmem>>, vector<16xf32>,
    tpu.vector_store %arg21[%swap3A_40], %broadcast_in_dim3A_1 {strides = array<i32>} : memref<640xf32, #tpu.memory_space<vmem>>, vector<16xf32>,
    %swap3A_42 = arith.constant 176 : index
    %swap3A_43 = tpu.vector_load %arg21[%swap3A_42] {strides = array<i32>} : memref<640xf32, #tpu.memory_space<vmem>>, vector<16xf32>,
    tpu.vector_store %arg21[%swap3A_42], %broadcast_in_dim3A_1 {strides = array<i32>} : memref<640xf32, #tpu.memory_space<vmem>>, vector<16xf32>,
    %swap3A_44 = arith.constant 192 : index
    %swap3A_45 = tpu.vector_load %arg21[%swap3A_44] {strides = array<i32>} : memref<640xf32, #tpu.memory_space<vmem>>, vector<16xf32>,
    tpu.vector_store %arg21[%swap3A_44], %broadcast_in_dim3A_1 {strides = array<i32>} : memref<640xf32, #tpu.memory_space<vmem>>, vector<16xf32>,
    %swap3A_46 = arith.constant 208 : index
    %swap3A_47 = tpu.vector_load %arg21[%swap3A_46] {strides = array<i32>} : memref<640xf32, #tpu.memory_space<vmem>>, vector<16xf32>,
    tpu.vector_store %arg21[%swap3A_46], %broadcast_in_dim3A_1 {strides = array<i32>} : memref<640xf32, #tpu.memory_space<vmem>>, vector<16xf32>,
    %swap3A_48 = arith.constant 224 : index
    %swap3A_49 = tpu.vector_load %arg21[%swap3A_48] {strides = array<i32>} : memref<640xf32, #tpu.memory_space<vmem>>, vector<16xf32>,
    tpu.vector_store %arg21[%swap3A_48], %broadcast_in_dim3A_1 {strides = array<i32>} : memref<640xf32, #tpu.memory_space<vmem>>, vector<16xf32>,
    %swap3A_50 = arith.constant 240 : index
    %swap3A_51 = tpu.vector_load %arg21[%swap3A_50] {strides = array<i32>} : memref<640xf32, #tpu.memory_space<vmem>>, vector<16xf32>,
    tpu.vector_store %arg21[%swap3A_50], %broadcast_in_dim3A_1 {strides = array<i32>} : memref<640xf32, #tpu.memory_space<vmem>>, vector<16xf32>,
    %swap3A_52 = arith.constant 256 : index
    %swap3A_53 = tpu.vector_load %arg21[%swap3A_52] {strides = array<i32>} : memref<640xf32, #tpu.memory_space<vmem>>, vector<16xf32>,
    tpu.vector_store %arg21[%swap3A_52], %broadcast_in_dim3A_1 {strides = array<i32>} : memref<640xf32, #tpu.memory_space<vmem>>, vector<16xf32>,
    %swap3A_54 = arith.constant 272 : index
    %swap3A_55 = tpu.vector_load %arg21[%swap3A_54] {strides = array<i32>} : memref<640xf32, #tpu.memory_space<vmem>>, vector<16xf32>,
    tpu.vector_store %arg21[%swap3A_54], %broadcast_in_dim3A_1 {strides = array<i32>} : memref<640xf32, #tpu.memory_space<vmem>>, vector<16xf32>,
    %swap3A_56 = arith.constant 288 : index
    %swap3A_57 = tpu.vector_load %arg21[%swap3A_56] {strides = array<i32>} : memref<640xf32, #tpu.memory_space<vmem>>, vector<16xf32>,
    tpu.vector_store %arg21[%swap3A_56], %broadcast_in_dim3A_1 {strides = array<i32>} : memref<640xf32, #tpu.memory_space<vmem>>, vector<16xf32>,
    %swap3A_58 = arith.constant 304 : index
    %swap3A_59 = tpu.vector_load %arg21[%swap3A_58] {strides = array<i32>} : memref<640xf32, #tpu.memory_space<vmem>>, vector<16xf32>,
    tpu.vector_store %arg21[%swap3A_58], %broadcast_in_dim3A_1 {strides = array<i32>} : memref<640xf32, #tpu.memory_space<vmem>>, vector<16xf32>,
    %swap3A_60 = arith.constant 320 : index
    %swap3A_61 = tpu.vector_load %arg21[%swap3A_60] {strides = array<i32>} : memref<640xf32, #tpu.memory_space<vmem>>, vector<16xf32>,
    tpu.vector_store %arg21[%swap3A_60], %broadcast_in_dim3A_1 {strides = array<i32>} : memref<640xf32, #tpu.memory_space<vmem>>, vector<16xf32>,
    %swap3A_62 = arith.constant 336 : index
    %swap3A_63 = tpu.vector_load %arg21[%swap3A_62] {strides = array<i32>} : memref<640xf32, #tpu.memory_space<vmem>>, vector<16xf32>,
    tpu.vector_store %arg21[%swap3A_62], %broadcast_in_dim3A_1 {strides = array<i32>} : memref<640xf32, #tpu.memory_space<vmem>>, vector<16xf32>,
    %swap3A_64 = arith.constant 352 : index
    %swap3A_65 = tpu.vector_load %arg21[%swap3A_64] {strides = array<i32>} : memref<640xf32, #tpu.memory_space<vmem>>, vector<16xf32>,
    tpu.vector_store %arg21[%swap3A_64], %broadcast_in_dim3A_1 {strides = array<i32>} : memref<640xf32, #tpu.memory_space<vmem>>, vector<16xf32>,
    %swap3A_66 = arith.constant 368 : index
    %swap3A_67 = tpu.vector_load %arg21[%swap3A_66] {strides = array<i32>} : memref<640xf32, #tpu.memory_space<vmem>>, vector<16xf32>,
    tpu.vector_store %arg21[%swap3A_66], %broadcast_in_dim3A_1 {strides = array<i32>} : memref<640xf32, #tpu.memory_space<vmem>>, vector<16xf32>,
    %swap3A_68 = arith.constant 384 : index
    %swap3A_69 = tpu.vector_load %arg21[%swap3A_68] {strides = array<i32>} : memref<640xf32, #tpu.memory_space<vmem>>, vector<16xf32>,
    tpu.vector_store %arg21[%swap3A_68], %broadcast_in_dim3A_1 {strides = array<i32>} : memref<640xf32, #tpu.memory_space<vmem>>, vector<16xf32>,
    %swap3A_70 = arith.constant 400 : index
    %swap3A_71 = tpu.vector_load %arg21[%swap3A_70] {strides = array<i32>} : memref<640xf32, #tpu.memory_space<vmem>>, vector<16xf32>,
    tpu.vector_store %arg21[%swap3A_70], %broadcast_in_dim3A_1 {strides = array<i32>} : memref<640xf32, #tpu.memory_space<vmem>>, vector<16xf32>,
    %swap3A_72 = arith.constant 416 : index
    %swap3A_73 = tpu.vector_load %arg21[%swap3A_72] {strides = array<i32>} : memref<640xf32, #tpu.memory_space<vmem>>, vector<16xf32>,
    tpu.vector_store %arg21[%swap3A_72], %broadcast_in_dim3A_1 {strides = array<i32>} : memref<640xf32, #tpu.memory_space<vmem>>, vector<16xf32>,
    %swap3A_74 = arith.constant 432 : index
    %swap3A_75 = tpu.vector_load %arg21[%swap3A_74] {strides = array<i32>} : memref<640xf32, #tpu.memory_space<vmem>>, vector<16xf32>,
    tpu.vector_store %arg21[%swap3A_74], %broadcast_in_dim3A_1 {strides = array<i32>} : memref<640xf32, #tpu.memory_space<vmem>>, vector<16xf32>,
    %swap3A_76 = arith.constant 448 : index
    %swap3A_77 = tpu.vector_load %arg21[%swap3A_76] {strides = array<i32>} : memref<640xf32, #tpu.memory_space<vmem>>, vector<16xf32>,
    tpu.vector_store %arg21[%swap3A_76], %broadcast_in_dim3A_1 {strides = array<i32>} : memref<640xf32, #tpu.memory_space<vmem>>, vector<16xf32>,
    %swap3A_78 = arith.constant 464 : index
    %swap3A_79 = tpu.vector_load %arg21[%swap3A_78] {strides = array<i32>} : memref<640xf32, #tpu.memory_space<vmem>>, vector<16xf32>,
    tpu.vector_store %arg21[%swap3A_78], %broadcast_in_dim3A_1 {strides = array<i32>} : memref<640xf32, #tpu.memory_space<vmem>>, vector<16xf32>,
    %swap3A_80 = arith.constant 480 : index
    %swap3A_81 = tpu.vector_load %arg21[%swap3A_80] {strides = array<i32>} : memref<640xf32, #tpu.memory_space<vmem>>, vector<16xf32>,
    tpu.vector_store %arg21[%swap3A_80], %broadcast_in_dim3A_1 {strides = array<i32>} : memref<640xf32, #tpu.memory_space<vmem>>, vector<16xf32>,
    %swap3A_82 = arith.constant 496 : index
    %swap3A_83 = tpu.vector_load %arg21[%swap3A_82] {strides = array<i32>} : memref<640xf32, #tpu.memory_space<vmem>>, vector<16xf32>,
    tpu.vector_store %arg21[%swap3A_82], %broadcast_in_dim3A_1 {strides = array<i32>} : memref<640xf32, #tpu.memory_space<vmem>>, vector<16xf32>,
    %swap3A_84 = arith.constant 512 : index
    %swap3A_85 = tpu.vector_load %arg21[%swap3A_84] {strides = array<i32>} : memref<640xf32, #tpu.memory_space<vmem>>, vector<16xf32>,
    tpu.vector_store %arg21[%swap3A_84], %broadcast_in_dim3A_1 {strides = array<i32>} : memref<640xf32, #tpu.memory_space<vmem>>, vector<16xf32>,
    %swap3A_86 = arith.constant 528 : index
    %swap3A_87 = tpu.vector_load %arg21[%swap3A_86] {strides = array<i32>} : memref<640xf32, #tpu.memory_space<vmem>>, vector<16xf32>,
    tpu.vector_store %arg21[%swap3A_86], %broadcast_in_dim3A_1 {strides = array<i32>} : memref<640xf32, #tpu.memory_space<vmem>>, vector<16xf32>,
    %swap3A_88 = arith.constant 544 : index
    %swap3A_89 = tpu.vector_load %arg21[%swap3A_88] {strides = array<i32>} : memref<640xf32, #tpu.memory_space<vmem>>, vector<16xf32>,
    tpu.vector_store %arg21[%swap3A_88], %broadcast_in_dim3A_1 {strides = array<i32>} : memref<640xf32, #tpu.memory_space<vmem>>, vector<16xf32>,
    %swap3A_90 = arith.constant 560 : index
    %swap3A_91 = tpu.vector_load %arg21[%swap3A_90] {strides = array<i32>} : memref<640xf32, #tpu.memory_space<vmem>>, vector<16xf32>,
    tpu.vector_store %arg21[%swap3A_90], %broadcast_in_dim3A_1 {strides = array<i32>} : memref<640xf32, #tpu.memory_space<vmem>>, vector<16xf32>,
    %swap3A_92 = arith.constant 576 : index
    %swap3A_93 = tpu.vector_load %arg21[%swap3A_92] {strides = array<i32>} : memref<640xf32, #tpu.memory_space<vmem>>, vector<16xf32>,
    tpu.vector_store %arg21[%swap3A_92], %broadcast_in_dim3A_1 {strides = array<i32>} : memref<640xf32, #tpu.memory_space<vmem>>, vector<16xf32>,
    %swap3A_94 = arith.constant 592 : index
    %swap3A_95 = tpu.vector_load %arg21[%swap3A_94] {strides = array<i32>} : memref<640xf32, #tpu.memory_space<vmem>>, vector<16xf32>,
    tpu.vector_store %arg21[%swap3A_94], %broadcast_in_dim3A_1 {strides = array<i32>} : memref<640xf32, #tpu.memory_space<vmem>>, vector<16xf32>,
    %swap3A_96 = arith.constant 608 : index
    %swap3A_97 = tpu.vector_load %arg21[%swap3A_96] {strides = array<i32>} : memref<640xf32, #tpu.memory_space<vmem>>, vector<16xf32>,
    tpu.vector_store %arg21[%swap3A_96], %broadcast_in_dim3A_1 {strides = array<i32>} : memref<640xf32, #tpu.memory_space<vmem>>, vector<16xf32>,
    %swap3A_98 = arith.constant 624 : index
    %swap3A_99 = tpu.vector_load %arg21[%swap3A_98] {strides = array<i32>} : memref<640xf32, #tpu.memory_space<vmem>>, vector<16xf32>,
    tpu.vector_store %arg21[%swap3A_98], %broadcast_in_dim3A_1 {strides = array<i32>} : memref<640xf32, #tpu.memory_space<vmem>>, vector<16xf32>,
    %mul3A_100 = arith.constant 640 : i32
    %mul3A_101 = arith.muli %arg1, %mul3A_100 : i32
    "tpu.region"() ({
      %run_scoped3A = tpu.sem_alloc : memref<!tpu.dma_semaphore, #tpu.memory_space<semaphore_mem>>
      %dma_start3A_225 = tpu.memref_slice %arg24[%mul3A_101] : memref<10240xf32, #tpu.memory_space<vmem_shared>> -> memref<640xf32, #tpu.memory_space<vmem_shared>>
      %dma_start3A_226 = tpu.memref_slice %arg24[%mul3A_101] : memref<10240xf32, #tpu.memory_space<vmem_shared>> -> memref<640xf32, #tpu.memory_space<vmem_shared>>
      tpu.enqueue_dma source(%arg21 : memref<640xf32, #tpu.memory_space<vmem>>) target(%dma_start3A_226 : memref<640xf32, #tpu.memory_space<vmem_shared>>) target_semaphore(%run_scoped3A : memref<!tpu.dma_semaphore, #tpu.memory_space<semaphore_mem>>)
      %dma_wait3A_227 = tpu.memref_slice %arg24[%mul3A_101] : memref<10240xf32, #tpu.memory_space<vmem_shared>> -> memref<640xf32, #tpu.memory_space<vmem_shared>>
      %dma_wait3A_228 = tpu.memref_slice %arg24[%mul3A_101] : memref<10240xf32, #tpu.memory_space<vmem_shared>> -> memref<640xf32, #tpu.memory_space<vmem_shared>>
      tpu.wait_dma2 semaphore(%run_scoped3A : memref<!tpu.dma_semaphore, #tpu.memory_space<semaphore_mem>>) src(%arg21 : memref<640xf32, #tpu.memory_space<vmem>>) dst(%dma_wait3A_228 : memref<640xf32, #tpu.memory_space<vmem_shared>>)
      tpu.yield
    }) : () -> ()
    %barrier3A = arith.constant 0 : index
    tpu.barrier barrier_id(%barrier3A)
    %dma_wait3A = tpu.memref_slice %arg5[%mul3A_5] : memref<320000xi32, #tpu.memory_space<hbm>> -> memref<10000xi32, #tpu.memory_space<hbm>>
    %dma_wait3A_102 = tpu.memref_slice %arg5[%mul3A_5] : memref<320000xi32, #tpu.memory_space<hbm>> -> memref<10000xi32, #tpu.memory_space<hbm>>
    tpu.wait_dma2 semaphore(%arg27 : memref<!tpu.dma_semaphore, #tpu.memory_space<semaphore_mem>>) src(%dma_wait3A_102 : memref<10000xi32, #tpu.memory_space<hbm>>) dst(%arg17 : memref<10000xi32, #tpu.memory_space<vmem>>)
    %dma_wait3A_103 = tpu.memref_slice %arg6[%mul3A_5] : memref<320000xi32, #tpu.memory_space<hbm>> -> memref<10000xi32, #tpu.memory_space<hbm>>
    %dma_wait3A_104 = tpu.memref_slice %arg6[%mul3A_5] : memref<320000xi32, #tpu.memory_space<hbm>> -> memref<10000xi32, #tpu.memory_space<hbm>>
    tpu.wait_dma2 semaphore(%arg26 : memref<!tpu.dma_semaphore, #tpu.memory_space<semaphore_mem>>) src(%dma_wait3A_104 : memref<10000xi32, #tpu.memory_space<hbm>>) dst(%arg18 : memref<10000xi32, #tpu.memory_space<vmem>>)
    %dma_start3A_105 = arith.constant 0 : i32
    %dma_start3A_106 = tpu.memref_slice %arg17[%dma_start3A_105] : memref<10000xi32, #tpu.memory_space<vmem>> -> memref<80xi32, #tpu.memory_space<vmem>>
    %dma_start3A_107 = arith.constant 0 : i32
    %dma_start3A_108 = arith.constant 0 : i32
    %dma_start3A_109 = tpu.memref_slice %arg2[%dma_start3A_107, %dma_start3A_108] : memref<10000x128xf32, #tpu.memory_space<hbm>> -> memref<10000x128xf32, #tpu.memory_space<hbm>>
    tpu.enqueue_indirect_dma source(%dma_start3A_109 : memref<10000x128xf32, #tpu.memory_space<hbm>>) target(%arg13 : memref<80x128xf32, #tpu.memory_space<vmem>>) offsets(%dma_start3A_106 : memref<80xi32, #tpu.memory_space<vmem>>) semaphore(%arg25 : memref<!tpu.dma_semaphore, #tpu.memory_space<semaphore_mem>>)
    %dma_start3A_110 = arith.constant 0 : i32
    %dma_start3A_111 = tpu.memref_slice %arg18[%dma_start3A_110] : memref<10000xi32, #tpu.memory_space<vmem>> -> memref<80xi32, #tpu.memory_space<vmem>>
    %dma_start3A_112 = arith.constant 0 : i32
    %dma_start3A_113 = arith.constant 0 : i32
    %dma_start3A_114 = tpu.memref_slice %arg3[%dma_start3A_112, %dma_start3A_113] : memref<10000x128xf32, #tpu.memory_space<hbm>> -> memref<10000x128xf32, #tpu.memory_space<hbm>>
    tpu.enqueue_indirect_dma source(%dma_start3A_114 : memref<10000x128xf32, #tpu.memory_space<hbm>>) target(%arg15 : memref<80x128xf32, #tpu.memory_space<vmem>>) offsets(%dma_start3A_111 : memref<80xi32, #tpu.memory_space<vmem>>) semaphore(%arg27 : memref<!tpu.dma_semaphore, #tpu.memory_space<semaphore_mem>>)
    %dma_start3A_115 = arith.constant 80 : i32
    %dma_start3A_116 = tpu.memref_slice %arg17[%dma_start3A_115] : memref<10000xi32, #tpu.memory_space<vmem>> -> memref<80xi32, #tpu.memory_space<vmem>>
    %dma_start3A_117 = arith.constant 0 : i32
    %dma_start3A_118 = arith.constant 0 : i32
    %dma_start3A_119 = tpu.memref_slice %arg2[%dma_start3A_117, %dma_start3A_118] : memref<10000x128xf32, #tpu.memory_space<hbm>> -> memref<10000x128xf32, #tpu.memory_space<hbm>>
    tpu.enqueue_indirect_dma source(%dma_start3A_119 : memref<10000x128xf32, #tpu.memory_space<hbm>>) target(%arg14 : memref<80x128xf32, #tpu.memory_space<vmem>>) offsets(%dma_start3A_116 : memref<80xi32, #tpu.memory_space<vmem>>) semaphore(%arg26 : memref<!tpu.dma_semaphore, #tpu.memory_space<semaphore_mem>>)
    %dma_start3A_120 = arith.constant 80 : i32
    %dma_start3A_121 = tpu.memref_slice %arg18[%dma_start3A_120] : memref<10000xi32, #tpu.memory_space<vmem>> -> memref<80xi32, #tpu.memory_space<vmem>>
    %dma_start3A_122 = arith.constant 0 : i32
    %dma_start3A_123 = arith.constant 0 : i32
    %dma_start3A_124 = tpu.memref_slice %arg3[%dma_start3A_122, %dma_start3A_123] : memref<10000x128xf32, #tpu.memory_space<hbm>> -> memref<10000x128xf32, #tpu.memory_space<hbm>>
    tpu.enqueue_indirect_dma source(%dma_start3A_124 : memref<10000x128xf32, #tpu.memory_space<hbm>>) target(%arg16 : memref<80x128xf32, #tpu.memory_space<vmem>>) offsets(%dma_start3A_121 : memref<80xi32, #tpu.memory_space<vmem>>) semaphore(%arg28 : memref<!tpu.dma_semaphore, #tpu.memory_space<semaphore_mem>>)
    %dma_wait3A_125 = arith.constant 0 : i32
    %dma_wait3A_126 = tpu.memref_slice %arg7[%mul3A_10, %dma_wait3A_125] : memref<2560x128xi32, #tpu.memory_space<hbm>> -> memref<160x128xi32, #tpu.memory_space<hbm>>
    %dma_wait3A_127 = arith.constant 0 : i32
    %dma_wait3A_128 = tpu.memref_slice %arg7[%mul3A_10, %dma_wait3A_127] : memref<2560x128xi32, #tpu.memory_space<hbm>> -> memref<160x128xi32, #tpu.memory_space<hbm>>
    tpu.wait_dma2 semaphore(%arg28 : memref<!tpu.dma_semaphore, #tpu.memory_space<semaphore_mem>>) src(%dma_wait3A_128 : memref<160x128xi32, #tpu.memory_space<hbm>>) dst(%arg20 : memref<160x128xi32, #tpu.memory_space<vmem>>)
    %dma_wait3A_129 = arith.constant 0 : i32
    %dma_wait3A_130 = tpu.memref_slice %arg8[%mul3A_16, %dma_wait3A_129] : memref<2560x128xf32, #tpu.memory_space<hbm>> -> memref<160x128xf32, #tpu.memory_space<hbm>>
    %dma_wait3A_131 = arith.constant 0 : i32
    %dma_wait3A_132 = tpu.memref_slice %arg8[%mul3A_16, %dma_wait3A_131] : memref<2560x128xf32, #tpu.memory_space<hbm>> -> memref<160x128xf32, #tpu.memory_space<hbm>>
    tpu.wait_dma2 semaphore(%arg28 : memref<!tpu.dma_semaphore, #tpu.memory_space<semaphore_mem>>) src(%dma_wait3A_132 : memref<160x128xf32, #tpu.memory_space<hbm>>) dst(%arg19 : memref<160x128xf32, #tpu.memory_space<vmem>>)
    tpu.wait_dma2 semaphore(%arg25 : memref<!tpu.dma_semaphore, #tpu.memory_space<semaphore_mem>>) src(%arg4 : memref<10000xf32, #tpu.memory_space<hbm>>) dst(%arg12 : memref<10000xf32, #tpu.memory_space<vmem>>)
    %while3A = arith.constant 0 : i32
    %while3A_133 = arith.constant 62 : i32
    %while3A_134 = arith.subi %while3A_133, %while3A : i32
    %while3A_135 = arith.addi %while3A, %while3A_134 : i32
    %while3A_136 = arith.constant 1 : i32
    %while3A_137 = arith.divsi %while3A_134, %while3A_136 : i32
    %while3A_138 = arith.muli %while3A_137, %while3A_136 : i32
    %while3A_139 = arith.addi %while3A, %while3A_138 : i32
    %while3A_140 = arith.constant 1 : i32
    %while3A_141:9 = scf.for %while3A_225 = %while3A to %while3A_139 step %while3A_140 iter_args(%while3A_226 = %broadcast_in_dim3A_1, %while3A_227 = %broadcast_in_dim3A_1, %while3A_228 = %broadcast_in_dim3A_1, %while3A_229 = %broadcast_in_dim3A_1, %while3A_230 = %broadcast_in_dim3A_1, %while3A_231 = %broadcast_in_dim3A_1, %while3A_232 = %broadcast_in_dim3A_1, %while3A_233 = %broadcast_in_dim3A_1, %while3A_234 = %broadcast_in_dim3A_1) -> (vector<16xf32>, vector<16xf32>, vector<16xf32>, vector<16xf32>, vector<16xf32>, vector<16xf32>, vector<16xf32>, vector<16xf32>, vector<16xf32>)  : i32 {
      %mul3A_235 = arith.constant 2 : i32
      %mul3A_236 = arith.muli %while3A_225, %mul3A_235 : i32
      %dma_wait3A_237 = arith.constant 0 : i32
      %dma_wait3A_238 = tpu.memref_slice %arg17[%dma_wait3A_237] : memref<10000xi32, #tpu.memory_space<vmem>> -> memref<80xi32, #tpu.memory_space<vmem>>
      %dma_wait3A_239 = arith.constant 0 : i32
      %dma_wait3A_240 = arith.constant 0 : i32
      %dma_wait3A_241 = tpu.memref_slice %arg2[%dma_wait3A_239, %dma_wait3A_240] : memref<10000x128xf32, #tpu.memory_space<hbm>> -> memref<10000x128xf32, #tpu.memory_space<hbm>>
      tpu.wait_indirect_dma semaphore(%arg25 : memref<!tpu.dma_semaphore, #tpu.memory_space<semaphore_mem>>) src(%dma_wait3A_241 : memref<10000x128xf32, #tpu.memory_space<hbm>>) dst(%arg13 : memref<80x128xf32, #tpu.memory_space<vmem>>)
      %dma_wait3A_242 = arith.constant 0 : i32
      %dma_wait3A_243 = tpu.memref_slice %arg18[%dma_wait3A_242] : memref<10000xi32, #tpu.memory_space<vmem>> -> memref<80xi32, #tpu.memory_space<vmem>>
      %dma_wait3A_244 = arith.constant 0 : i32
      %dma_wait3A_245 = arith.constant 0 : i32
      %dma_wait3A_246 = tpu.memref_slice %arg3[%dma_wait3A_244, %dma_wait3A_245] : memref<10000x128xf32, #tpu.memory_space<hbm>> -> memref<10000x128xf32, #tpu.memory_space<hbm>>
      tpu.wait_indirect_dma semaphore(%arg27 : memref<!tpu.dma_semaphore, #tpu.memory_space<semaphore_mem>>) src(%dma_wait3A_246 : memref<10000x128xf32, #tpu.memory_space<hbm>>) dst(%arg15 : memref<80x128xf32, #tpu.memory_space<vmem>>)
      %add3A_247 = arith.constant 2 : i32
      %add3A_248 = arith.addi %mul3A_236, %add3A_247 : i32
      %mul3A_249 = arith.constant 80 : i32
      %mul3A_250 = arith.muli %add3A_248, %mul3A_249 : i32
      %dma_start3A_251 = tpu.memref_slice %arg17[%mul3A_250] : memref<10000xi32, #tpu.memory_space<vmem>> -> memref<80xi32, #tpu.memory_space<vmem>>
      %dma_start3A_252 = arith.constant 0 : i32
      %dma_start3A_253 = arith.constant 0 : i32
      %dma_start3A_254 = tpu.memref_slice %arg2[%dma_start3A_252, %dma_start3A_253] : memref<10000x128xf32, #tpu.memory_space<hbm>> -> memref<10000x128xf32, #tpu.memory_space<hbm>>
      tpu.enqueue_indirect_dma source(%dma_start3A_254 : memref<10000x128xf32, #tpu.memory_space<hbm>>) target(%arg13 : memref<80x128xf32, #tpu.memory_space<vmem>>) offsets(%dma_start3A_251 : memref<80xi32, #tpu.memory_space<vmem>>) semaphore(%arg25 : memref<!tpu.dma_semaphore, #tpu.memory_space<semaphore_mem>>)
      %dma_start3A_255 = tpu.memref_slice %arg18[%mul3A_250] : memref<10000xi32, #tpu.memory_space<vmem>> -> memref<80xi32, #tpu.memory_space<vmem>>
      %dma_start3A_256 = arith.constant 0 : i32
      %dma_start3A_257 = arith.constant 0 : i32
      %dma_start3A_258 = tpu.memref_slice %arg3[%dma_start3A_256, %dma_start3A_257] : memref<10000x128xf32, #tpu.memory_space<hbm>> -> memref<10000x128xf32, #tpu.memory_space<hbm>>
      tpu.enqueue_indirect_dma source(%dma_start3A_258 : memref<10000x128xf32, #tpu.memory_space<hbm>>) target(%arg15 : memref<80x128xf32, #tpu.memory_space<vmem>>) offsets(%dma_start3A_255 : memref<80xi32, #tpu.memory_space<vmem>>) semaphore(%arg27 : memref<!tpu.dma_semaphore, #tpu.memory_space<semaphore_mem>>)
      %le3A = arith.constant 39 : i32
      %le3A_259 = arith.cmpi sle, %while3A_225, %le3A : i32
      %convert_element_type3A = arith.extui %le3A_259 : i1 to i32
      %cond3A = arith.constant 0 : i32
      %cond3A_260 = arith.cmpi ne, %convert_element_type3A, %cond3A : i32
      scf.if %cond3A_260 {
        %mul3A_371 = arith.constant 4 : i32
        %mul3A_372 = arith.muli %while3A_225, %mul3A_371 : i32
        %add3A_373 = arith.constant 0 : i32
        %add3A_374 = arith.addi %mul3A_372, %add3A_373 : i32
        %dma_start3A_375 = arith.constant 0 : i32
        %dma_start3A_376 = tpu.memref_slice %arg19[%add3A_374, %dma_start3A_375] : memref<160x128xf32, #tpu.memory_space<vmem>> -> memref<1x128xf32, #tpu.memory_space<vmem>>
        %dma_start3A_377 = tpu.memref_squeeze %dma_start3A_376 : memref<1x128xf32, #tpu.memory_space<vmem>> -> memref<128xf32, #tpu.memory_space<vmem>>
        %dma_start3A_378 = arith.constant 0 : i32
        %dma_start3A_379 = tpu.memref_slice %arg20[%add3A_374, %dma_start3A_378] : memref<160x128xi32, #tpu.memory_space<vmem>> -> memref<1x128xi32, #tpu.memory_space<vmem>>
        %dma_start3A_380 = tpu.memref_squeeze %dma_start3A_379 : memref<1x128xi32, #tpu.memory_space<vmem>> -> memref<128xi32, #tpu.memory_space<vmem>>
        %dma_start3A_381 = arith.constant 0 : i32
        %dma_start3A_382 = tpu.memref_slice %arg24[%dma_start3A_381] : memref<10240xf32, #tpu.memory_space<vmem_shared>> -> memref<10240xf32, #tpu.memory_space<vmem_shared>>
        tpu.enqueue_indirect_dma source(%dma_start3A_377 : memref<128xf32, #tpu.memory_space<vmem>>) target(%dma_start3A_382 : memref<10240xf32, #tpu.memory_space<vmem_shared>>) offsets(%dma_start3A_380 : memref<128xi32, #tpu.memory_space<vmem>>) semaphore(%arg29 : memref<!tpu.dma_semaphore, #tpu.memory_space<semaphore_mem>>) {add = true}
        %mul3A_383 = arith.constant 4 : i32
        %mul3A_384 = arith.muli %while3A_225, %mul3A_383 : i32
        %add3A_385 = arith.constant 1 : i32
        %add3A_386 = arith.addi %mul3A_384, %add3A_385 : i32
        %dma_start3A_387 = arith.constant 0 : i32
        %dma_start3A_388 = tpu.memref_slice %arg19[%add3A_386, %dma_start3A_387] : memref<160x128xf32, #tpu.memory_space<vmem>> -> memref<1x128xf32, #tpu.memory_space<vmem>>
        %dma_start3A_389 = tpu.memref_squeeze %dma_start3A_388 : memref<1x128xf32, #tpu.memory_space<vmem>> -> memref<128xf32, #tpu.memory_space<vmem>>
        %dma_start3A_390 = arith.constant 0 : i32
        %dma_start3A_391 = tpu.memref_slice %arg20[%add3A_386, %dma_start3A_390] : memref<160x128xi32, #tpu.memory_space<vmem>> -> memref<1x128xi32, #tpu.memory_space<vmem>>
        %dma_start3A_392 = tpu.memref_squeeze %dma_start3A_391 : memref<1x128xi32, #tpu.memory_space<vmem>> -> memref<128xi32, #tpu.memory_space<vmem>>
        %dma_start3A_393 = arith.constant 0 : i32
        %dma_start3A_394 = tpu.memref_slice %arg24[%dma_start3A_393] : memref<10240xf32, #tpu.memory_space<vmem_shared>> -> memref<10240xf32, #tpu.memory_space<vmem_shared>>
        tpu.enqueue_indirect_dma source(%dma_start3A_389 : memref<128xf32, #tpu.memory_space<vmem>>) target(%dma_start3A_394 : memref<10240xf32, #tpu.memory_space<vmem_shared>>) offsets(%dma_start3A_392 : memref<128xi32, #tpu.memory_space<vmem>>) semaphore(%arg29 : memref<!tpu.dma_semaphore, #tpu.memory_space<semaphore_mem>>) {add = true}
        %mul3A_395 = arith.constant 4 : i32
        %mul3A_396 = arith.muli %while3A_225, %mul3A_395 : i32
        %add3A_397 = arith.constant 2 : i32
        %add3A_398 = arith.addi %mul3A_396, %add3A_397 : i32
        %dma_start3A_399 = arith.constant 0 : i32
        %dma_start3A_400 = tpu.memref_slice %arg19[%add3A_398, %dma_start3A_399] : memref<160x128xf32, #tpu.memory_space<vmem>> -> memref<1x128xf32, #tpu.memory_space<vmem>>
        %dma_start3A_401 = tpu.memref_squeeze %dma_start3A_400 : memref<1x128xf32, #tpu.memory_space<vmem>> -> memref<128xf32, #tpu.memory_space<vmem>>
        %dma_start3A_402 = arith.constant 0 : i32
        %dma_start3A_403 = tpu.memref_slice %arg20[%add3A_398, %dma_start3A_402] : memref<160x128xi32, #tpu.memory_space<vmem>> -> memref<1x128xi32, #tpu.memory_space<vmem>>
        %dma_start3A_404 = tpu.memref_squeeze %dma_start3A_403 : memref<1x128xi32, #tpu.memory_space<vmem>> -> memref<128xi32, #tpu.memory_space<vmem>>
        %dma_start3A_405 = arith.constant 0 : i32
        %dma_start3A_406 = tpu.memref_slice %arg24[%dma_start3A_405] : memref<10240xf32, #tpu.memory_space<vmem_shared>> -> memref<10240xf32, #tpu.memory_space<vmem_shared>>
        tpu.enqueue_indirect_dma source(%dma_start3A_401 : memref<128xf32, #tpu.memory_space<vmem>>) target(%dma_start3A_406 : memref<10240xf32, #tpu.memory_space<vmem_shared>>) offsets(%dma_start3A_404 : memref<128xi32, #tpu.memory_space<vmem>>) semaphore(%arg29 : memref<!tpu.dma_semaphore, #tpu.memory_space<semaphore_mem>>) {add = true}
        %mul3A_407 = arith.constant 4 : i32
        %mul3A_408 = arith.muli %while3A_225, %mul3A_407 : i32
        %add3A_409 = arith.constant 3 : i32
        %add3A_410 = arith.addi %mul3A_408, %add3A_409 : i32
        %dma_start3A_411 = arith.constant 0 : i32
        %dma_start3A_412 = tpu.memref_slice %arg19[%add3A_410, %dma_start3A_411] : memref<160x128xf32, #tpu.memory_space<vmem>> -> memref<1x128xf32, #tpu.memory_space<vmem>>
        %dma_start3A_413 = tpu.memref_squeeze %dma_start3A_412 : memref<1x128xf32, #tpu.memory_space<vmem>> -> memref<128xf32, #tpu.memory_space<vmem>>
        %dma_start3A_414 = arith.constant 0 : i32
        %dma_start3A_415 = tpu.memref_slice %arg20[%add3A_410, %dma_start3A_414] : memref<160x128xi32, #tpu.memory_space<vmem>> -> memref<1x128xi32, #tpu.memory_space<vmem>>
        %dma_start3A_416 = tpu.memref_squeeze %dma_start3A_415 : memref<1x128xi32, #tpu.memory_space<vmem>> -> memref<128xi32, #tpu.memory_space<vmem>>
        %dma_start3A_417 = arith.constant 0 : i32
        %dma_start3A_418 = tpu.memref_slice %arg24[%dma_start3A_417] : memref<10240xf32, #tpu.memory_space<vmem_shared>> -> memref<10240xf32, #tpu.memory_space<vmem_shared>>
        tpu.enqueue_indirect_dma source(%dma_start3A_413 : memref<128xf32, #tpu.memory_space<vmem>>) target(%dma_start3A_418 : memref<10240xf32, #tpu.memory_space<vmem_shared>>) offsets(%dma_start3A_416 : memref<128xi32, #tpu.memory_space<vmem>>) semaphore(%arg29 : memref<!tpu.dma_semaphore, #tpu.memory_space<semaphore_mem>>) {add = true}
      } else {
      }
      %mul3A_261 = arith.constant 80 : i32
      %mul3A_262 = arith.muli %mul3A_236, %mul3A_261 : i32
      %add3A_263 = arith.constant 0 : i32
      %add3A_264 = arith.addi %mul3A_262, %add3A_263 : i32
      %get3A_265 = arith.index_cast %add3A_264 : i32 to index
      %get3A_266 = tpu.vector_load %arg17[%get3A_265] {strides = array<i32>} : memref<10000xi32, #tpu.memory_space<vmem>>, vector<16xi32>,
      %gather3A_267 = tpu.vector_load_idx %arg12[%get3A_266] : memref<10000xf32, #tpu.memory_space<vmem>>[vector<16xi32>], vector<16xf32>,
      %add3A_268 = arith.addf %while3A_234, %gather3A_267 : vector<16xf32>
      %add3A_269 = arith.constant 16 : i32
      %add3A_270 = arith.addi %mul3A_262, %add3A_269 : i32
      %get3A_271 = arith.index_cast %add3A_270 : i32 to index
      %get3A_272 = tpu.vector_load %arg17[%get3A_271] {strides = array<i32>} : memref<10000xi32, #tpu.memory_space<vmem>>, vector<16xi32>,
      %gather3A_273 = tpu.vector_load_idx %arg12[%get3A_272] : memref<10000xf32, #tpu.memory_space<vmem>>[vector<16xi32>], vector<16xf32>,
      %add3A_274 = arith.addf %add3A_268, %gather3A_273 : vector<16xf32>
      %add3A_275 = arith.constant 32 : i32
      %add3A_276 = arith.addi %mul3A_262, %add3A_275 : i32
      %get3A_277 = arith.index_cast %add3A_276 : i32 to index
      %get3A_278 = tpu.vector_load %arg17[%get3A_277] {strides = array<i32>} : memref<10000xi32, #tpu.memory_space<vmem>>, vector<16xi32>,
      %gather3A_279 = tpu.vector_load_idx %arg12[%get3A_278] : memref<10000xf32, #tpu.memory_space<vmem>>[vector<16xi32>], vector<16xf32>,
      %add3A_280 = arith.addf %add3A_274, %gather3A_279 : vector<16xf32>
      %add3A_281 = arith.constant 48 : i32
      %add3A_282 = arith.addi %mul3A_262, %add3A_281 : i32
      %get3A_283 = arith.index_cast %add3A_282 : i32 to index
      %get3A_284 = tpu.vector_load %arg17[%get3A_283] {strides = array<i32>} : memref<10000xi32, #tpu.memory_space<vmem>>, vector<16xi32>,
      %gather3A_285 = tpu.vector_load_idx %arg12[%get3A_284] : memref<10000xf32, #tpu.memory_space<vmem>>[vector<16xi32>], vector<16xf32>,
      %add3A_286 = arith.addf %add3A_280, %gather3A_285 : vector<16xf32>
      %add3A_287 = arith.constant 64 : i32
      %add3A_288 = arith.addi %mul3A_262, %add3A_287 : i32
      %get3A_289 = arith.index_cast %add3A_288 : i32 to index
      %get3A_290 = tpu.vector_load %arg17[%get3A_289] {strides = array<i32>} : memref<10000xi32, #tpu.memory_space<vmem>>, vector<16xi32>,
      %gather3A_291 = tpu.vector_load_idx %arg12[%get3A_290] : memref<10000xf32, #tpu.memory_space<vmem>>[vector<16xi32>], vector<16xf32>,
      %add3A_292 = arith.addf %add3A_286, %gather3A_291 : vector<16xf32>
      %while3A_293 = arith.constant 0 : i32
      %while3A_294 = arith.constant 40 : i32
      %while3A_295 = arith.subi %while3A_294, %while3A_293 : i32
      %while3A_296 = arith.addi %while3A_293, %while3A_295 : i32
      %while3A_297 = arith.constant 1 : i32
      %while3A_298 = arith.divsi %while3A_295, %while3A_297 : i32
      %while3A_299 = arith.muli %while3A_298, %while3A_297 : i32
      %while3A_300 = arith.addi %while3A_293, %while3A_299 : i32
      %while3A_301 = arith.constant 1 : i32
      %while3A_302:8 = scf.for %while3A_371 = %while3A_293 to %while3A_300 step %while3A_301 iter_args(%while3A_372 = %while3A_226, %while3A_373 = %while3A_227, %while3A_374 = %while3A_228, %while3A_375 = %while3A_229, %while3A_376 = %while3A_230, %while3A_377 = %while3A_231, %while3A_378 = %while3A_232, %while3A_379 = %while3A_233) -> (vector<16xf32>, vector<16xf32>, vector<16xf32>, vector<16xf32>, vector<16xf32>, vector<16xf32>, vector<16xf32>, vector<16xf32>)  : i32 {
        %mul3A_380 = arith.constant 2 : i32
        %mul3A_381 = arith.muli %while3A_371, %mul3A_380 : i32
        %add3A_382 = arith.constant 0 : i32
        %add3A_383 = arith.addi %mul3A_381, %add3A_382 : i32
        %get3A_384 = arith.index_cast %add3A_383 : i32 to index
        %get3A_385 = arith.constant 0 : index
        %get3A_386 = tpu.vector_load %arg13[%get3A_384, %get3A_385] {strides = array<i32>} : memref<80x128xf32, #tpu.memory_space<vmem>>, vector<16xf32>,
        %get3A_387 = arith.index_cast %add3A_383 : i32 to index
        %get3A_388 = arith.constant 0 : index
        %get3A_389 = tpu.vector_load %arg15[%get3A_387, %get3A_388] {strides = array<i32>} : memref<80x128xf32, #tpu.memory_space<vmem>>, vector<16xf32>,
        %mul3A_390 = arith.mulf %get3A_386, %get3A_389 : vector<16xf32>
        %add3A_391 = arith.addf %while3A_372, %mul3A_390 : vector<16xf32>
        %get3A_392 = arith.index_cast %add3A_383 : i32 to index
        %get3A_393 = arith.constant 16 : index
        %get3A_394 = tpu.vector_load %arg13[%get3A_392, %get3A_393] {strides = array<i32>} : memref<80x128xf32, #tpu.memory_space<vmem>>, vector<16xf32>,
        %get3A_395 = arith.index_cast %add3A_383 : i32 to index
        %get3A_396 = arith.constant 16 : index
        %get3A_397 = tpu.vector_load %arg15[%get3A_395, %get3A_396] {strides = array<i32>} : memref<80x128xf32, #tpu.memory_space<vmem>>, vector<16xf32>,
        %mul3A_398 = arith.mulf %get3A_394, %get3A_397 : vector<16xf32>
        %add3A_399 = arith.addf %while3A_373, %mul3A_398 : vector<16xf32>
        %get3A_400 = arith.index_cast %add3A_383 : i32 to index
        %get3A_401 = arith.constant 32 : index
        %get3A_402 = tpu.vector_load %arg13[%get3A_400, %get3A_401] {strides = array<i32>} : memref<80x128xf32, #tpu.memory_space<vmem>>, vector<16xf32>,
        %get3A_403 = arith.index_cast %add3A_383 : i32 to index
        %get3A_404 = arith.constant 32 : index
        %get3A_405 = tpu.vector_load %arg15[%get3A_403, %get3A_404] {strides = array<i32>} : memref<80x128xf32, #tpu.memory_space<vmem>>, vector<16xf32>,
        %mul3A_406 = arith.mulf %get3A_402, %get3A_405 : vector<16xf32>
        %add3A_407 = arith.addf %while3A_374, %mul3A_406 : vector<16xf32>
        %get3A_408 = arith.index_cast %add3A_383 : i32 to index
        %get3A_409 = arith.constant 48 : index
        %get3A_410 = tpu.vector_load %arg13[%get3A_408, %get3A_409] {strides = array<i32>} : memref<80x128xf32, #tpu.memory_space<vmem>>, vector<16xf32>,
        %get3A_411 = arith.index_cast %add3A_383 : i32 to index
        %get3A_412 = arith.constant 48 : index
        %get3A_413 = tpu.vector_load %arg15[%get3A_411, %get3A_412] {strides = array<i32>} : memref<80x128xf32, #tpu.memory_space<vmem>>, vector<16xf32>,
        %mul3A_414 = arith.mulf %get3A_410, %get3A_413 : vector<16xf32>
        %add3A_415 = arith.addf %while3A_375, %mul3A_414 : vector<16xf32>
        %get3A_416 = arith.index_cast %add3A_383 : i32 to index
        %get3A_417 = arith.constant 64 : index
        %get3A_418 = tpu.vector_load %arg13[%get3A_416, %get3A_417] {strides = array<i32>} : memref<80x128xf32, #tpu.memory_space<vmem>>, vector<16xf32>,
        %get3A_419 = arith.index_cast %add3A_383 : i32 to index
        %get3A_420 = arith.constant 64 : index
        %get3A_421 = tpu.vector_load %arg15[%get3A_419, %get3A_420] {strides = array<i32>} : memref<80x128xf32, #tpu.memory_space<vmem>>, vector<16xf32>,
        %mul3A_422 = arith.mulf %get3A_418, %get3A_421 : vector<16xf32>
        %add3A_423 = arith.addf %while3A_376, %mul3A_422 : vector<16xf32>
        %get3A_424 = arith.index_cast %add3A_383 : i32 to index
        %get3A_425 = arith.constant 80 : index
        %get3A_426 = tpu.vector_load %arg13[%get3A_424, %get3A_425] {strides = array<i32>} : memref<80x128xf32, #tpu.memory_space<vmem>>, vector<16xf32>,
        %get3A_427 = arith.index_cast %add3A_383 : i32 to index
        %get3A_428 = arith.constant 80 : index
        %get3A_429 = tpu.vector_load %arg15[%get3A_427, %get3A_428] {strides = array<i32>} : memref<80x128xf32, #tpu.memory_space<vmem>>, vector<16xf32>,
        %mul3A_430 = arith.mulf %get3A_426, %get3A_429 : vector<16xf32>
        %add3A_431 = arith.addf %while3A_377, %mul3A_430 : vector<16xf32>
        %get3A_432 = arith.index_cast %add3A_383 : i32 to index
        %get3A_433 = arith.constant 96 : index
        %get3A_434 = tpu.vector_load %arg13[%get3A_432, %get3A_433] {strides = array<i32>} : memref<80x128xf32, #tpu.memory_space<vmem>>, vector<16xf32>,
        %get3A_435 = arith.index_cast %add3A_383 : i32 to index
        %get3A_436 = arith.constant 96 : index
        %get3A_437 = tpu.vector_load %arg15[%get3A_435, %get3A_436] {strides = array<i32>} : memref<80x128xf32, #tpu.memory_space<vmem>>, vector<16xf32>,
        %mul3A_438 = arith.mulf %get3A_434, %get3A_437 : vector<16xf32>
        %add3A_439 = arith.addf %while3A_378, %mul3A_438 : vector<16xf32>
        %get3A_440 = arith.index_cast %add3A_383 : i32 to index
        %get3A_441 = arith.constant 112 : index
        %get3A_442 = tpu.vector_load %arg13[%get3A_440, %get3A_441] {strides = array<i32>} : memref<80x128xf32, #tpu.memory_space<vmem>>, vector<16xf32>,
        %get3A_443 = arith.index_cast %add3A_383 : i32 to index
        %get3A_444 = arith.constant 112 : index
        %get3A_445 = tpu.vector_load %arg15[%get3A_443, %get3A_444] {strides = array<i32>} : memref<80x128xf32, #tpu.memory_space<vmem>>, vector<16xf32>,
        %mul3A_446 = arith.mulf %get3A_442, %get3A_445 : vector<16xf32>
        %add3A_447 = arith.addf %while3A_379, %mul3A_446 : vector<16xf32>
        %mul3A_448 = arith.constant 2 : i32
        %mul3A_449 = arith.muli %while3A_371, %mul3A_448 : i32
        %add3A_450 = arith.constant 1 : i32
        %add3A_451 = arith.addi %mul3A_449, %add3A_450 : i32
        %get3A_452 = arith.index_cast %add3A_451 : i32 to index
        %get3A_453 = arith.constant 0 : index
        %get3A_454 = tpu.vector_load %arg13[%get3A_452, %get3A_453] {strides = array<i32>} : memref<80x128xf32, #tpu.memory_space<vmem>>, vector<16xf32>,
        %get3A_455 = arith.index_cast %add3A_451 : i32 to index
        %get3A_456 = arith.constant 0 : index
        %get3A_457 = tpu.vector_load %arg15[%get3A_455, %get3A_456] {strides = array<i32>} : memref<80x128xf32, #tpu.memory_space<vmem>>, vector<16xf32>,
        %mul3A_458 = arith.mulf %get3A_454, %get3A_457 : vector<16xf32>
        %add3A_459 = arith.addf %add3A_391, %mul3A_458 : vector<16xf32>
        %get3A_460 = arith.index_cast %add3A_451 : i32 to index
        %get3A_461 = arith.constant 16 : index
        %get3A_462 = tpu.vector_load %arg13[%get3A_460, %get3A_461] {strides = array<i32>} : memref<80x128xf32, #tpu.memory_space<vmem>>, vector<16xf32>,
        %get3A_463 = arith.index_cast %add3A_451 : i32 to index
        %get3A_464 = arith.constant 16 : index
        %get3A_465 = tpu.vector_load %arg15[%get3A_463, %get3A_464] {strides = array<i32>} : memref<80x128xf32, #tpu.memory_space<vmem>>, vector<16xf32>,
        %mul3A_466 = arith.mulf %get3A_462, %get3A_465 : vector<16xf32>
        %add3A_467 = arith.addf %add3A_399, %mul3A_466 : vector<16xf32>
        %get3A_468 = arith.index_cast %add3A_451 : i32 to index
        %get3A_469 = arith.constant 32 : index
        %get3A_470 = tpu.vector_load %arg13[%get3A_468, %get3A_469] {strides = array<i32>} : memref<80x128xf32, #tpu.memory_space<vmem>>, vector<16xf32>,
        %get3A_471 = arith.index_cast %add3A_451 : i32 to index
        %get3A_472 = arith.constant 32 : index
        %get3A_473 = tpu.vector_load %arg15[%get3A_471, %get3A_472] {strides = array<i32>} : memref<80x128xf32, #tpu.memory_space<vmem>>, vector<16xf32>,
        %mul3A_474 = arith.mulf %get3A_470, %get3A_473 : vector<16xf32>
        %add3A_475 = arith.addf %add3A_407, %mul3A_474 : vector<16xf32>
        %get3A_476 = arith.index_cast %add3A_451 : i32 to index
        %get3A_477 = arith.constant 48 : index
        %get3A_478 = tpu.vector_load %arg13[%get3A_476, %get3A_477] {strides = array<i32>} : memref<80x128xf32, #tpu.memory_space<vmem>>, vector<16xf32>,
        %get3A_479 = arith.index_cast %add3A_451 : i32 to index
        %get3A_480 = arith.constant 48 : index
        %get3A_481 = tpu.vector_load %arg15[%get3A_479, %get3A_480] {strides = array<i32>} : memref<80x128xf32, #tpu.memory_space<vmem>>, vector<16xf32>,
        %mul3A_482 = arith.mulf %get3A_478, %get3A_481 : vector<16xf32>
        %add3A_483 = arith.addf %add3A_415, %mul3A_482 : vector<16xf32>
        %get3A_484 = arith.index_cast %add3A_451 : i32 to index
        %get3A_485 = arith.constant 64 : index
        %get3A_486 = tpu.vector_load %arg13[%get3A_484, %get3A_485] {strides = array<i32>} : memref<80x128xf32, #tpu.memory_space<vmem>>, vector<16xf32>,
        %get3A_487 = arith.index_cast %add3A_451 : i32 to index
        %get3A_488 = arith.constant 64 : index
        %get3A_489 = tpu.vector_load %arg15[%get3A_487, %get3A_488] {strides = array<i32>} : memref<80x128xf32, #tpu.memory_space<vmem>>, vector<16xf32>,
        %mul3A_490 = arith.mulf %get3A_486, %get3A_489 : vector<16xf32>
        %add3A_491 = arith.addf %add3A_423, %mul3A_490 : vector<16xf32>
        %get3A_492 = arith.index_cast %add3A_451 : i32 to index
        %get3A_493 = arith.constant 80 : index
        %get3A_494 = tpu.vector_load %arg13[%get3A_492, %get3A_493] {strides = array<i32>} : memref<80x128xf32, #tpu.memory_space<vmem>>, vector<16xf32>,
        %get3A_495 = arith.index_cast %add3A_451 : i32 to index
        %get3A_496 = arith.constant 80 : index
        %get3A_497 = tpu.vector_load %arg15[%get3A_495, %get3A_496] {strides = array<i32>} : memref<80x128xf32, #tpu.memory_space<vmem>>, vector<16xf32>,
        %mul3A_498 = arith.mulf %get3A_494, %get3A_497 : vector<16xf32>
        %add3A_499 = arith.addf %add3A_431, %mul3A_498 : vector<16xf32>
        %get3A_500 = arith.index_cast %add3A_451 : i32 to index
        %get3A_501 = arith.constant 96 : index
        %get3A_502 = tpu.vector_load %arg13[%get3A_500, %get3A_501] {strides = array<i32>} : memref<80x128xf32, #tpu.memory_space<vmem>>, vector<16xf32>,
        %get3A_503 = arith.index_cast %add3A_451 : i32 to index
        %get3A_504 = arith.constant 96 : index
        %get3A_505 = tpu.vector_load %arg15[%get3A_503, %get3A_504] {strides = array<i32>} : memref<80x128xf32, #tpu.memory_space<vmem>>, vector<16xf32>,
        %mul3A_506 = arith.mulf %get3A_502, %get3A_505 : vector<16xf32>
        %add3A_507 = arith.addf %add3A_439, %mul3A_506 : vector<16xf32>
        %get3A_508 = arith.index_cast %add3A_451 : i32 to index
        %get3A_509 = arith.constant 112 : index
        %get3A_510 = tpu.vector_load %arg13[%get3A_508, %get3A_509] {strides = array<i32>} : memref<80x128xf32, #tpu.memory_space<vmem>>, vector<16xf32>,
        %get3A_511 = arith.index_cast %add3A_451 : i32 to index
        %get3A_512 = arith.constant 112 : index
        %get3A_513 = tpu.vector_load %arg15[%get3A_511, %get3A_512] {strides = array<i32>} : memref<80x128xf32, #tpu.memory_space<vmem>>, vector<16xf32>,
        %mul3A_514 = arith.mulf %get3A_510, %get3A_513 : vector<16xf32>
        %add3A_515 = arith.addf %add3A_447, %mul3A_514 : vector<16xf32>
        scf.yield %add3A_459, %add3A_467, %add3A_475, %add3A_483, %add3A_491, %add3A_499, %add3A_507, %add3A_515 : vector<16xf32>, vector<16xf32>, vector<16xf32>, vector<16xf32>, vector<16xf32>, vector<16xf32>, vector<16xf32>, vector<16xf32>
      }
      %while3A_303 = arith.constant 1 : i32
      %while3A_304:8 = scf.for %while3A_371 = %while3A_300 to %while3A_296 step %while3A_303 iter_args(%while3A_372 = %while3A_302#0, %while3A_373 = %while3A_302#1, %while3A_374 = %while3A_302#2, %while3A_375 = %while3A_302#3, %while3A_376 = %while3A_302#4, %while3A_377 = %while3A_302#5, %while3A_378 = %while3A_302#6, %while3A_379 = %while3A_302#7) -> (vector<16xf32>, vector<16xf32>, vector<16xf32>, vector<16xf32>, vector<16xf32>, vector<16xf32>, vector<16xf32>, vector<16xf32>)  : i32 {
        %mul3A_380 = arith.constant 2 : i32
        %mul3A_381 = arith.muli %while3A_371, %mul3A_380 : i32
        %add3A_382 = arith.constant 0 : i32
        %add3A_383 = arith.addi %mul3A_381, %add3A_382 : i32
        %get3A_384 = arith.index_cast %add3A_383 : i32 to index
        %get3A_385 = arith.constant 0 : index
        %get3A_386 = tpu.vector_load %arg13[%get3A_384, %get3A_385] {strides = array<i32>} : memref<80x128xf32, #tpu.memory_space<vmem>>, vector<16xf32>,
        %get3A_387 = arith.index_cast %add3A_383 : i32 to index
        %get3A_388 = arith.constant 0 : index
        %get3A_389 = tpu.vector_load %arg15[%get3A_387, %get3A_388] {strides = array<i32>} : memref<80x128xf32, #tpu.memory_space<vmem>>, vector<16xf32>,
        %mul3A_390 = arith.mulf %get3A_386, %get3A_389 : vector<16xf32>
        %add3A_391 = arith.addf %while3A_372, %mul3A_390 : vector<16xf32>
        %get3A_392 = arith.index_cast %add3A_383 : i32 to index
        %get3A_393 = arith.constant 16 : index
        %get3A_394 = tpu.vector_load %arg13[%get3A_392, %get3A_393] {strides = array<i32>} : memref<80x128xf32, #tpu.memory_space<vmem>>, vector<16xf32>,
        %get3A_395 = arith.index_cast %add3A_383 : i32 to index
        %get3A_396 = arith.constant 16 : index
        %get3A_397 = tpu.vector_load %arg15[%get3A_395, %get3A_396] {strides = array<i32>} : memref<80x128xf32, #tpu.memory_space<vmem>>, vector<16xf32>,
        %mul3A_398 = arith.mulf %get3A_394, %get3A_397 : vector<16xf32>
        %add3A_399 = arith.addf %while3A_373, %mul3A_398 : vector<16xf32>
        %get3A_400 = arith.index_cast %add3A_383 : i32 to index
        %get3A_401 = arith.constant 32 : index
        %get3A_402 = tpu.vector_load %arg13[%get3A_400, %get3A_401] {strides = array<i32>} : memref<80x128xf32, #tpu.memory_space<vmem>>, vector<16xf32>,
        %get3A_403 = arith.index_cast %add3A_383 : i32 to index
        %get3A_404 = arith.constant 32 : index
        %get3A_405 = tpu.vector_load %arg15[%get3A_403, %get3A_404] {strides = array<i32>} : memref<80x128xf32, #tpu.memory_space<vmem>>, vector<16xf32>,
        %mul3A_406 = arith.mulf %get3A_402, %get3A_405 : vector<16xf32>
        %add3A_407 = arith.addf %while3A_374, %mul3A_406 : vector<16xf32>
        %get3A_408 = arith.index_cast %add3A_383 : i32 to index
        %get3A_409 = arith.constant 48 : index
        %get3A_410 = tpu.vector_load %arg13[%get3A_408, %get3A_409] {strides = array<i32>} : memref<80x128xf32, #tpu.memory_space<vmem>>, vector<16xf32>,
        %get3A_411 = arith.index_cast %add3A_383 : i32 to index
        %get3A_412 = arith.constant 48 : index
        %get3A_413 = tpu.vector_load %arg15[%get3A_411, %get3A_412] {strides = array<i32>} : memref<80x128xf32, #tpu.memory_space<vmem>>, vector<16xf32>,
        %mul3A_414 = arith.mulf %get3A_410, %get3A_413 : vector<16xf32>
        %add3A_415 = arith.addf %while3A_375, %mul3A_414 : vector<16xf32>
        %get3A_416 = arith.index_cast %add3A_383 : i32 to index
        %get3A_417 = arith.constant 64 : index
        %get3A_418 = tpu.vector_load %arg13[%get3A_416, %get3A_417] {strides = array<i32>} : memref<80x128xf32, #tpu.memory_space<vmem>>, vector<16xf32>,
        %get3A_419 = arith.index_cast %add3A_383 : i32 to index
        %get3A_420 = arith.constant 64 : index
        %get3A_421 = tpu.vector_load %arg15[%get3A_419, %get3A_420] {strides = array<i32>} : memref<80x128xf32, #tpu.memory_space<vmem>>, vector<16xf32>,
        %mul3A_422 = arith.mulf %get3A_418, %get3A_421 : vector<16xf32>
        %add3A_423 = arith.addf %while3A_376, %mul3A_422 : vector<16xf32>
        %get3A_424 = arith.index_cast %add3A_383 : i32 to index
        %get3A_425 = arith.constant 80 : index
        %get3A_426 = tpu.vector_load %arg13[%get3A_424, %get3A_425] {strides = array<i32>} : memref<80x128xf32, #tpu.memory_space<vmem>>, vector<16xf32>,
        %get3A_427 = arith.index_cast %add3A_383 : i32 to index
        %get3A_428 = arith.constant 80 : index
        %get3A_429 = tpu.vector_load %arg15[%get3A_427, %get3A_428] {strides = array<i32>} : memref<80x128xf32, #tpu.memory_space<vmem>>, vector<16xf32>,
        %mul3A_430 = arith.mulf %get3A_426, %get3A_429 : vector<16xf32>
        %add3A_431 = arith.addf %while3A_377, %mul3A_430 : vector<16xf32>
        %get3A_432 = arith.index_cast %add3A_383 : i32 to index
        %get3A_433 = arith.constant 96 : index
        %get3A_434 = tpu.vector_load %arg13[%get3A_432, %get3A_433] {strides = array<i32>} : memref<80x128xf32, #tpu.memory_space<vmem>>, vector<16xf32>,
        %get3A_435 = arith.index_cast %add3A_383 : i32 to index
        %get3A_436 = arith.constant 96 : index
        %get3A_437 = tpu.vector_load %arg15[%get3A_435, %get3A_436] {strides = array<i32>} : memref<80x128xf32, #tpu.memory_space<vmem>>, vector<16xf32>,
        %mul3A_438 = arith.mulf %get3A_434, %get3A_437 : vector<16xf32>
        %add3A_439 = arith.addf %while3A_378, %mul3A_438 : vector<16xf32>
        %get3A_440 = arith.index_cast %add3A_383 : i32 to index
        %get3A_441 = arith.constant 112 : index
        %get3A_442 = tpu.vector_load %arg13[%get3A_440, %get3A_441] {strides = array<i32>} : memref<80x128xf32, #tpu.memory_space<vmem>>, vector<16xf32>,
        %get3A_443 = arith.index_cast %add3A_383 : i32 to index
        %get3A_444 = arith.constant 112 : index
        %get3A_445 = tpu.vector_load %arg15[%get3A_443, %get3A_444] {strides = array<i32>} : memref<80x128xf32, #tpu.memory_space<vmem>>, vector<16xf32>,
        %mul3A_446 = arith.mulf %get3A_442, %get3A_445 : vector<16xf32>
        %add3A_447 = arith.addf %while3A_379, %mul3A_446 : vector<16xf32>
        %mul3A_448 = arith.constant 2 : i32
        %mul3A_449 = arith.muli %while3A_371, %mul3A_448 : i32
        %add3A_450 = arith.constant 1 : i32
        %add3A_451 = arith.addi %mul3A_449, %add3A_450 : i32
        %get3A_452 = arith.index_cast %add3A_451 : i32 to index
        %get3A_453 = arith.constant 0 : index
        %get3A_454 = tpu.vector_load %arg13[%get3A_452, %get3A_453] {strides = array<i32>} : memref<80x128xf32, #tpu.memory_space<vmem>>, vector<16xf32>,
        %get3A_455 = arith.index_cast %add3A_451 : i32 to index
        %get3A_456 = arith.constant 0 : index
        %get3A_457 = tpu.vector_load %arg15[%get3A_455, %get3A_456] {strides = array<i32>} : memref<80x128xf32, #tpu.memory_space<vmem>>, vector<16xf32>,
        %mul3A_458 = arith.mulf %get3A_454, %get3A_457 : vector<16xf32>
        %add3A_459 = arith.addf %add3A_391, %mul3A_458 : vector<16xf32>
        %get3A_460 = arith.index_cast %add3A_451 : i32 to index
        %get3A_461 = arith.constant 16 : index
        %get3A_462 = tpu.vector_load %arg13[%get3A_460, %get3A_461] {strides = array<i32>} : memref<80x128xf32, #tpu.memory_space<vmem>>, vector<16xf32>,
        %get3A_463 = arith.index_cast %add3A_451 : i32 to index
        %get3A_464 = arith.constant 16 : index
        %get3A_465 = tpu.vector_load %arg15[%get3A_463, %get3A_464] {strides = array<i32>} : memref<80x128xf32, #tpu.memory_space<vmem>>, vector<16xf32>,
        %mul3A_466 = arith.mulf %get3A_462, %get3A_465 : vector<16xf32>
        %add3A_467 = arith.addf %add3A_399, %mul3A_466 : vector<16xf32>
        %get3A_468 = arith.index_cast %add3A_451 : i32 to index
        %get3A_469 = arith.constant 32 : index
        %get3A_470 = tpu.vector_load %arg13[%get3A_468, %get3A_469] {strides = array<i32>} : memref<80x128xf32, #tpu.memory_space<vmem>>, vector<16xf32>,
        %get3A_471 = arith.index_cast %add3A_451 : i32 to index
        %get3A_472 = arith.constant 32 : index
        %get3A_473 = tpu.vector_load %arg15[%get3A_471, %get3A_472] {strides = array<i32>} : memref<80x128xf32, #tpu.memory_space<vmem>>, vector<16xf32>,
        %mul3A_474 = arith.mulf %get3A_470, %get3A_473 : vector<16xf32>
        %add3A_475 = arith.addf %add3A_407, %mul3A_474 : vector<16xf32>
        %get3A_476 = arith.index_cast %add3A_451 : i32 to index
        %get3A_477 = arith.constant 48 : index
        %get3A_478 = tpu.vector_load %arg13[%get3A_476, %get3A_477] {strides = array<i32>} : memref<80x128xf32, #tpu.memory_space<vmem>>, vector<16xf32>,
        %get3A_479 = arith.index_cast %add3A_451 : i32 to index
        %get3A_480 = arith.constant 48 : index
        %get3A_481 = tpu.vector_load %arg15[%get3A_479, %get3A_480] {strides = array<i32>} : memref<80x128xf32, #tpu.memory_space<vmem>>, vector<16xf32>,
        %mul3A_482 = arith.mulf %get3A_478, %get3A_481 : vector<16xf32>
        %add3A_483 = arith.addf %add3A_415, %mul3A_482 : vector<16xf32>
        %get3A_484 = arith.index_cast %add3A_451 : i32 to index
        %get3A_485 = arith.constant 64 : index
        %get3A_486 = tpu.vector_load %arg13[%get3A_484, %get3A_485] {strides = array<i32>} : memref<80x128xf32, #tpu.memory_space<vmem>>, vector<16xf32>,
        %get3A_487 = arith.index_cast %add3A_451 : i32 to index
        %get3A_488 = arith.constant 64 : index
        %get3A_489 = tpu.vector_load %arg15[%get3A_487, %get3A_488] {strides = array<i32>} : memref<80x128xf32, #tpu.memory_space<vmem>>, vector<16xf32>,
        %mul3A_490 = arith.mulf %get3A_486, %get3A_489 : vector<16xf32>
        %add3A_491 = arith.addf %add3A_423, %mul3A_490 : vector<16xf32>
        %get3A_492 = arith.index_cast %add3A_451 : i32 to index
        %get3A_493 = arith.constant 80 : index
        %get3A_494 = tpu.vector_load %arg13[%get3A_492, %get3A_493] {strides = array<i32>} : memref<80x128xf32, #tpu.memory_space<vmem>>, vector<16xf32>,
        %get3A_495 = arith.index_cast %add3A_451 : i32 to index
        %get3A_496 = arith.constant 80 : index
        %get3A_497 = tpu.vector_load %arg15[%get3A_495, %get3A_496] {strides = array<i32>} : memref<80x128xf32, #tpu.memory_space<vmem>>, vector<16xf32>,
        %mul3A_498 = arith.mulf %get3A_494, %get3A_497 : vector<16xf32>
        %add3A_499 = arith.addf %add3A_431, %mul3A_498 : vector<16xf32>
        %get3A_500 = arith.index_cast %add3A_451 : i32 to index
        %get3A_501 = arith.constant 96 : index
        %get3A_502 = tpu.vector_load %arg13[%get3A_500, %get3A_501] {strides = array<i32>} : memref<80x128xf32, #tpu.memory_space<vmem>>, vector<16xf32>,
        %get3A_503 = arith.index_cast %add3A_451 : i32 to index
        %get3A_504 = arith.constant 96 : index
        %get3A_505 = tpu.vector_load %arg15[%get3A_503, %get3A_504] {strides = array<i32>} : memref<80x128xf32, #tpu.memory_space<vmem>>, vector<16xf32>,
        %mul3A_506 = arith.mulf %get3A_502, %get3A_505 : vector<16xf32>
        %add3A_507 = arith.addf %add3A_439, %mul3A_506 : vector<16xf32>
        %get3A_508 = arith.index_cast %add3A_451 : i32 to index
        %get3A_509 = arith.constant 112 : index
        %get3A_510 = tpu.vector_load %arg13[%get3A_508, %get3A_509] {strides = array<i32>} : memref<80x128xf32, #tpu.memory_space<vmem>>, vector<16xf32>,
        %get3A_511 = arith.index_cast %add3A_451 : i32 to index
        %get3A_512 = arith.constant 112 : index
        %get3A_513 = tpu.vector_load %arg15[%get3A_511, %get3A_512] {strides = array<i32>} : memref<80x128xf32, #tpu.memory_space<vmem>>, vector<16xf32>,
        %mul3A_514 = arith.mulf %get3A_510, %get3A_513 : vector<16xf32>
        %add3A_515 = arith.addf %add3A_447, %mul3A_514 : vector<16xf32>
        scf.yield %add3A_459, %add3A_467, %add3A_475, %add3A_483, %add3A_491, %add3A_499, %add3A_507, %add3A_515 : vector<16xf32>, vector<16xf32>, vector<16xf32>, vector<16xf32>, vector<16xf32>, vector<16xf32>, vector<16xf32>, vector<16xf32>
      }
      %dma_wait3A_305 = arith.constant 0 : i32
      %dma_wait3A_306 = tpu.memref_slice %arg17[%dma_wait3A_305] : memref<10000xi32, #tpu.memory_space<vmem>> -> memref<80xi32, #tpu.memory_space<vmem>>
      %dma_wait3A_307 = arith.constant 0 : i32
      %dma_wait3A_308 = arith.constant 0 : i32
      %dma_wait3A_309 = tpu.memref_slice %arg2[%dma_wait3A_307, %dma_wait3A_308] : memref<10000x128xf32, #tpu.memory_space<hbm>> -> memref<10000x128xf32, #tpu.memory_space<hbm>>
      tpu.wait_indirect_dma semaphore(%arg26 : memref<!tpu.dma_semaphore, #tpu.memory_space<semaphore_mem>>) src(%dma_wait3A_309 : memref<10000x128xf32, #tpu.memory_space<hbm>>) dst(%arg14 : memref<80x128xf32, #tpu.memory_space<vmem>>)
      %dma_wait3A_310 = arith.constant 0 : i32
      %dma_wait3A_311 = tpu.memref_slice %arg18[%dma_wait3A_310] : memref<10000xi32, #tpu.memory_space<vmem>> -> memref<80xi32, #tpu.memory_space<vmem>>
      %dma_wait3A_312 = arith.constant 0 : i32
      %dma_wait3A_313 = arith.constant 0 : i32
      %dma_wait3A_314 = tpu.memref_slice %arg3[%dma_wait3A_312, %dma_wait3A_313] : memref<10000x128xf32, #tpu.memory_space<hbm>> -> memref<10000x128xf32, #tpu.memory_space<hbm>>
      tpu.wait_indirect_dma semaphore(%arg28 : memref<!tpu.dma_semaphore, #tpu.memory_space<semaphore_mem>>) src(%dma_wait3A_314 : memref<10000x128xf32, #tpu.memory_space<hbm>>) dst(%arg16 : memref<80x128xf32, #tpu.memory_space<vmem>>)
      %le3A_315 = arith.constant 60 : i32
      %le3A_316 = arith.cmpi sle, %while3A_225, %le3A_315 : i32
      %convert_element_type3A_317 = arith.extui %le3A_316 : i1 to i32
      %cond3A_318 = arith.constant 0 : i32
      %cond3A_319 = arith.cmpi ne, %convert_element_type3A_317, %cond3A_318 : i32
      scf.if %cond3A_319 {
        %add3A_371 = arith.constant 3 : i32
        %add3A_372 = arith.addi %mul3A_236, %add3A_371 : i32
        %mul3A_373 = arith.constant 80 : i32
        %mul3A_374 = arith.muli %add3A_372, %mul3A_373 : i32
        %dma_start3A_375 = tpu.memref_slice %arg17[%mul3A_374] : memref<10000xi32, #tpu.memory_space<vmem>> -> memref<80xi32, #tpu.memory_space<vmem>>
        %dma_start3A_376 = arith.constant 0 : i32
        %dma_start3A_377 = arith.constant 0 : i32
        %dma_start3A_378 = tpu.memref_slice %arg2[%dma_start3A_376, %dma_start3A_377] : memref<10000x128xf32, #tpu.memory_space<hbm>> -> memref<10000x128xf32, #tpu.memory_space<hbm>>
        tpu.enqueue_indirect_dma source(%dma_start3A_378 : memref<10000x128xf32, #tpu.memory_space<hbm>>) target(%arg14 : memref<80x128xf32, #tpu.memory_space<vmem>>) offsets(%dma_start3A_375 : memref<80xi32, #tpu.memory_space<vmem>>) semaphore(%arg26 : memref<!tpu.dma_semaphore, #tpu.memory_space<semaphore_mem>>)
        %dma_start3A_379 = tpu.memref_slice %arg18[%mul3A_374] : memref<10000xi32, #tpu.memory_space<vmem>> -> memref<80xi32, #tpu.memory_space<vmem>>
        %dma_start3A_380 = arith.constant 0 : i32
        %dma_start3A_381 = arith.constant 0 : i32
        %dma_start3A_382 = tpu.memref_slice %arg3[%dma_start3A_380, %dma_start3A_381] : memref<10000x128xf32, #tpu.memory_space<hbm>> -> memref<10000x128xf32, #tpu.memory_space<hbm>>
        tpu.enqueue_indirect_dma source(%dma_start3A_382 : memref<10000x128xf32, #tpu.memory_space<hbm>>) target(%arg16 : memref<80x128xf32, #tpu.memory_space<vmem>>) offsets(%dma_start3A_379 : memref<80xi32, #tpu.memory_space<vmem>>) semaphore(%arg28 : memref<!tpu.dma_semaphore, #tpu.memory_space<semaphore_mem>>)
      } else {
      }
      %add3A_320 = arith.constant 1 : i32
      %add3A_321 = arith.addi %mul3A_236, %add3A_320 : i32
      %mul3A_322 = arith.constant 80 : i32
      %mul3A_323 = arith.muli %add3A_321, %mul3A_322 : i32
      %add3A_324 = arith.constant 0 : i32
      %add3A_325 = arith.addi %mul3A_323, %add3A_324 : i32
      %get3A_326 = arith.index_cast %add3A_325 : i32 to index
      %get3A_327 = tpu.vector_load %arg17[%get3A_326] {strides = array<i32>} : memref<10000xi32, #tpu.memory_space<vmem>>, vector<16xi32>,
      %gather3A_328 = tpu.vector_load_idx %arg12[%get3A_327] : memref<10000xf32, #tpu.memory_space<vmem>>[vector<16xi32>], vector<16xf32>,
      %add3A_329 = arith.addf %add3A_292, %gather3A_328 : vector<16xf32>
      %add3A_330 = arith.constant 16 : i32
      %add3A_331 = arith.addi %mul3A_323, %add3A_330 : i32
      %get3A_332 = arith.index_cast %add3A_331 : i32 to index
      %get3A_333 = tpu.vector_load %arg17[%get3A_332] {strides = array<i32>} : memref<10000xi32, #tpu.memory_space<vmem>>, vector<16xi32>,
      %gather3A_334 = tpu.vector_load_idx %arg12[%get3A_333] : memref<10000xf32, #tpu.memory_space<vmem>>[vector<16xi32>], vector<16xf32>,
      %add3A_335 = arith.addf %add3A_329, %gather3A_334 : vector<16xf32>
      %add3A_336 = arith.constant 32 : i32
      %add3A_337 = arith.addi %mul3A_323, %add3A_336 : i32
      %get3A_338 = arith.index_cast %add3A_337 : i32 to index
      %get3A_339 = tpu.vector_load %arg17[%get3A_338] {strides = array<i32>} : memref<10000xi32, #tpu.memory_space<vmem>>, vector<16xi32>,
      %gather3A_340 = tpu.vector_load_idx %arg12[%get3A_339] : memref<10000xf32, #tpu.memory_space<vmem>>[vector<16xi32>], vector<16xf32>,
      %add3A_341 = arith.addf %add3A_335, %gather3A_340 : vector<16xf32>
      %add3A_342 = arith.constant 48 : i32
      %add3A_343 = arith.addi %mul3A_323, %add3A_342 : i32
      %get3A_344 = arith.index_cast %add3A_343 : i32 to index
      %get3A_345 = tpu.vector_load %arg17[%get3A_344] {strides = array<i32>} : memref<10000xi32, #tpu.memory_space<vmem>>, vector<16xi32>,
      %gather3A_346 = tpu.vector_load_idx %arg12[%get3A_345] : memref<10000xf32, #tpu.memory_space<vmem>>[vector<16xi32>], vector<16xf32>,
      %add3A_347 = arith.addf %add3A_341, %gather3A_346 : vector<16xf32>
      %add3A_348 = arith.constant 64 : i32
      %add3A_349 = arith.addi %mul3A_323, %add3A_348 : i32
      %get3A_350 = arith.index_cast %add3A_349 : i32 to index
      %get3A_351 = tpu.vector_load %arg17[%get3A_350] {strides = array<i32>} : memref<10000xi32, #tpu.memory_space<vmem>>, vector<16xi32>,
      %gather3A_352 = tpu.vector_load_idx %arg12[%get3A_351] : memref<10000xf32, #tpu.memory_space<vmem>>[vector<16xi32>], vector<16xf32>,
      %add3A_353 = arith.addf %add3A_347, %gather3A_352 : vector<16xf32>
      %while3A_354 = arith.constant 0 : i32
      %while3A_355 = arith.constant 40 : i32
      %while3A_356 = arith.subi %while3A_355, %while3A_354 : i32
      %while3A_357 = arith.addi %while3A_354, %while3A_356 : i32
      %while3A_358 = arith.constant 1 : i32
      %while3A_359 = arith.divsi %while3A_356, %while3A_358 : i32
      %while3A_360 = arith.muli %while3A_359, %while3A_358 : i32
      %while3A_361 = arith.addi %while3A_354, %while3A_360 : i32
      %while3A_362 = arith.constant 1 : i32
      %while3A_363:8 = scf.for %while3A_371 = %while3A_354 to %while3A_361 step %while3A_362 iter_args(%while3A_372 = %while3A_304#0, %while3A_373 = %while3A_304#1, %while3A_374 = %while3A_304#2, %while3A_375 = %while3A_304#3, %while3A_376 = %while3A_304#4, %while3A_377 = %while3A_304#5, %while3A_378 = %while3A_304#6, %while3A_379 = %while3A_304#7) -> (vector<16xf32>, vector<16xf32>, vector<16xf32>, vector<16xf32>, vector<16xf32>, vector<16xf32>, vector<16xf32>, vector<16xf32>)  : i32 {
        %mul3A_380 = arith.constant 2 : i32
        %mul3A_381 = arith.muli %while3A_371, %mul3A_380 : i32
        %add3A_382 = arith.constant 0 : i32
        %add3A_383 = arith.addi %mul3A_381, %add3A_382 : i32
        %get3A_384 = arith.index_cast %add3A_383 : i32 to index
        %get3A_385 = arith.constant 0 : index
        %get3A_386 = tpu.vector_load %arg14[%get3A_384, %get3A_385] {strides = array<i32>} : memref<80x128xf32, #tpu.memory_space<vmem>>, vector<16xf32>,
        %get3A_387 = arith.index_cast %add3A_383 : i32 to index
        %get3A_388 = arith.constant 0 : index
        %get3A_389 = tpu.vector_load %arg16[%get3A_387, %get3A_388] {strides = array<i32>} : memref<80x128xf32, #tpu.memory_space<vmem>>, vector<16xf32>,
        %mul3A_390 = arith.mulf %get3A_386, %get3A_389 : vector<16xf32>
        %add3A_391 = arith.addf %while3A_372, %mul3A_390 : vector<16xf32>
        %get3A_392 = arith.index_cast %add3A_383 : i32 to index
        %get3A_393 = arith.constant 16 : index
        %get3A_394 = tpu.vector_load %arg14[%get3A_392, %get3A_393] {strides = array<i32>} : memref<80x128xf32, #tpu.memory_space<vmem>>, vector<16xf32>,
        %get3A_395 = arith.index_cast %add3A_383 : i32 to index
        %get3A_396 = arith.constant 16 : index
        %get3A_397 = tpu.vector_load %arg16[%get3A_395, %get3A_396] {strides = array<i32>} : memref<80x128xf32, #tpu.memory_space<vmem>>, vector<16xf32>,
        %mul3A_398 = arith.mulf %get3A_394, %get3A_397 : vector<16xf32>
        %add3A_399 = arith.addf %while3A_373, %mul3A_398 : vector<16xf32>
        %get3A_400 = arith.index_cast %add3A_383 : i32 to index
        %get3A_401 = arith.constant 32 : index
        %get3A_402 = tpu.vector_load %arg14[%get3A_400, %get3A_401] {strides = array<i32>} : memref<80x128xf32, #tpu.memory_space<vmem>>, vector<16xf32>,
        %get3A_403 = arith.index_cast %add3A_383 : i32 to index
        %get3A_404 = arith.constant 32 : index
        %get3A_405 = tpu.vector_load %arg16[%get3A_403, %get3A_404] {strides = array<i32>} : memref<80x128xf32, #tpu.memory_space<vmem>>, vector<16xf32>,
        %mul3A_406 = arith.mulf %get3A_402, %get3A_405 : vector<16xf32>
        %add3A_407 = arith.addf %while3A_374, %mul3A_406 : vector<16xf32>
        %get3A_408 = arith.index_cast %add3A_383 : i32 to index
        %get3A_409 = arith.constant 48 : index
        %get3A_410 = tpu.vector_load %arg14[%get3A_408, %get3A_409] {strides = array<i32>} : memref<80x128xf32, #tpu.memory_space<vmem>>, vector<16xf32>,
        %get3A_411 = arith.index_cast %add3A_383 : i32 to index
        %get3A_412 = arith.constant 48 : index
        %get3A_413 = tpu.vector_load %arg16[%get3A_411, %get3A_412] {strides = array<i32>} : memref<80x128xf32, #tpu.memory_space<vmem>>, vector<16xf32>,
        %mul3A_414 = arith.mulf %get3A_410, %get3A_413 : vector<16xf32>
        %add3A_415 = arith.addf %while3A_375, %mul3A_414 : vector<16xf32>
        %get3A_416 = arith.index_cast %add3A_383 : i32 to index
        %get3A_417 = arith.constant 64 : index
        %get3A_418 = tpu.vector_load %arg14[%get3A_416, %get3A_417] {strides = array<i32>} : memref<80x128xf32, #tpu.memory_space<vmem>>, vector<16xf32>,
        %get3A_419 = arith.index_cast %add3A_383 : i32 to index
        %get3A_420 = arith.constant 64 : index
        %get3A_421 = tpu.vector_load %arg16[%get3A_419, %get3A_420] {strides = array<i32>} : memref<80x128xf32, #tpu.memory_space<vmem>>, vector<16xf32>,
        %mul3A_422 = arith.mulf %get3A_418, %get3A_421 : vector<16xf32>
        %add3A_423 = arith.addf %while3A_376, %mul3A_422 : vector<16xf32>
        %get3A_424 = arith.index_cast %add3A_383 : i32 to index
        %get3A_425 = arith.constant 80 : index
        %get3A_426 = tpu.vector_load %arg14[%get3A_424, %get3A_425] {strides = array<i32>} : memref<80x128xf32, #tpu.memory_space<vmem>>, vector<16xf32>,
        %get3A_427 = arith.index_cast %add3A_383 : i32 to index
        %get3A_428 = arith.constant 80 : index
        %get3A_429 = tpu.vector_load %arg16[%get3A_427, %get3A_428] {strides = array<i32>} : memref<80x128xf32, #tpu.memory_space<vmem>>, vector<16xf32>,
        %mul3A_430 = arith.mulf %get3A_426, %get3A_429 : vector<16xf32>
        %add3A_431 = arith.addf %while3A_377, %mul3A_430 : vector<16xf32>
        %get3A_432 = arith.index_cast %add3A_383 : i32 to index
        %get3A_433 = arith.constant 96 : index
        %get3A_434 = tpu.vector_load %arg14[%get3A_432, %get3A_433] {strides = array<i32>} : memref<80x128xf32, #tpu.memory_space<vmem>>, vector<16xf32>,
        %get3A_435 = arith.index_cast %add3A_383 : i32 to index
        %get3A_436 = arith.constant 96 : index
        %get3A_437 = tpu.vector_load %arg16[%get3A_435, %get3A_436] {strides = array<i32>} : memref<80x128xf32, #tpu.memory_space<vmem>>, vector<16xf32>,
        %mul3A_438 = arith.mulf %get3A_434, %get3A_437 : vector<16xf32>
        %add3A_439 = arith.addf %while3A_378, %mul3A_438 : vector<16xf32>
        %get3A_440 = arith.index_cast %add3A_383 : i32 to index
        %get3A_441 = arith.constant 112 : index
        %get3A_442 = tpu.vector_load %arg14[%get3A_440, %get3A_441] {strides = array<i32>} : memref<80x128xf32, #tpu.memory_space<vmem>>, vector<16xf32>,
        %get3A_443 = arith.index_cast %add3A_383 : i32 to index
        %get3A_444 = arith.constant 112 : index
        %get3A_445 = tpu.vector_load %arg16[%get3A_443, %get3A_444] {strides = array<i32>} : memref<80x128xf32, #tpu.memory_space<vmem>>, vector<16xf32>,
        %mul3A_446 = arith.mulf %get3A_442, %get3A_445 : vector<16xf32>
        %add3A_447 = arith.addf %while3A_379, %mul3A_446 : vector<16xf32>
        %mul3A_448 = arith.constant 2 : i32
        %mul3A_449 = arith.muli %while3A_371, %mul3A_448 : i32
        %add3A_450 = arith.constant 1 : i32
        %add3A_451 = arith.addi %mul3A_449, %add3A_450 : i32
        %get3A_452 = arith.index_cast %add3A_451 : i32 to index
        %get3A_453 = arith.constant 0 : index
        %get3A_454 = tpu.vector_load %arg14[%get3A_452, %get3A_453] {strides = array<i32>} : memref<80x128xf32, #tpu.memory_space<vmem>>, vector<16xf32>,
        %get3A_455 = arith.index_cast %add3A_451 : i32 to index
        %get3A_456 = arith.constant 0 : index
        %get3A_457 = tpu.vector_load %arg16[%get3A_455, %get3A_456] {strides = array<i32>} : memref<80x128xf32, #tpu.memory_space<vmem>>, vector<16xf32>,
        %mul3A_458 = arith.mulf %get3A_454, %get3A_457 : vector<16xf32>
        %add3A_459 = arith.addf %add3A_391, %mul3A_458 : vector<16xf32>
        %get3A_460 = arith.index_cast %add3A_451 : i32 to index
        %get3A_461 = arith.constant 16 : index
        %get3A_462 = tpu.vector_load %arg14[%get3A_460, %get3A_461] {strides = array<i32>} : memref<80x128xf32, #tpu.memory_space<vmem>>, vector<16xf32>,
        %get3A_463 = arith.index_cast %add3A_451 : i32 to index
        %get3A_464 = arith.constant 16 : index
        %get3A_465 = tpu.vector_load %arg16[%get3A_463, %get3A_464] {strides = array<i32>} : memref<80x128xf32, #tpu.memory_space<vmem>>, vector<16xf32>,
        %mul3A_466 = arith.mulf %get3A_462, %get3A_465 : vector<16xf32>
        %add3A_467 = arith.addf %add3A_399, %mul3A_466 : vector<16xf32>
        %get3A_468 = arith.index_cast %add3A_451 : i32 to index
        %get3A_469 = arith.constant 32 : index
        %get3A_470 = tpu.vector_load %arg14[%get3A_468, %get3A_469] {strides = array<i32>} : memref<80x128xf32, #tpu.memory_space<vmem>>, vector<16xf32>,
        %get3A_471 = arith.index_cast %add3A_451 : i32 to index
        %get3A_472 = arith.constant 32 : index
        %get3A_473 = tpu.vector_load %arg16[%get3A_471, %get3A_472] {strides = array<i32>} : memref<80x128xf32, #tpu.memory_space<vmem>>, vector<16xf32>,
        %mul3A_474 = arith.mulf %get3A_470, %get3A_473 : vector<16xf32>
        %add3A_475 = arith.addf %add3A_407, %mul3A_474 : vector<16xf32>
        %get3A_476 = arith.index_cast %add3A_451 : i32 to index
        %get3A_477 = arith.constant 48 : index
        %get3A_478 = tpu.vector_load %arg14[%get3A_476, %get3A_477] {strides = array<i32>} : memref<80x128xf32, #tpu.memory_space<vmem>>, vector<16xf32>,
        %get3A_479 = arith.index_cast %add3A_451 : i32 to index
        %get3A_480 = arith.constant 48 : index
        %get3A_481 = tpu.vector_load %arg16[%get3A_479, %get3A_480] {strides = array<i32>} : memref<80x128xf32, #tpu.memory_space<vmem>>, vector<16xf32>,
        %mul3A_482 = arith.mulf %get3A_478, %get3A_481 : vector<16xf32>
        %add3A_483 = arith.addf %add3A_415, %mul3A_482 : vector<16xf32>
        %get3A_484 = arith.index_cast %add3A_451 : i32 to index
        %get3A_485 = arith.constant 64 : index
        %get3A_486 = tpu.vector_load %arg14[%get3A_484, %get3A_485] {strides = array<i32>} : memref<80x128xf32, #tpu.memory_space<vmem>>, vector<16xf32>,
        %get3A_487 = arith.index_cast %add3A_451 : i32 to index
        %get3A_488 = arith.constant 64 : index
        %get3A_489 = tpu.vector_load %arg16[%get3A_487, %get3A_488] {strides = array<i32>} : memref<80x128xf32, #tpu.memory_space<vmem>>, vector<16xf32>,
        %mul3A_490 = arith.mulf %get3A_486, %get3A_489 : vector<16xf32>
        %add3A_491 = arith.addf %add3A_423, %mul3A_490 : vector<16xf32>
        %get3A_492 = arith.index_cast %add3A_451 : i32 to index
        %get3A_493 = arith.constant 80 : index
        %get3A_494 = tpu.vector_load %arg14[%get3A_492, %get3A_493] {strides = array<i32>} : memref<80x128xf32, #tpu.memory_space<vmem>>, vector<16xf32>,
        %get3A_495 = arith.index_cast %add3A_451 : i32 to index
        %get3A_496 = arith.constant 80 : index
        %get3A_497 = tpu.vector_load %arg16[%get3A_495, %get3A_496] {strides = array<i32>} : memref<80x128xf32, #tpu.memory_space<vmem>>, vector<16xf32>,
        %mul3A_498 = arith.mulf %get3A_494, %get3A_497 : vector<16xf32>
        %add3A_499 = arith.addf %add3A_431, %mul3A_498 : vector<16xf32>
        %get3A_500 = arith.index_cast %add3A_451 : i32 to index
        %get3A_501 = arith.constant 96 : index
        %get3A_502 = tpu.vector_load %arg14[%get3A_500, %get3A_501] {strides = array<i32>} : memref<80x128xf32, #tpu.memory_space<vmem>>, vector<16xf32>,
        %get3A_503 = arith.index_cast %add3A_451 : i32 to index
        %get3A_504 = arith.constant 96 : index
        %get3A_505 = tpu.vector_load %arg16[%get3A_503, %get3A_504] {strides = array<i32>} : memref<80x128xf32, #tpu.memory_space<vmem>>, vector<16xf32>,
        %mul3A_506 = arith.mulf %get3A_502, %get3A_505 : vector<16xf32>
        %add3A_507 = arith.addf %add3A_439, %mul3A_506 : vector<16xf32>
        %get3A_508 = arith.index_cast %add3A_451 : i32 to index
        %get3A_509 = arith.constant 112 : index
        %get3A_510 = tpu.vector_load %arg14[%get3A_508, %get3A_509] {strides = array<i32>} : memref<80x128xf32, #tpu.memory_space<vmem>>, vector<16xf32>,
        %get3A_511 = arith.index_cast %add3A_451 : i32 to index
        %get3A_512 = arith.constant 112 : index
        %get3A_513 = tpu.vector_load %arg16[%get3A_511, %get3A_512] {strides = array<i32>} : memref<80x128xf32, #tpu.memory_space<vmem>>, vector<16xf32>,
        %mul3A_514 = arith.mulf %get3A_510, %get3A_513 : vector<16xf32>
        %add3A_515 = arith.addf %add3A_447, %mul3A_514 : vector<16xf32>
        scf.yield %add3A_459, %add3A_467, %add3A_475, %add3A_483, %add3A_491, %add3A_499, %add3A_507, %add3A_515 : vector<16xf32>, vector<16xf32>, vector<16xf32>, vector<16xf32>, vector<16xf32>, vector<16xf32>, vector<16xf32>, vector<16xf32>
      }
      %while3A_364 = arith.constant 1 : i32
      %while3A_365:8 = scf.for %while3A_371 = %while3A_361 to %while3A_357 step %while3A_364 iter_args(%while3A_372 = %while3A_363#0, %while3A_373 = %while3A_363#1, %while3A_374 = %while3A_363#2, %while3A_375 = %while3A_363#3, %while3A_376 = %while3A_363#4, %while3A_377 = %while3A_363#5, %while3A_378 = %while3A_363#6, %while3A_379 = %while3A_363#7) -> (vector<16xf32>, vector<16xf32>, vector<16xf32>, vector<16xf32>, vector<16xf32>, vector<16xf32>, vector<16xf32>, vector<16xf32>)  : i32 {
        %mul3A_380 = arith.constant 2 : i32
        %mul3A_381 = arith.muli %while3A_371, %mul3A_380 : i32
        %add3A_382 = arith.constant 0 : i32
        %add3A_383 = arith.addi %mul3A_381, %add3A_382 : i32
        %get3A_384 = arith.index_cast %add3A_383 : i32 to index
        %get3A_385 = arith.constant 0 : index
        %get3A_386 = tpu.vector_load %arg14[%get3A_384, %get3A_385] {strides = array<i32>} : memref<80x128xf32, #tpu.memory_space<vmem>>, vector<16xf32>,
        %get3A_387 = arith.index_cast %add3A_383 : i32 to index
        %get3A_388 = arith.constant 0 : index
        %get3A_389 = tpu.vector_load %arg16[%get3A_387, %get3A_388] {strides = array<i32>} : memref<80x128xf32, #tpu.memory_space<vmem>>, vector<16xf32>,
        %mul3A_390 = arith.mulf %get3A_386, %get3A_389 : vector<16xf32>
        %add3A_391 = arith.addf %while3A_372, %mul3A_390 : vector<16xf32>
        %get3A_392 = arith.index_cast %add3A_383 : i32 to index
        %get3A_393 = arith.constant 16 : index
        %get3A_394 = tpu.vector_load %arg14[%get3A_392, %get3A_393] {strides = array<i32>} : memref<80x128xf32, #tpu.memory_space<vmem>>, vector<16xf32>,
        %get3A_395 = arith.index_cast %add3A_383 : i32 to index
        %get3A_396 = arith.constant 16 : index
        %get3A_397 = tpu.vector_load %arg16[%get3A_395, %get3A_396] {strides = array<i32>} : memref<80x128xf32, #tpu.memory_space<vmem>>, vector<16xf32>,
        %mul3A_398 = arith.mulf %get3A_394, %get3A_397 : vector<16xf32>
        %add3A_399 = arith.addf %while3A_373, %mul3A_398 : vector<16xf32>
        %get3A_400 = arith.index_cast %add3A_383 : i32 to index
        %get3A_401 = arith.constant 32 : index
        %get3A_402 = tpu.vector_load %arg14[%get3A_400, %get3A_401] {strides = array<i32>} : memref<80x128xf32, #tpu.memory_space<vmem>>, vector<16xf32>,
        %get3A_403 = arith.index_cast %add3A_383 : i32 to index
        %get3A_404 = arith.constant 32 : index
        %get3A_405 = tpu.vector_load %arg16[%get3A_403, %get3A_404] {strides = array<i32>} : memref<80x128xf32, #tpu.memory_space<vmem>>, vector<16xf32>,
        %mul3A_406 = arith.mulf %get3A_402, %get3A_405 : vector<16xf32>
        %add3A_407 = arith.addf %while3A_374, %mul3A_406 : vector<16xf32>
        %get3A_408 = arith.index_cast %add3A_383 : i32 to index
        %get3A_409 = arith.constant 48 : index
        %get3A_410 = tpu.vector_load %arg14[%get3A_408, %get3A_409] {strides = array<i32>} : memref<80x128xf32, #tpu.memory_space<vmem>>, vector<16xf32>,
        %get3A_411 = arith.index_cast %add3A_383 : i32 to index
        %get3A_412 = arith.constant 48 : index
        %get3A_413 = tpu.vector_load %arg16[%get3A_411, %get3A_412] {strides = array<i32>} : memref<80x128xf32, #tpu.memory_space<vmem>>, vector<16xf32>,
        %mul3A_414 = arith.mulf %get3A_410, %get3A_413 : vector<16xf32>
        %add3A_415 = arith.addf %while3A_375, %mul3A_414 : vector<16xf32>
        %get3A_416 = arith.index_cast %add3A_383 : i32 to index
        %get3A_417 = arith.constant 64 : index
        %get3A_418 = tpu.vector_load %arg14[%get3A_416, %get3A_417] {strides = array<i32>} : memref<80x128xf32, #tpu.memory_space<vmem>>, vector<16xf32>,
        %get3A_419 = arith.index_cast %add3A_383 : i32 to index
        %get3A_420 = arith.constant 64 : index
        %get3A_421 = tpu.vector_load %arg16[%get3A_419, %get3A_420] {strides = array<i32>} : memref<80x128xf32, #tpu.memory_space<vmem>>, vector<16xf32>,
        %mul3A_422 = arith.mulf %get3A_418, %get3A_421 : vector<16xf32>
        %add3A_423 = arith.addf %while3A_376, %mul3A_422 : vector<16xf32>
        %get3A_424 = arith.index_cast %add3A_383 : i32 to index
        %get3A_425 = arith.constant 80 : index
        %get3A_426 = tpu.vector_load %arg14[%get3A_424, %get3A_425] {strides = array<i32>} : memref<80x128xf32, #tpu.memory_space<vmem>>, vector<16xf32>,
        %get3A_427 = arith.index_cast %add3A_383 : i32 to index
        %get3A_428 = arith.constant 80 : index
        %get3A_429 = tpu.vector_load %arg16[%get3A_427, %get3A_428] {strides = array<i32>} : memref<80x128xf32, #tpu.memory_space<vmem>>, vector<16xf32>,
        %mul3A_430 = arith.mulf %get3A_426, %get3A_429 : vector<16xf32>
        %add3A_431 = arith.addf %while3A_377, %mul3A_430 : vector<16xf32>
        %get3A_432 = arith.index_cast %add3A_383 : i32 to index
        %get3A_433 = arith.constant 96 : index
        %get3A_434 = tpu.vector_load %arg14[%get3A_432, %get3A_433] {strides = array<i32>} : memref<80x128xf32, #tpu.memory_space<vmem>>, vector<16xf32>,
        %get3A_435 = arith.index_cast %add3A_383 : i32 to index
        %get3A_436 = arith.constant 96 : index
        %get3A_437 = tpu.vector_load %arg16[%get3A_435, %get3A_436] {strides = array<i32>} : memref<80x128xf32, #tpu.memory_space<vmem>>, vector<16xf32>,
        %mul3A_438 = arith.mulf %get3A_434, %get3A_437 : vector<16xf32>
        %add3A_439 = arith.addf %while3A_378, %mul3A_438 : vector<16xf32>
        %get3A_440 = arith.index_cast %add3A_383 : i32 to index
        %get3A_441 = arith.constant 112 : index
        %get3A_442 = tpu.vector_load %arg14[%get3A_440, %get3A_441] {strides = array<i32>} : memref<80x128xf32, #tpu.memory_space<vmem>>, vector<16xf32>,
        %get3A_443 = arith.index_cast %add3A_383 : i32 to index
        %get3A_444 = arith.constant 112 : index
        %get3A_445 = tpu.vector_load %arg16[%get3A_443, %get3A_444] {strides = array<i32>} : memref<80x128xf32, #tpu.memory_space<vmem>>, vector<16xf32>,
        %mul3A_446 = arith.mulf %get3A_442, %get3A_445 : vector<16xf32>
        %add3A_447 = arith.addf %while3A_379, %mul3A_446 : vector<16xf32>
        %mul3A_448 = arith.constant 2 : i32
        %mul3A_449 = arith.muli %while3A_371, %mul3A_448 : i32
        %add3A_450 = arith.constant 1 : i32
        %add3A_451 = arith.addi %mul3A_449, %add3A_450 : i32
        %get3A_452 = arith.index_cast %add3A_451 : i32 to index
        %get3A_453 = arith.constant 0 : index
        %get3A_454 = tpu.vector_load %arg14[%get3A_452, %get3A_453] {strides = array<i32>} : memref<80x128xf32, #tpu.memory_space<vmem>>, vector<16xf32>,
        %get3A_455 = arith.index_cast %add3A_451 : i32 to index
        %get3A_456 = arith.constant 0 : index
        %get3A_457 = tpu.vector_load %arg16[%get3A_455, %get3A_456] {strides = array<i32>} : memref<80x128xf32, #tpu.memory_space<vmem>>, vector<16xf32>,
        %mul3A_458 = arith.mulf %get3A_454, %get3A_457 : vector<16xf32>
        %add3A_459 = arith.addf %add3A_391, %mul3A_458 : vector<16xf32>
        %get3A_460 = arith.index_cast %add3A_451 : i32 to index
        %get3A_461 = arith.constant 16 : index
        %get3A_462 = tpu.vector_load %arg14[%get3A_460, %get3A_461] {strides = array<i32>} : memref<80x128xf32, #tpu.memory_space<vmem>>, vector<16xf32>,
        %get3A_463 = arith.index_cast %add3A_451 : i32 to index
        %get3A_464 = arith.constant 16 : index
        %get3A_465 = tpu.vector_load %arg16[%get3A_463, %get3A_464] {strides = array<i32>} : memref<80x128xf32, #tpu.memory_space<vmem>>, vector<16xf32>,
        %mul3A_466 = arith.mulf %get3A_462, %get3A_465 : vector<16xf32>
        %add3A_467 = arith.addf %add3A_399, %mul3A_466 : vector<16xf32>
        %get3A_468 = arith.index_cast %add3A_451 : i32 to index
        %get3A_469 = arith.constant 32 : index
        %get3A_470 = tpu.vector_load %arg14[%get3A_468, %get3A_469] {strides = array<i32>} : memref<80x128xf32, #tpu.memory_space<vmem>>, vector<16xf32>,
        %get3A_471 = arith.index_cast %add3A_451 : i32 to index
        %get3A_472 = arith.constant 32 : index
        %get3A_473 = tpu.vector_load %arg16[%get3A_471, %get3A_472] {strides = array<i32>} : memref<80x128xf32, #tpu.memory_space<vmem>>, vector<16xf32>,
        %mul3A_474 = arith.mulf %get3A_470, %get3A_473 : vector<16xf32>
        %add3A_475 = arith.addf %add3A_407, %mul3A_474 : vector<16xf32>
        %get3A_476 = arith.index_cast %add3A_451 : i32 to index
        %get3A_477 = arith.constant 48 : index
        %get3A_478 = tpu.vector_load %arg14[%get3A_476, %get3A_477] {strides = array<i32>} : memref<80x128xf32, #tpu.memory_space<vmem>>, vector<16xf32>,
        %get3A_479 = arith.index_cast %add3A_451 : i32 to index
        %get3A_480 = arith.constant 48 : index
        %get3A_481 = tpu.vector_load %arg16[%get3A_479, %get3A_480] {strides = array<i32>} : memref<80x128xf32, #tpu.memory_space<vmem>>, vector<16xf32>,
        %mul3A_482 = arith.mulf %get3A_478, %get3A_481 : vector<16xf32>
        %add3A_483 = arith.addf %add3A_415, %mul3A_482 : vector<16xf32>
        %get3A_484 = arith.index_cast %add3A_451 : i32 to index
        %get3A_485 = arith.constant 64 : index
        %get3A_486 = tpu.vector_load %arg14[%get3A_484, %get3A_485] {strides = array<i32>} : memref<80x128xf32, #tpu.memory_space<vmem>>, vector<16xf32>,
        %get3A_487 = arith.index_cast %add3A_451 : i32 to index
        %get3A_488 = arith.constant 64 : index
        %get3A_489 = tpu.vector_load %arg16[%get3A_487, %get3A_488] {strides = array<i32>} : memref<80x128xf32, #tpu.memory_space<vmem>>, vector<16xf32>,
        %mul3A_490 = arith.mulf %get3A_486, %get3A_489 : vector<16xf32>
        %add3A_491 = arith.addf %add3A_423, %mul3A_490 : vector<16xf32>
        %get3A_492 = arith.index_cast %add3A_451 : i32 to index
        %get3A_493 = arith.constant 80 : index
        %get3A_494 = tpu.vector_load %arg14[%get3A_492, %get3A_493] {strides = array<i32>} : memref<80x128xf32, #tpu.memory_space<vmem>>, vector<16xf32>,
        %get3A_495 = arith.index_cast %add3A_451 : i32 to index
        %get3A_496 = arith.constant 80 : index
        %get3A_497 = tpu.vector_load %arg16[%get3A_495, %get3A_496] {strides = array<i32>} : memref<80x128xf32, #tpu.memory_space<vmem>>, vector<16xf32>,
        %mul3A_498 = arith.mulf %get3A_494, %get3A_497 : vector<16xf32>
        %add3A_499 = arith.addf %add3A_431, %mul3A_498 : vector<16xf32>
        %get3A_500 = arith.index_cast %add3A_451 : i32 to index
        %get3A_501 = arith.constant 96 : index
        %get3A_502 = tpu.vector_load %arg14[%get3A_500, %get3A_501] {strides = array<i32>} : memref<80x128xf32, #tpu.memory_space<vmem>>, vector<16xf32>,
        %get3A_503 = arith.index_cast %add3A_451 : i32 to index
        %get3A_504 = arith.constant 96 : index
        %get3A_505 = tpu.vector_load %arg16[%get3A_503, %get3A_504] {strides = array<i32>} : memref<80x128xf32, #tpu.memory_space<vmem>>, vector<16xf32>,
        %mul3A_506 = arith.mulf %get3A_502, %get3A_505 : vector<16xf32>
        %add3A_507 = arith.addf %add3A_439, %mul3A_506 : vector<16xf32>
        %get3A_508 = arith.index_cast %add3A_451 : i32 to index
        %get3A_509 = arith.constant 112 : index
        %get3A_510 = tpu.vector_load %arg14[%get3A_508, %get3A_509] {strides = array<i32>} : memref<80x128xf32, #tpu.memory_space<vmem>>, vector<16xf32>,
        %get3A_511 = arith.index_cast %add3A_451 : i32 to index
        %get3A_512 = arith.constant 112 : index
        %get3A_513 = tpu.vector_load %arg16[%get3A_511, %get3A_512] {strides = array<i32>} : memref<80x128xf32, #tpu.memory_space<vmem>>, vector<16xf32>,
        %mul3A_514 = arith.mulf %get3A_510, %get3A_513 : vector<16xf32>
        %add3A_515 = arith.addf %add3A_447, %mul3A_514 : vector<16xf32>
        scf.yield %add3A_459, %add3A_467, %add3A_475, %add3A_483, %add3A_491, %add3A_499, %add3A_507, %add3A_515 : vector<16xf32>, vector<16xf32>, vector<16xf32>, vector<16xf32>, vector<16xf32>, vector<16xf32>, vector<16xf32>, vector<16xf32>
      }
      %le3A_366 = arith.constant 39 : i32
      %le3A_367 = arith.cmpi sle, %while3A_225, %le3A_366 : i32
      %convert_element_type3A_368 = arith.extui %le3A_367 : i1 to i32
      %cond3A_369 = arith.constant 0 : i32
      %cond3A_370 = arith.cmpi ne, %convert_element_type3A_368, %cond3A_369 : i32
      scf.if %cond3A_370 {
        %dma_wait3A_371 = arith.constant 0 : i32
        %dma_wait3A_372 = arith.constant 0 : i32
        %dma_wait3A_373 = arith.constant 0 : i32
        %dma_wait3A_374 = tpu.memref_slice %arg19[%dma_wait3A_371, %dma_wait3A_373] : memref<160x128xf32, #tpu.memory_space<vmem>> -> memref<1x128xf32, #tpu.memory_space<vmem>>
        %dma_wait3A_375 = tpu.memref_squeeze %dma_wait3A_374 : memref<1x128xf32, #tpu.memory_space<vmem>> -> memref<128xf32, #tpu.memory_space<vmem>>
        %dma_wait3A_376 = arith.constant 0 : i32
        %dma_wait3A_377 = tpu.memref_slice %arg20[%dma_wait3A_372, %dma_wait3A_376] : memref<160x128xi32, #tpu.memory_space<vmem>> -> memref<1x128xi32, #tpu.memory_space<vmem>>
        %dma_wait3A_378 = tpu.memref_squeeze %dma_wait3A_377 : memref<1x128xi32, #tpu.memory_space<vmem>> -> memref<128xi32, #tpu.memory_space<vmem>>
        %dma_wait3A_379 = arith.constant 0 : i32
        %dma_wait3A_380 = tpu.memref_slice %arg24[%dma_wait3A_379] : memref<10240xf32, #tpu.memory_space<vmem_shared>> -> memref<10240xf32, #tpu.memory_space<vmem_shared>>
        tpu.wait_indirect_dma semaphore(%arg29 : memref<!tpu.dma_semaphore, #tpu.memory_space<semaphore_mem>>) src(%dma_wait3A_375 : memref<128xf32, #tpu.memory_space<vmem>>) dst(%dma_wait3A_380 : memref<10240xf32, #tpu.memory_space<vmem_shared>>)
        %dma_wait3A_381 = arith.constant 0 : i32
        %dma_wait3A_382 = arith.constant 0 : i32
        %dma_wait3A_383 = arith.constant 0 : i32
        %dma_wait3A_384 = tpu.memref_slice %arg19[%dma_wait3A_381, %dma_wait3A_383] : memref<160x128xf32, #tpu.memory_space<vmem>> -> memref<1x128xf32, #tpu.memory_space<vmem>>
        %dma_wait3A_385 = tpu.memref_squeeze %dma_wait3A_384 : memref<1x128xf32, #tpu.memory_space<vmem>> -> memref<128xf32, #tpu.memory_space<vmem>>
        %dma_wait3A_386 = arith.constant 0 : i32
        %dma_wait3A_387 = tpu.memref_slice %arg20[%dma_wait3A_382, %dma_wait3A_386] : memref<160x128xi32, #tpu.memory_space<vmem>> -> memref<1x128xi32, #tpu.memory_space<vmem>>
        %dma_wait3A_388 = tpu.memref_squeeze %dma_wait3A_387 : memref<1x128xi32, #tpu.memory_space<vmem>> -> memref<128xi32, #tpu.memory_space<vmem>>
        %dma_wait3A_389 = arith.constant 0 : i32
        %dma_wait3A_390 = tpu.memref_slice %arg24[%dma_wait3A_389] : memref<10240xf32, #tpu.memory_space<vmem_shared>> -> memref<10240xf32, #tpu.memory_space<vmem_shared>>
        tpu.wait_indirect_dma semaphore(%arg29 : memref<!tpu.dma_semaphore, #tpu.memory_space<semaphore_mem>>) src(%dma_wait3A_385 : memref<128xf32, #tpu.memory_space<vmem>>) dst(%dma_wait3A_390 : memref<10240xf32, #tpu.memory_space<vmem_shared>>)
        %dma_wait3A_391 = arith.constant 0 : i32
        %dma_wait3A_392 = arith.constant 0 : i32
        %dma_wait3A_393 = arith.constant 0 : i32
        %dma_wait3A_394 = tpu.memref_slice %arg19[%dma_wait3A_391, %dma_wait3A_393] : memref<160x128xf32, #tpu.memory_space<vmem>> -> memref<1x128xf32, #tpu.memory_space<vmem>>
        %dma_wait3A_395 = tpu.memref_squeeze %dma_wait3A_394 : memref<1x128xf32, #tpu.memory_space<vmem>> -> memref<128xf32, #tpu.memory_space<vmem>>
        %dma_wait3A_396 = arith.constant 0 : i32
        %dma_wait3A_397 = tpu.memref_slice %arg20[%dma_wait3A_392, %dma_wait3A_396] : memref<160x128xi32, #tpu.memory_space<vmem>> -> memref<1x128xi32, #tpu.memory_space<vmem>>
        %dma_wait3A_398 = tpu.memref_squeeze %dma_wait3A_397 : memref<1x128xi32, #tpu.memory_space<vmem>> -> memref<128xi32, #tpu.memory_space<vmem>>
        %dma_wait3A_399 = arith.constant 0 : i32
        %dma_wait3A_400 = tpu.memref_slice %arg24[%dma_wait3A_399] : memref<10240xf32, #tpu.memory_space<vmem_shared>> -> memref<10240xf32, #tpu.memory_space<vmem_shared>>
        tpu.wait_indirect_dma semaphore(%arg29 : memref<!tpu.dma_semaphore, #tpu.memory_space<semaphore_mem>>) src(%dma_wait3A_395 : memref<128xf32, #tpu.memory_space<vmem>>) dst(%dma_wait3A_400 : memref<10240xf32, #tpu.memory_space<vmem_shared>>)
        %dma_wait3A_401 = arith.constant 0 : i32
        %dma_wait3A_402 = arith.constant 0 : i32
        %dma_wait3A_403 = arith.constant 0 : i32
        %dma_wait3A_404 = tpu.memref_slice %arg19[%dma_wait3A_401, %dma_wait3A_403] : memref<160x128xf32, #tpu.memory_space<vmem>> -> memref<1x128xf32, #tpu.memory_space<vmem>>
        %dma_wait3A_405 = tpu.memref_squeeze %dma_wait3A_404 : memref<1x128xf32, #tpu.memory_space<vmem>> -> memref<128xf32, #tpu.memory_space<vmem>>
        %dma_wait3A_406 = arith.constant 0 : i32
        %dma_wait3A_407 = tpu.memref_slice %arg20[%dma_wait3A_402, %dma_wait3A_406] : memref<160x128xi32, #tpu.memory_space<vmem>> -> memref<1x128xi32, #tpu.memory_space<vmem>>
        %dma_wait3A_408 = tpu.memref_squeeze %dma_wait3A_407 : memref<1x128xi32, #tpu.memory_space<vmem>> -> memref<128xi32, #tpu.memory_space<vmem>>
        %dma_wait3A_409 = arith.constant 0 : i32
        %dma_wait3A_410 = tpu.memref_slice %arg24[%dma_wait3A_409] : memref<10240xf32, #tpu.memory_space<vmem_shared>> -> memref<10240xf32, #tpu.memory_space<vmem_shared>>
        tpu.wait_indirect_dma semaphore(%arg29 : memref<!tpu.dma_semaphore, #tpu.memory_space<semaphore_mem>>) src(%dma_wait3A_405 : memref<128xf32, #tpu.memory_space<vmem>>) dst(%dma_wait3A_410 : memref<10240xf32, #tpu.memory_space<vmem_shared>>)
      } else {
      }
      scf.yield %while3A_365#0, %while3A_365#1, %while3A_365#2, %while3A_365#3, %while3A_365#4, %while3A_365#5, %while3A_365#6, %while3A_365#7, %add3A_353 : vector<16xf32>, vector<16xf32>, vector<16xf32>, vector<16xf32>, vector<16xf32>, vector<16xf32>, vector<16xf32>, vector<16xf32>, vector<16xf32>
    }
    %while3A_142 = arith.constant 1 : i32
    %while3A_143:9 = scf.for %while3A_225 = %while3A_139 to %while3A_135 step %while3A_142 iter_args(%while3A_226 = %while3A_141#0, %while3A_227 = %while3A_141#1, %while3A_228 = %while3A_141#2, %while3A_229 = %while3A_141#3, %while3A_230 = %while3A_141#4, %while3A_231 = %while3A_141#5, %while3A_232 = %while3A_141#6, %while3A_233 = %while3A_141#7, %while3A_234 = %while3A_141#8) -> (vector<16xf32>, vector<16xf32>, vector<16xf32>, vector<16xf32>, vector<16xf32>, vector<16xf32>, vector<16xf32>, vector<16xf32>, vector<16xf32>)  : i32 {
      %mul3A_235 = arith.constant 2 : i32
      %mul3A_236 = arith.muli %while3A_225, %mul3A_235 : i32
      %dma_wait3A_237 = arith.constant 0 : i32
      %dma_wait3A_238 = tpu.memref_slice %arg17[%dma_wait3A_237] : memref<10000xi32, #tpu.memory_space<vmem>> -> memref<80xi32, #tpu.memory_space<vmem>>
      %dma_wait3A_239 = arith.constant 0 : i32
      %dma_wait3A_240 = arith.constant 0 : i32
      %dma_wait3A_241 = tpu.memref_slice %arg2[%dma_wait3A_239, %dma_wait3A_240] : memref<10000x128xf32, #tpu.memory_space<hbm>> -> memref<10000x128xf32, #tpu.memory_space<hbm>>
      tpu.wait_indirect_dma semaphore(%arg25 : memref<!tpu.dma_semaphore, #tpu.memory_space<semaphore_mem>>) src(%dma_wait3A_241 : memref<10000x128xf32, #tpu.memory_space<hbm>>) dst(%arg13 : memref<80x128xf32, #tpu.memory_space<vmem>>)
      %dma_wait3A_242 = arith.constant 0 : i32
      %dma_wait3A_243 = tpu.memref_slice %arg18[%dma_wait3A_242] : memref<10000xi32, #tpu.memory_space<vmem>> -> memref<80xi32, #tpu.memory_space<vmem>>
      %dma_wait3A_244 = arith.constant 0 : i32
      %dma_wait3A_245 = arith.constant 0 : i32
      %dma_wait3A_246 = tpu.memref_slice %arg3[%dma_wait3A_244, %dma_wait3A_245] : memref<10000x128xf32, #tpu.memory_space<hbm>> -> memref<10000x128xf32, #tpu.memory_space<hbm>>
      tpu.wait_indirect_dma semaphore(%arg27 : memref<!tpu.dma_semaphore, #tpu.memory_space<semaphore_mem>>) src(%dma_wait3A_246 : memref<10000x128xf32, #tpu.memory_space<hbm>>) dst(%arg15 : memref<80x128xf32, #tpu.memory_space<vmem>>)
      %add3A_247 = arith.constant 2 : i32
      %add3A_248 = arith.addi %mul3A_236, %add3A_247 : i32
      %mul3A_249 = arith.constant 80 : i32
      %mul3A_250 = arith.muli %add3A_248, %mul3A_249 : i32
      %dma_start3A_251 = tpu.memref_slice %arg17[%mul3A_250] : memref<10000xi32, #tpu.memory_space<vmem>> -> memref<80xi32, #tpu.memory_space<vmem>>
      %dma_start3A_252 = arith.constant 0 : i32
      %dma_start3A_253 = arith.constant 0 : i32
      %dma_start3A_254 = tpu.memref_slice %arg2[%dma_start3A_252, %dma_start3A_253] : memref<10000x128xf32, #tpu.memory_space<hbm>> -> memref<10000x128xf32, #tpu.memory_space<hbm>>
      tpu.enqueue_indirect_dma source(%dma_start3A_254 : memref<10000x128xf32, #tpu.memory_space<hbm>>) target(%arg13 : memref<80x128xf32, #tpu.memory_space<vmem>>) offsets(%dma_start3A_251 : memref<80xi32, #tpu.memory_space<vmem>>) semaphore(%arg25 : memref<!tpu.dma_semaphore, #tpu.memory_space<semaphore_mem>>)
      %dma_start3A_255 = tpu.memref_slice %arg18[%mul3A_250] : memref<10000xi32, #tpu.memory_space<vmem>> -> memref<80xi32, #tpu.memory_space<vmem>>
      %dma_start3A_256 = arith.constant 0 : i32
      %dma_start3A_257 = arith.constant 0 : i32
      %dma_start3A_258 = tpu.memref_slice %arg3[%dma_start3A_256, %dma_start3A_257] : memref<10000x128xf32, #tpu.memory_space<hbm>> -> memref<10000x128xf32, #tpu.memory_space<hbm>>
      tpu.enqueue_indirect_dma source(%dma_start3A_258 : memref<10000x128xf32, #tpu.memory_space<hbm>>) target(%arg15 : memref<80x128xf32, #tpu.memory_space<vmem>>) offsets(%dma_start3A_255 : memref<80xi32, #tpu.memory_space<vmem>>) semaphore(%arg27 : memref<!tpu.dma_semaphore, #tpu.memory_space<semaphore_mem>>)
      %le3A = arith.constant 39 : i32
      %le3A_259 = arith.cmpi sle, %while3A_225, %le3A : i32
      %convert_element_type3A = arith.extui %le3A_259 : i1 to i32
      %cond3A = arith.constant 0 : i32
      %cond3A_260 = arith.cmpi ne, %convert_element_type3A, %cond3A : i32
      scf.if %cond3A_260 {
        %mul3A_371 = arith.constant 4 : i32
        %mul3A_372 = arith.muli %while3A_225, %mul3A_371 : i32
        %add3A_373 = arith.constant 0 : i32
        %add3A_374 = arith.addi %mul3A_372, %add3A_373 : i32
        %dma_start3A_375 = arith.constant 0 : i32
        %dma_start3A_376 = tpu.memref_slice %arg19[%add3A_374, %dma_start3A_375] : memref<160x128xf32, #tpu.memory_space<vmem>> -> memref<1x128xf32, #tpu.memory_space<vmem>>
        %dma_start3A_377 = tpu.memref_squeeze %dma_start3A_376 : memref<1x128xf32, #tpu.memory_space<vmem>> -> memref<128xf32, #tpu.memory_space<vmem>>
        %dma_start3A_378 = arith.constant 0 : i32
        %dma_start3A_379 = tpu.memref_slice %arg20[%add3A_374, %dma_start3A_378] : memref<160x128xi32, #tpu.memory_space<vmem>> -> memref<1x128xi32, #tpu.memory_space<vmem>>
        %dma_start3A_380 = tpu.memref_squeeze %dma_start3A_379 : memref<1x128xi32, #tpu.memory_space<vmem>> -> memref<128xi32, #tpu.memory_space<vmem>>
        %dma_start3A_381 = arith.constant 0 : i32
        %dma_start3A_382 = tpu.memref_slice %arg24[%dma_start3A_381] : memref<10240xf32, #tpu.memory_space<vmem_shared>> -> memref<10240xf32, #tpu.memory_space<vmem_shared>>
        tpu.enqueue_indirect_dma source(%dma_start3A_377 : memref<128xf32, #tpu.memory_space<vmem>>) target(%dma_start3A_382 : memref<10240xf32, #tpu.memory_space<vmem_shared>>) offsets(%dma_start3A_380 : memref<128xi32, #tpu.memory_space<vmem>>) semaphore(%arg29 : memref<!tpu.dma_semaphore, #tpu.memory_space<semaphore_mem>>) {add = true}
        %mul3A_383 = arith.constant 4 : i32
        %mul3A_384 = arith.muli %while3A_225, %mul3A_383 : i32
        %add3A_385 = arith.constant 1 : i32
        %add3A_386 = arith.addi %mul3A_384, %add3A_385 : i32
        %dma_start3A_387 = arith.constant 0 : i32
        %dma_start3A_388 = tpu.memref_slice %arg19[%add3A_386, %dma_start3A_387] : memref<160x128xf32, #tpu.memory_space<vmem>> -> memref<1x128xf32, #tpu.memory_space<vmem>>
        %dma_start3A_389 = tpu.memref_squeeze %dma_start3A_388 : memref<1x128xf32, #tpu.memory_space<vmem>> -> memref<128xf32, #tpu.memory_space<vmem>>
        %dma_start3A_390 = arith.constant 0 : i32
        %dma_start3A_391 = tpu.memref_slice %arg20[%add3A_386, %dma_start3A_390] : memref<160x128xi32, #tpu.memory_space<vmem>> -> memref<1x128xi32, #tpu.memory_space<vmem>>
        %dma_start3A_392 = tpu.memref_squeeze %dma_start3A_391 : memref<1x128xi32, #tpu.memory_space<vmem>> -> memref<128xi32, #tpu.memory_space<vmem>>
        %dma_start3A_393 = arith.constant 0 : i32
        %dma_start3A_394 = tpu.memref_slice %arg24[%dma_start3A_393] : memref<10240xf32, #tpu.memory_space<vmem_shared>> -> memref<10240xf32, #tpu.memory_space<vmem_shared>>
        tpu.enqueue_indirect_dma source(%dma_start3A_389 : memref<128xf32, #tpu.memory_space<vmem>>) target(%dma_start3A_394 : memref<10240xf32, #tpu.memory_space<vmem_shared>>) offsets(%dma_start3A_392 : memref<128xi32, #tpu.memory_space<vmem>>) semaphore(%arg29 : memref<!tpu.dma_semaphore, #tpu.memory_space<semaphore_mem>>) {add = true}
        %mul3A_395 = arith.constant 4 : i32
        %mul3A_396 = arith.muli %while3A_225, %mul3A_395 : i32
        %add3A_397 = arith.constant 2 : i32
        %add3A_398 = arith.addi %mul3A_396, %add3A_397 : i32
        %dma_start3A_399 = arith.constant 0 : i32
        %dma_start3A_400 = tpu.memref_slice %arg19[%add3A_398, %dma_start3A_399] : memref<160x128xf32, #tpu.memory_space<vmem>> -> memref<1x128xf32, #tpu.memory_space<vmem>>
        %dma_start3A_401 = tpu.memref_squeeze %dma_start3A_400 : memref<1x128xf32, #tpu.memory_space<vmem>> -> memref<128xf32, #tpu.memory_space<vmem>>
        %dma_start3A_402 = arith.constant 0 : i32
        %dma_start3A_403 = tpu.memref_slice %arg20[%add3A_398, %dma_start3A_402] : memref<160x128xi32, #tpu.memory_space<vmem>> -> memref<1x128xi32, #tpu.memory_space<vmem>>
        %dma_start3A_404 = tpu.memref_squeeze %dma_start3A_403 : memref<1x128xi32, #tpu.memory_space<vmem>> -> memref<128xi32, #tpu.memory_space<vmem>>
        %dma_start3A_405 = arith.constant 0 : i32
        %dma_start3A_406 = tpu.memref_slice %arg24[%dma_start3A_405] : memref<10240xf32, #tpu.memory_space<vmem_shared>> -> memref<10240xf32, #tpu.memory_space<vmem_shared>>
        tpu.enqueue_indirect_dma source(%dma_start3A_401 : memref<128xf32, #tpu.memory_space<vmem>>) target(%dma_start3A_406 : memref<10240xf32, #tpu.memory_space<vmem_shared>>) offsets(%dma_start3A_404 : memref<128xi32, #tpu.memory_space<vmem>>) semaphore(%arg29 : memref<!tpu.dma_semaphore, #tpu.memory_space<semaphore_mem>>) {add = true}
        %mul3A_407 = arith.constant 4 : i32
        %mul3A_408 = arith.muli %while3A_225, %mul3A_407 : i32
        %add3A_409 = arith.constant 3 : i32
        %add3A_410 = arith.addi %mul3A_408, %add3A_409 : i32
        %dma_start3A_411 = arith.constant 0 : i32
        %dma_start3A_412 = tpu.memref_slice %arg19[%add3A_410, %dma_start3A_411] : memref<160x128xf32, #tpu.memory_space<vmem>> -> memref<1x128xf32, #tpu.memory_space<vmem>>
        %dma_start3A_413 = tpu.memref_squeeze %dma_start3A_412 : memref<1x128xf32, #tpu.memory_space<vmem>> -> memref<128xf32, #tpu.memory_space<vmem>>
        %dma_start3A_414 = arith.constant 0 : i32
        %dma_start3A_415 = tpu.memref_slice %arg20[%add3A_410, %dma_start3A_414] : memref<160x128xi32, #tpu.memory_space<vmem>> -> memref<1x128xi32, #tpu.memory_space<vmem>>
        %dma_start3A_416 = tpu.memref_squeeze %dma_start3A_415 : memref<1x128xi32, #tpu.memory_space<vmem>> -> memref<128xi32, #tpu.memory_space<vmem>>
        %dma_start3A_417 = arith.constant 0 : i32
        %dma_start3A_418 = tpu.memref_slice %arg24[%dma_start3A_417] : memref<10240xf32, #tpu.memory_space<vmem_shared>> -> memref<10240xf32, #tpu.memory_space<vmem_shared>>
        tpu.enqueue_indirect_dma source(%dma_start3A_413 : memref<128xf32, #tpu.memory_space<vmem>>) target(%dma_start3A_418 : memref<10240xf32, #tpu.memory_space<vmem_shared>>) offsets(%dma_start3A_416 : memref<128xi32, #tpu.memory_space<vmem>>) semaphore(%arg29 : memref<!tpu.dma_semaphore, #tpu.memory_space<semaphore_mem>>) {add = true}
      } else {
      }
      %mul3A_261 = arith.constant 80 : i32
      %mul3A_262 = arith.muli %mul3A_236, %mul3A_261 : i32
      %add3A_263 = arith.constant 0 : i32
      %add3A_264 = arith.addi %mul3A_262, %add3A_263 : i32
      %get3A_265 = arith.index_cast %add3A_264 : i32 to index
      %get3A_266 = tpu.vector_load %arg17[%get3A_265] {strides = array<i32>} : memref<10000xi32, #tpu.memory_space<vmem>>, vector<16xi32>,
      %gather3A_267 = tpu.vector_load_idx %arg12[%get3A_266] : memref<10000xf32, #tpu.memory_space<vmem>>[vector<16xi32>], vector<16xf32>,
      %add3A_268 = arith.addf %while3A_234, %gather3A_267 : vector<16xf32>
      %add3A_269 = arith.constant 16 : i32
      %add3A_270 = arith.addi %mul3A_262, %add3A_269 : i32
      %get3A_271 = arith.index_cast %add3A_270 : i32 to index
      %get3A_272 = tpu.vector_load %arg17[%get3A_271] {strides = array<i32>} : memref<10000xi32, #tpu.memory_space<vmem>>, vector<16xi32>,
      %gather3A_273 = tpu.vector_load_idx %arg12[%get3A_272] : memref<10000xf32, #tpu.memory_space<vmem>>[vector<16xi32>], vector<16xf32>,
      %add3A_274 = arith.addf %add3A_268, %gather3A_273 : vector<16xf32>
      %add3A_275 = arith.constant 32 : i32
      %add3A_276 = arith.addi %mul3A_262, %add3A_275 : i32
      %get3A_277 = arith.index_cast %add3A_276 : i32 to index
      %get3A_278 = tpu.vector_load %arg17[%get3A_277] {strides = array<i32>} : memref<10000xi32, #tpu.memory_space<vmem>>, vector<16xi32>,
      %gather3A_279 = tpu.vector_load_idx %arg12[%get3A_278] : memref<10000xf32, #tpu.memory_space<vmem>>[vector<16xi32>], vector<16xf32>,
      %add3A_280 = arith.addf %add3A_274, %gather3A_279 : vector<16xf32>
      %add3A_281 = arith.constant 48 : i32
      %add3A_282 = arith.addi %mul3A_262, %add3A_281 : i32
      %get3A_283 = arith.index_cast %add3A_282 : i32 to index
      %get3A_284 = tpu.vector_load %arg17[%get3A_283] {strides = array<i32>} : memref<10000xi32, #tpu.memory_space<vmem>>, vector<16xi32>,
      %gather3A_285 = tpu.vector_load_idx %arg12[%get3A_284] : memref<10000xf32, #tpu.memory_space<vmem>>[vector<16xi32>], vector<16xf32>,
      %add3A_286 = arith.addf %add3A_280, %gather3A_285 : vector<16xf32>
      %add3A_287 = arith.constant 64 : i32
      %add3A_288 = arith.addi %mul3A_262, %add3A_287 : i32
      %get3A_289 = arith.index_cast %add3A_288 : i32 to index
      %get3A_290 = tpu.vector_load %arg17[%get3A_289] {strides = array<i32>} : memref<10000xi32, #tpu.memory_space<vmem>>, vector<16xi32>,
      %gather3A_291 = tpu.vector_load_idx %arg12[%get3A_290] : memref<10000xf32, #tpu.memory_space<vmem>>[vector<16xi32>], vector<16xf32>,
      %add3A_292 = arith.addf %add3A_286, %gather3A_291 : vector<16xf32>
      %while3A_293 = arith.constant 0 : i32
      %while3A_294 = arith.constant 40 : i32
      %while3A_295 = arith.subi %while3A_294, %while3A_293 : i32
      %while3A_296 = arith.addi %while3A_293, %while3A_295 : i32
      %while3A_297 = arith.constant 1 : i32
      %while3A_298 = arith.divsi %while3A_295, %while3A_297 : i32
      %while3A_299 = arith.muli %while3A_298, %while3A_297 : i32
      %while3A_300 = arith.addi %while3A_293, %while3A_299 : i32
      %while3A_301 = arith.constant 1 : i32
      %while3A_302:8 = scf.for %while3A_371 = %while3A_293 to %while3A_300 step %while3A_301 iter_args(%while3A_372 = %while3A_226, %while3A_373 = %while3A_227, %while3A_374 = %while3A_228, %while3A_375 = %while3A_229, %while3A_376 = %while3A_230, %while3A_377 = %while3A_231, %while3A_378 = %while3A_232, %while3A_379 = %while3A_233) -> (vector<16xf32>, vector<16xf32>, vector<16xf32>, vector<16xf32>, vector<16xf32>, vector<16xf32>, vector<16xf32>, vector<16xf32>)  : i32 {
        %mul3A_380 = arith.constant 2 : i32
        %mul3A_381 = arith.muli %while3A_371, %mul3A_380 : i32
        %add3A_382 = arith.constant 0 : i32
        %add3A_383 = arith.addi %mul3A_381, %add3A_382 : i32
        %get3A_384 = arith.index_cast %add3A_383 : i32 to index
        %get3A_385 = arith.constant 0 : index
        %get3A_386 = tpu.vector_load %arg13[%get3A_384, %get3A_385] {strides = array<i32>} : memref<80x128xf32, #tpu.memory_space<vmem>>, vector<16xf32>,
        %get3A_387 = arith.index_cast %add3A_383 : i32 to index
        %get3A_388 = arith.constant 0 : index
        %get3A_389 = tpu.vector_load %arg15[%get3A_387, %get3A_388] {strides = array<i32>} : memref<80x128xf32, #tpu.memory_space<vmem>>, vector<16xf32>,
        %mul3A_390 = arith.mulf %get3A_386, %get3A_389 : vector<16xf32>
        %add3A_391 = arith.addf %while3A_372, %mul3A_390 : vector<16xf32>
        %get3A_392 = arith.index_cast %add3A_383 : i32 to index
        %get3A_393 = arith.constant 16 : index
        %get3A_394 = tpu.vector_load %arg13[%get3A_392, %get3A_393] {strides = array<i32>} : memref<80x128xf32, #tpu.memory_space<vmem>>, vector<16xf32>,
        %get3A_395 = arith.index_cast %add3A_383 : i32 to index
        %get3A_396 = arith.constant 16 : index
        %get3A_397 = tpu.vector_load %arg15[%get3A_395, %get3A_396] {strides = array<i32>} : memref<80x128xf32, #tpu.memory_space<vmem>>, vector<16xf32>,
        %mul3A_398 = arith.mulf %get3A_394, %get3A_397 : vector<16xf32>
        %add3A_399 = arith.addf %while3A_373, %mul3A_398 : vector<16xf32>
        %get3A_400 = arith.index_cast %add3A_383 : i32 to index
        %get3A_401 = arith.constant 32 : index
        %get3A_402 = tpu.vector_load %arg13[%get3A_400, %get3A_401] {strides = array<i32>} : memref<80x128xf32, #tpu.memory_space<vmem>>, vector<16xf32>,
        %get3A_403 = arith.index_cast %add3A_383 : i32 to index
        %get3A_404 = arith.constant 32 : index
        %get3A_405 = tpu.vector_load %arg15[%get3A_403, %get3A_404] {strides = array<i32>} : memref<80x128xf32, #tpu.memory_space<vmem>>, vector<16xf32>,
        %mul3A_406 = arith.mulf %get3A_402, %get3A_405 : vector<16xf32>
        %add3A_407 = arith.addf %while3A_374, %mul3A_406 : vector<16xf32>
        %get3A_408 = arith.index_cast %add3A_383 : i32 to index
        %get3A_409 = arith.constant 48 : index
        %get3A_410 = tpu.vector_load %arg13[%get3A_408, %get3A_409] {strides = array<i32>} : memref<80x128xf32, #tpu.memory_space<vmem>>, vector<16xf32>,
        %get3A_411 = arith.index_cast %add3A_383 : i32 to index
        %get3A_412 = arith.constant 48 : index
        %get3A_413 = tpu.vector_load %arg15[%get3A_411, %get3A_412] {strides = array<i32>} : memref<80x128xf32, #tpu.memory_space<vmem>>, vector<16xf32>,
        %mul3A_414 = arith.mulf %get3A_410, %get3A_413 : vector<16xf32>
        %add3A_415 = arith.addf %while3A_375, %mul3A_414 : vector<16xf32>
        %get3A_416 = arith.index_cast %add3A_383 : i32 to index
        %get3A_417 = arith.constant 64 : index
        %get3A_418 = tpu.vector_load %arg13[%get3A_416, %get3A_417] {strides = array<i32>} : memref<80x128xf32, #tpu.memory_space<vmem>>, vector<16xf32>,
        %get3A_419 = arith.index_cast %add3A_383 : i32 to index
        %get3A_420 = arith.constant 64 : index
        %get3A_421 = tpu.vector_load %arg15[%get3A_419, %get3A_420] {strides = array<i32>} : memref<80x128xf32, #tpu.memory_space<vmem>>, vector<16xf32>,
        %mul3A_422 = arith.mulf %get3A_418, %get3A_421 : vector<16xf32>
        %add3A_423 = arith.addf %while3A_376, %mul3A_422 : vector<16xf32>
        %get3A_424 = arith.index_cast %add3A_383 : i32 to index
        %get3A_425 = arith.constant 80 : index
        %get3A_426 = tpu.vector_load %arg13[%get3A_424, %get3A_425] {strides = array<i32>} : memref<80x128xf32, #tpu.memory_space<vmem>>, vector<16xf32>,
        %get3A_427 = arith.index_cast %add3A_383 : i32 to index
        %get3A_428 = arith.constant 80 : index
        %get3A_429 = tpu.vector_load %arg15[%get3A_427, %get3A_428] {strides = array<i32>} : memref<80x128xf32, #tpu.memory_space<vmem>>, vector<16xf32>,
        %mul3A_430 = arith.mulf %get3A_426, %get3A_429 : vector<16xf32>
        %add3A_431 = arith.addf %while3A_377, %mul3A_430 : vector<16xf32>
        %get3A_432 = arith.index_cast %add3A_383 : i32 to index
        %get3A_433 = arith.constant 96 : index
        %get3A_434 = tpu.vector_load %arg13[%get3A_432, %get3A_433] {strides = array<i32>} : memref<80x128xf32, #tpu.memory_space<vmem>>, vector<16xf32>,
        %get3A_435 = arith.index_cast %add3A_383 : i32 to index
        %get3A_436 = arith.constant 96 : index
        %get3A_437 = tpu.vector_load %arg15[%get3A_435, %get3A_436] {strides = array<i32>} : memref<80x128xf32, #tpu.memory_space<vmem>>, vector<16xf32>,
        %mul3A_438 = arith.mulf %get3A_434, %get3A_437 : vector<16xf32>
        %add3A_439 = arith.addf %while3A_378, %mul3A_438 : vector<16xf32>
        %get3A_440 = arith.index_cast %add3A_383 : i32 to index
        %get3A_441 = arith.constant 112 : index
        %get3A_442 = tpu.vector_load %arg13[%get3A_440, %get3A_441] {strides = array<i32>} : memref<80x128xf32, #tpu.memory_space<vmem>>, vector<16xf32>,
        %get3A_443 = arith.index_cast %add3A_383 : i32 to index
        %get3A_444 = arith.constant 112 : index
        %get3A_445 = tpu.vector_load %arg15[%get3A_443, %get3A_444] {strides = array<i32>} : memref<80x128xf32, #tpu.memory_space<vmem>>, vector<16xf32>,
        %mul3A_446 = arith.mulf %get3A_442, %get3A_445 : vector<16xf32>
        %add3A_447 = arith.addf %while3A_379, %mul3A_446 : vector<16xf32>
        %mul3A_448 = arith.constant 2 : i32
        %mul3A_449 = arith.muli %while3A_371, %mul3A_448 : i32
        %add3A_450 = arith.constant 1 : i32
        %add3A_451 = arith.addi %mul3A_449, %add3A_450 : i32
        %get3A_452 = arith.index_cast %add3A_451 : i32 to index
        %get3A_453 = arith.constant 0 : index
        %get3A_454 = tpu.vector_load %arg13[%get3A_452, %get3A_453] {strides = array<i32>} : memref<80x128xf32, #tpu.memory_space<vmem>>, vector<16xf32>,
        %get3A_455 = arith.index_cast %add3A_451 : i32 to index
        %get3A_456 = arith.constant 0 : index
        %get3A_457 = tpu.vector_load %arg15[%get3A_455, %get3A_456] {strides = array<i32>} : memref<80x128xf32, #tpu.memory_space<vmem>>, vector<16xf32>,
        %mul3A_458 = arith.mulf %get3A_454, %get3A_457 : vector<16xf32>
        %add3A_459 = arith.addf %add3A_391, %mul3A_458 : vector<16xf32>
        %get3A_460 = arith.index_cast %add3A_451 : i32 to index
        %get3A_461 = arith.constant 16 : index
        %get3A_462 = tpu.vector_load %arg13[%get3A_460, %get3A_461] {strides = array<i32>} : memref<80x128xf32, #tpu.memory_space<vmem>>, vector<16xf32>,
        %get3A_463 = arith.index_cast %add3A_451 : i32 to index
        %get3A_464 = arith.constant 16 : index
        %get3A_465 = tpu.vector_load %arg15[%get3A_463, %get3A_464] {strides = array<i32>} : memref<80x128xf32, #tpu.memory_space<vmem>>, vector<16xf32>,
        %mul3A_466 = arith.mulf %get3A_462, %get3A_465 : vector<16xf32>
        %add3A_467 = arith.addf %add3A_399, %mul3A_466 : vector<16xf32>
        %get3A_468 = arith.index_cast %add3A_451 : i32 to index
        %get3A_469 = arith.constant 32 : index
        %get3A_470 = tpu.vector_load %arg13[%get3A_468, %get3A_469] {strides = array<i32>} : memref<80x128xf32, #tpu.memory_space<vmem>>, vector<16xf32>,
        %get3A_471 = arith.index_cast %add3A_451 : i32 to index
        %get3A_472 = arith.constant 32 : index
        %get3A_473 = tpu.vector_load %arg15[%get3A_471, %get3A_472] {strides = array<i32>} : memref<80x128xf32, #tpu.memory_space<vmem>>, vector<16xf32>,
        %mul3A_474 = arith.mulf %get3A_470, %get3A_473 : vector<16xf32>
        %add3A_475 = arith.addf %add3A_407, %mul3A_474 : vector<16xf32>
        %get3A_476 = arith.index_cast %add3A_451 : i32 to index
        %get3A_477 = arith.constant 48 : index
        %get3A_478 = tpu.vector_load %arg13[%get3A_476, %get3A_477] {strides = array<i32>} : memref<80x128xf32, #tpu.memory_space<vmem>>, vector<16xf32>,
        %get3A_479 = arith.index_cast %add3A_451 : i32 to index
        %get3A_480 = arith.constant 48 : index
        %get3A_481 = tpu.vector_load %arg15[%get3A_479, %get3A_480] {strides = array<i32>} : memref<80x128xf32, #tpu.memory_space<vmem>>, vector<16xf32>,
        %mul3A_482 = arith.mulf %get3A_478, %get3A_481 : vector<16xf32>
        %add3A_483 = arith.addf %add3A_415, %mul3A_482 : vector<16xf32>
        %get3A_484 = arith.index_cast %add3A_451 : i32 to index
        %get3A_485 = arith.constant 64 : index
        %get3A_486 = tpu.vector_load %arg13[%get3A_484, %get3A_485] {strides = array<i32>} : memref<80x128xf32, #tpu.memory_space<vmem>>, vector<16xf32>,
        %get3A_487 = arith.index_cast %add3A_451 : i32 to index
        %get3A_488 = arith.constant 64 : index
        %get3A_489 = tpu.vector_load %arg15[%get3A_487, %get3A_488] {strides = array<i32>} : memref<80x128xf32, #tpu.memory_space<vmem>>, vector<16xf32>,
        %mul3A_490 = arith.mulf %get3A_486, %get3A_489 : vector<16xf32>
        %add3A_491 = arith.addf %add3A_423, %mul3A_490 : vector<16xf32>
        %get3A_492 = arith.index_cast %add3A_451 : i32 to index
        %get3A_493 = arith.constant 80 : index
        %get3A_494 = tpu.vector_load %arg13[%get3A_492, %get3A_493] {strides = array<i32>} : memref<80x128xf32, #tpu.memory_space<vmem>>, vector<16xf32>,
        %get3A_495 = arith.index_cast %add3A_451 : i32 to index
        %get3A_496 = arith.constant 80 : index
        %get3A_497 = tpu.vector_load %arg15[%get3A_495, %get3A_496] {strides = array<i32>} : memref<80x128xf32, #tpu.memory_space<vmem>>, vector<16xf32>,
        %mul3A_498 = arith.mulf %get3A_494, %get3A_497 : vector<16xf32>
        %add3A_499 = arith.addf %add3A_431, %mul3A_498 : vector<16xf32>
        %get3A_500 = arith.index_cast %add3A_451 : i32 to index
        %get3A_501 = arith.constant 96 : index
        %get3A_502 = tpu.vector_load %arg13[%get3A_500, %get3A_501] {strides = array<i32>} : memref<80x128xf32, #tpu.memory_space<vmem>>, vector<16xf32>,
        %get3A_503 = arith.index_cast %add3A_451 : i32 to index
        %get3A_504 = arith.constant 96 : index
        %get3A_505 = tpu.vector_load %arg15[%get3A_503, %get3A_504] {strides = array<i32>} : memref<80x128xf32, #tpu.memory_space<vmem>>, vector<16xf32>,
        %mul3A_506 = arith.mulf %get3A_502, %get3A_505 : vector<16xf32>
        %add3A_507 = arith.addf %add3A_439, %mul3A_506 : vector<16xf32>
        %get3A_508 = arith.index_cast %add3A_451 : i32 to index
        %get3A_509 = arith.constant 112 : index
        %get3A_510 = tpu.vector_load %arg13[%get3A_508, %get3A_509] {strides = array<i32>} : memref<80x128xf32, #tpu.memory_space<vmem>>, vector<16xf32>,
        %get3A_511 = arith.index_cast %add3A_451 : i32 to index
        %get3A_512 = arith.constant 112 : index
        %get3A_513 = tpu.vector_load %arg15[%get3A_511, %get3A_512] {strides = array<i32>} : memref<80x128xf32, #tpu.memory_space<vmem>>, vector<16xf32>,
        %mul3A_514 = arith.mulf %get3A_510, %get3A_513 : vector<16xf32>
        %add3A_515 = arith.addf %add3A_447, %mul3A_514 : vector<16xf32>
        scf.yield %add3A_459, %add3A_467, %add3A_475, %add3A_483, %add3A_491, %add3A_499, %add3A_507, %add3A_515 : vector<16xf32>, vector<16xf32>, vector<16xf32>, vector<16xf32>, vector<16xf32>, vector<16xf32>, vector<16xf32>, vector<16xf32>
      }
      %while3A_303 = arith.constant 1 : i32
      %while3A_304:8 = scf.for %while3A_371 = %while3A_300 to %while3A_296 step %while3A_303 iter_args(%while3A_372 = %while3A_302#0, %while3A_373 = %while3A_302#1, %while3A_374 = %while3A_302#2, %while3A_375 = %while3A_302#3, %while3A_376 = %while3A_302#4, %while3A_377 = %while3A_302#5, %while3A_378 = %while3A_302#6, %while3A_379 = %while3A_302#7) -> (vector<16xf32>, vector<16xf32>, vector<16xf32>, vector<16xf32>, vector<16xf32>, vector<16xf32>, vector<16xf32>, vector<16xf32>)  : i32 {
        %mul3A_380 = arith.constant 2 : i32
        %mul3A_381 = arith.muli %while3A_371, %mul3A_380 : i32
        %add3A_382 = arith.constant 0 : i32
        %add3A_383 = arith.addi %mul3A_381, %add3A_382 : i32
        %get3A_384 = arith.index_cast %add3A_383 : i32 to index
        %get3A_385 = arith.constant 0 : index
        %get3A_386 = tpu.vector_load %arg13[%get3A_384, %get3A_385] {strides = array<i32>} : memref<80x128xf32, #tpu.memory_space<vmem>>, vector<16xf32>,
        %get3A_387 = arith.index_cast %add3A_383 : i32 to index
        %get3A_388 = arith.constant 0 : index
        %get3A_389 = tpu.vector_load %arg15[%get3A_387, %get3A_388] {strides = array<i32>} : memref<80x128xf32, #tpu.memory_space<vmem>>, vector<16xf32>,
        %mul3A_390 = arith.mulf %get3A_386, %get3A_389 : vector<16xf32>
        %add3A_391 = arith.addf %while3A_372, %mul3A_390 : vector<16xf32>
        %get3A_392 = arith.index_cast %add3A_383 : i32 to index
        %get3A_393 = arith.constant 16 : index
        %get3A_394 = tpu.vector_load %arg13[%get3A_392, %get3A_393] {strides = array<i32>} : memref<80x128xf32, #tpu.memory_space<vmem>>, vector<16xf32>,
        %get3A_395 = arith.index_cast %add3A_383 : i32 to index
        %get3A_396 = arith.constant 16 : index
        %get3A_397 = tpu.vector_load %arg15[%get3A_395, %get3A_396] {strides = array<i32>} : memref<80x128xf32, #tpu.memory_space<vmem>>, vector<16xf32>,
        %mul3A_398 = arith.mulf %get3A_394, %get3A_397 : vector<16xf32>
        %add3A_399 = arith.addf %while3A_373, %mul3A_398 : vector<16xf32>
        %get3A_400 = arith.index_cast %add3A_383 : i32 to index
        %get3A_401 = arith.constant 32 : index
        %get3A_402 = tpu.vector_load %arg13[%get3A_400, %get3A_401] {strides = array<i32>} : memref<80x128xf32, #tpu.memory_space<vmem>>, vector<16xf32>,
        %get3A_403 = arith.index_cast %add3A_383 : i32 to index
        %get3A_404 = arith.constant 32 : index
        %get3A_405 = tpu.vector_load %arg15[%get3A_403, %get3A_404] {strides = array<i32>} : memref<80x128xf32, #tpu.memory_space<vmem>>, vector<16xf32>,
        %mul3A_406 = arith.mulf %get3A_402, %get3A_405 : vector<16xf32>
        %add3A_407 = arith.addf %while3A_374, %mul3A_406 : vector<16xf32>
        %get3A_408 = arith.index_cast %add3A_383 : i32 to index
        %get3A_409 = arith.constant 48 : index
        %get3A_410 = tpu.vector_load %arg13[%get3A_408, %get3A_409] {strides = array<i32>} : memref<80x128xf32, #tpu.memory_space<vmem>>, vector<16xf32>,
        %get3A_411 = arith.index_cast %add3A_383 : i32 to index
        %get3A_412 = arith.constant 48 : index
        %get3A_413 = tpu.vector_load %arg15[%get3A_411, %get3A_412] {strides = array<i32>} : memref<80x128xf32, #tpu.memory_space<vmem>>, vector<16xf32>,
        %mul3A_414 = arith.mulf %get3A_410, %get3A_413 : vector<16xf32>
        %add3A_415 = arith.addf %while3A_375, %mul3A_414 : vector<16xf32>
        %get3A_416 = arith.index_cast %add3A_383 : i32 to index
        %get3A_417 = arith.constant 64 : index
        %get3A_418 = tpu.vector_load %arg13[%get3A_416, %get3A_417] {strides = array<i32>} : memref<80x128xf32, #tpu.memory_space<vmem>>, vector<16xf32>,
        %get3A_419 = arith.index_cast %add3A_383 : i32 to index
        %get3A_420 = arith.constant 64 : index
        %get3A_421 = tpu.vector_load %arg15[%get3A_419, %get3A_420] {strides = array<i32>} : memref<80x128xf32, #tpu.memory_space<vmem>>, vector<16xf32>,
        %mul3A_422 = arith.mulf %get3A_418, %get3A_421 : vector<16xf32>
        %add3A_423 = arith.addf %while3A_376, %mul3A_422 : vector<16xf32>
        %get3A_424 = arith.index_cast %add3A_383 : i32 to index
        %get3A_425 = arith.constant 80 : index
        %get3A_426 = tpu.vector_load %arg13[%get3A_424, %get3A_425] {strides = array<i32>} : memref<80x128xf32, #tpu.memory_space<vmem>>, vector<16xf32>,
        %get3A_427 = arith.index_cast %add3A_383 : i32 to index
        %get3A_428 = arith.constant 80 : index
        %get3A_429 = tpu.vector_load %arg15[%get3A_427, %get3A_428] {strides = array<i32>} : memref<80x128xf32, #tpu.memory_space<vmem>>, vector<16xf32>,
        %mul3A_430 = arith.mulf %get3A_426, %get3A_429 : vector<16xf32>
        %add3A_431 = arith.addf %while3A_377, %mul3A_430 : vector<16xf32>
        %get3A_432 = arith.index_cast %add3A_383 : i32 to index
        %get3A_433 = arith.constant 96 : index
        %get3A_434 = tpu.vector_load %arg13[%get3A_432, %get3A_433] {strides = array<i32>} : memref<80x128xf32, #tpu.memory_space<vmem>>, vector<16xf32>,
        %get3A_435 = arith.index_cast %add3A_383 : i32 to index
        %get3A_436 = arith.constant 96 : index
        %get3A_437 = tpu.vector_load %arg15[%get3A_435, %get3A_436] {strides = array<i32>} : memref<80x128xf32, #tpu.memory_space<vmem>>, vector<16xf32>,
        %mul3A_438 = arith.mulf %get3A_434, %get3A_437 : vector<16xf32>
        %add3A_439 = arith.addf %while3A_378, %mul3A_438 : vector<16xf32>
        %get3A_440 = arith.index_cast %add3A_383 : i32 to index
        %get3A_441 = arith.constant 112 : index
        %get3A_442 = tpu.vector_load %arg13[%get3A_440, %get3A_441] {strides = array<i32>} : memref<80x128xf32, #tpu.memory_space<vmem>>, vector<16xf32>,
        %get3A_443 = arith.index_cast %add3A_383 : i32 to index
        %get3A_444 = arith.constant 112 : index
        %get3A_445 = tpu.vector_load %arg15[%get3A_443, %get3A_444] {strides = array<i32>} : memref<80x128xf32, #tpu.memory_space<vmem>>, vector<16xf32>,
        %mul3A_446 = arith.mulf %get3A_442, %get3A_445 : vector<16xf32>
        %add3A_447 = arith.addf %while3A_379, %mul3A_446 : vector<16xf32>
        %mul3A_448 = arith.constant 2 : i32
        %mul3A_449 = arith.muli %while3A_371, %mul3A_448 : i32
        %add3A_450 = arith.constant 1 : i32
        %add3A_451 = arith.addi %mul3A_449, %add3A_450 : i32
        %get3A_452 = arith.index_cast %add3A_451 : i32 to index
        %get3A_453 = arith.constant 0 : index
        %get3A_454 = tpu.vector_load %arg13[%get3A_452, %get3A_453] {strides = array<i32>} : memref<80x128xf32, #tpu.memory_space<vmem>>, vector<16xf32>,
        %get3A_455 = arith.index_cast %add3A_451 : i32 to index
        %get3A_456 = arith.constant 0 : index
        %get3A_457 = tpu.vector_load %arg15[%get3A_455, %get3A_456] {strides = array<i32>} : memref<80x128xf32, #tpu.memory_space<vmem>>, vector<16xf32>,
        %mul3A_458 = arith.mulf %get3A_454, %get3A_457 : vector<16xf32>
        %add3A_459 = arith.addf %add3A_391, %mul3A_458 : vector<16xf32>
        %get3A_460 = arith.index_cast %add3A_451 : i32 to index
        %get3A_461 = arith.constant 16 : index
        %get3A_462 = tpu.vector_load %arg13[%get3A_460, %get3A_461] {strides = array<i32>} : memref<80x128xf32, #tpu.memory_space<vmem>>, vector<16xf32>,
        %get3A_463 = arith.index_cast %add3A_451 : i32 to index
        %get3A_464 = arith.constant 16 : index
        %get3A_465 = tpu.vector_load %arg15[%get3A_463, %get3A_464] {strides = array<i32>} : memref<80x128xf32, #tpu.memory_space<vmem>>, vector<16xf32>,
        %mul3A_466 = arith.mulf %get3A_462, %get3A_465 : vector<16xf32>
        %add3A_467 = arith.addf %add3A_399, %mul3A_466 : vector<16xf32>
        %get3A_468 = arith.index_cast %add3A_451 : i32 to index
        %get3A_469 = arith.constant 32 : index
        %get3A_470 = tpu.vector_load %arg13[%get3A_468, %get3A_469] {strides = array<i32>} : memref<80x128xf32, #tpu.memory_space<vmem>>, vector<16xf32>,
        %get3A_471 = arith.index_cast %add3A_451 : i32 to index
        %get3A_472 = arith.constant 32 : index
        %get3A_473 = tpu.vector_load %arg15[%get3A_471, %get3A_472] {strides = array<i32>} : memref<80x128xf32, #tpu.memory_space<vmem>>, vector<16xf32>,
        %mul3A_474 = arith.mulf %get3A_470, %get3A_473 : vector<16xf32>
        %add3A_475 = arith.addf %add3A_407, %mul3A_474 : vector<16xf32>
        %get3A_476 = arith.index_cast %add3A_451 : i32 to index
        %get3A_477 = arith.constant 48 : index
        %get3A_478 = tpu.vector_load %arg13[%get3A_476, %get3A_477] {strides = array<i32>} : memref<80x128xf32, #tpu.memory_space<vmem>>, vector<16xf32>,
        %get3A_479 = arith.index_cast %add3A_451 : i32 to index
        %get3A_480 = arith.constant 48 : index
        %get3A_481 = tpu.vector_load %arg15[%get3A_479, %get3A_480] {strides = array<i32>} : memref<80x128xf32, #tpu.memory_space<vmem>>, vector<16xf32>,
        %mul3A_482 = arith.mulf %get3A_478, %get3A_481 : vector<16xf32>
        %add3A_483 = arith.addf %add3A_415, %mul3A_482 : vector<16xf32>
        %get3A_484 = arith.index_cast %add3A_451 : i32 to index
        %get3A_485 = arith.constant 64 : index
        %get3A_486 = tpu.vector_load %arg13[%get3A_484, %get3A_485] {strides = array<i32>} : memref<80x128xf32, #tpu.memory_space<vmem>>, vector<16xf32>,
        %get3A_487 = arith.index_cast %add3A_451 : i32 to index
        %get3A_488 = arith.constant 64 : index
        %get3A_489 = tpu.vector_load %arg15[%get3A_487, %get3A_488] {strides = array<i32>} : memref<80x128xf32, #tpu.memory_space<vmem>>, vector<16xf32>,
        %mul3A_490 = arith.mulf %get3A_486, %get3A_489 : vector<16xf32>
        %add3A_491 = arith.addf %add3A_423, %mul3A_490 : vector<16xf32>
        %get3A_492 = arith.index_cast %add3A_451 : i32 to index
        %get3A_493 = arith.constant 80 : index
        %get3A_494 = tpu.vector_load %arg13[%get3A_492, %get3A_493] {strides = array<i32>} : memref<80x128xf32, #tpu.memory_space<vmem>>, vector<16xf32>,
        %get3A_495 = arith.index_cast %add3A_451 : i32 to index
        %get3A_496 = arith.constant 80 : index
        %get3A_497 = tpu.vector_load %arg15[%get3A_495, %get3A_496] {strides = array<i32>} : memref<80x128xf32, #tpu.memory_space<vmem>>, vector<16xf32>,
        %mul3A_498 = arith.mulf %get3A_494, %get3A_497 : vector<16xf32>
        %add3A_499 = arith.addf %add3A_431, %mul3A_498 : vector<16xf32>
        %get3A_500 = arith.index_cast %add3A_451 : i32 to index
        %get3A_501 = arith.constant 96 : index
        %get3A_502 = tpu.vector_load %arg13[%get3A_500, %get3A_501] {strides = array<i32>} : memref<80x128xf32, #tpu.memory_space<vmem>>, vector<16xf32>,
        %get3A_503 = arith.index_cast %add3A_451 : i32 to index
        %get3A_504 = arith.constant 96 : index
        %get3A_505 = tpu.vector_load %arg15[%get3A_503, %get3A_504] {strides = array<i32>} : memref<80x128xf32, #tpu.memory_space<vmem>>, vector<16xf32>,
        %mul3A_506 = arith.mulf %get3A_502, %get3A_505 : vector<16xf32>
        %add3A_507 = arith.addf %add3A_439, %mul3A_506 : vector<16xf32>
        %get3A_508 = arith.index_cast %add3A_451 : i32 to index
        %get3A_509 = arith.constant 112 : index
        %get3A_510 = tpu.vector_load %arg13[%get3A_508, %get3A_509] {strides = array<i32>} : memref<80x128xf32, #tpu.memory_space<vmem>>, vector<16xf32>,
        %get3A_511 = arith.index_cast %add3A_451 : i32 to index
        %get3A_512 = arith.constant 112 : index
        %get3A_513 = tpu.vector_load %arg15[%get3A_511, %get3A_512] {strides = array<i32>} : memref<80x128xf32, #tpu.memory_space<vmem>>, vector<16xf32>,
        %mul3A_514 = arith.mulf %get3A_510, %get3A_513 : vector<16xf32>
        %add3A_515 = arith.addf %add3A_447, %mul3A_514 : vector<16xf32>
        scf.yield %add3A_459, %add3A_467, %add3A_475, %add3A_483, %add3A_491, %add3A_499, %add3A_507, %add3A_515 : vector<16xf32>, vector<16xf32>, vector<16xf32>, vector<16xf32>, vector<16xf32>, vector<16xf32>, vector<16xf32>, vector<16xf32>
      }
      %dma_wait3A_305 = arith.constant 0 : i32
      %dma_wait3A_306 = tpu.memref_slice %arg17[%dma_wait3A_305] : memref<10000xi32, #tpu.memory_space<vmem>> -> memref<80xi32, #tpu.memory_space<vmem>>
      %dma_wait3A_307 = arith.constant 0 : i32
      %dma_wait3A_308 = arith.constant 0 : i32
      %dma_wait3A_309 = tpu.memref_slice %arg2[%dma_wait3A_307, %dma_wait3A_308] : memref<10000x128xf32, #tpu.memory_space<hbm>> -> memref<10000x128xf32, #tpu.memory_space<hbm>>
      tpu.wait_indirect_dma semaphore(%arg26 : memref<!tpu.dma_semaphore, #tpu.memory_space<semaphore_mem>>) src(%dma_wait3A_309 : memref<10000x128xf32, #tpu.memory_space<hbm>>) dst(%arg14 : memref<80x128xf32, #tpu.memory_space<vmem>>)
      %dma_wait3A_310 = arith.constant 0 : i32
      %dma_wait3A_311 = tpu.memref_slice %arg18[%dma_wait3A_310] : memref<10000xi32, #tpu.memory_space<vmem>> -> memref<80xi32, #tpu.memory_space<vmem>>
      %dma_wait3A_312 = arith.constant 0 : i32
      %dma_wait3A_313 = arith.constant 0 : i32
      %dma_wait3A_314 = tpu.memref_slice %arg3[%dma_wait3A_312, %dma_wait3A_313] : memref<10000x128xf32, #tpu.memory_space<hbm>> -> memref<10000x128xf32, #tpu.memory_space<hbm>>
      tpu.wait_indirect_dma semaphore(%arg28 : memref<!tpu.dma_semaphore, #tpu.memory_space<semaphore_mem>>) src(%dma_wait3A_314 : memref<10000x128xf32, #tpu.memory_space<hbm>>) dst(%arg16 : memref<80x128xf32, #tpu.memory_space<vmem>>)
      %le3A_315 = arith.constant 60 : i32
      %le3A_316 = arith.cmpi sle, %while3A_225, %le3A_315 : i32
      %convert_element_type3A_317 = arith.extui %le3A_316 : i1 to i32
      %cond3A_318 = arith.constant 0 : i32
      %cond3A_319 = arith.cmpi ne, %convert_element_type3A_317, %cond3A_318 : i32
      scf.if %cond3A_319 {
        %add3A_371 = arith.constant 3 : i32
        %add3A_372 = arith.addi %mul3A_236, %add3A_371 : i32
        %mul3A_373 = arith.constant 80 : i32
        %mul3A_374 = arith.muli %add3A_372, %mul3A_373 : i32
        %dma_start3A_375 = tpu.memref_slice %arg17[%mul3A_374] : memref<10000xi32, #tpu.memory_space<vmem>> -> memref<80xi32, #tpu.memory_space<vmem>>
        %dma_start3A_376 = arith.constant 0 : i32
        %dma_start3A_377 = arith.constant 0 : i32
        %dma_start3A_378 = tpu.memref_slice %arg2[%dma_start3A_376, %dma_start3A_377] : memref<10000x128xf32, #tpu.memory_space<hbm>> -> memref<10000x128xf32, #tpu.memory_space<hbm>>
        tpu.enqueue_indirect_dma source(%dma_start3A_378 : memref<10000x128xf32, #tpu.memory_space<hbm>>) target(%arg14 : memref<80x128xf32, #tpu.memory_space<vmem>>) offsets(%dma_start3A_375 : memref<80xi32, #tpu.memory_space<vmem>>) semaphore(%arg26 : memref<!tpu.dma_semaphore, #tpu.memory_space<semaphore_mem>>)
        %dma_start3A_379 = tpu.memref_slice %arg18[%mul3A_374] : memref<10000xi32, #tpu.memory_space<vmem>> -> memref<80xi32, #tpu.memory_space<vmem>>
        %dma_start3A_380 = arith.constant 0 : i32
        %dma_start3A_381 = arith.constant 0 : i32
        %dma_start3A_382 = tpu.memref_slice %arg3[%dma_start3A_380, %dma_start3A_381] : memref<10000x128xf32, #tpu.memory_space<hbm>> -> memref<10000x128xf32, #tpu.memory_space<hbm>>
        tpu.enqueue_indirect_dma source(%dma_start3A_382 : memref<10000x128xf32, #tpu.memory_space<hbm>>) target(%arg16 : memref<80x128xf32, #tpu.memory_space<vmem>>) offsets(%dma_start3A_379 : memref<80xi32, #tpu.memory_space<vmem>>) semaphore(%arg28 : memref<!tpu.dma_semaphore, #tpu.memory_space<semaphore_mem>>)
      } else {
      }
      %add3A_320 = arith.constant 1 : i32
      %add3A_321 = arith.addi %mul3A_236, %add3A_320 : i32
      %mul3A_322 = arith.constant 80 : i32
      %mul3A_323 = arith.muli %add3A_321, %mul3A_322 : i32
      %add3A_324 = arith.constant 0 : i32
      %add3A_325 = arith.addi %mul3A_323, %add3A_324 : i32
      %get3A_326 = arith.index_cast %add3A_325 : i32 to index
      %get3A_327 = tpu.vector_load %arg17[%get3A_326] {strides = array<i32>} : memref<10000xi32, #tpu.memory_space<vmem>>, vector<16xi32>,
      %gather3A_328 = tpu.vector_load_idx %arg12[%get3A_327] : memref<10000xf32, #tpu.memory_space<vmem>>[vector<16xi32>], vector<16xf32>,
      %add3A_329 = arith.addf %add3A_292, %gather3A_328 : vector<16xf32>
      %add3A_330 = arith.constant 16 : i32
      %add3A_331 = arith.addi %mul3A_323, %add3A_330 : i32
      %get3A_332 = arith.index_cast %add3A_331 : i32 to index
      %get3A_333 = tpu.vector_load %arg17[%get3A_332] {strides = array<i32>} : memref<10000xi32, #tpu.memory_space<vmem>>, vector<16xi32>,
      %gather3A_334 = tpu.vector_load_idx %arg12[%get3A_333] : memref<10000xf32, #tpu.memory_space<vmem>>[vector<16xi32>], vector<16xf32>,
      %add3A_335 = arith.addf %add3A_329, %gather3A_334 : vector<16xf32>
      %add3A_336 = arith.constant 32 : i32
      %add3A_337 = arith.addi %mul3A_323, %add3A_336 : i32
      %get3A_338 = arith.index_cast %add3A_337 : i32 to index
      %get3A_339 = tpu.vector_load %arg17[%get3A_338] {strides = array<i32>} : memref<10000xi32, #tpu.memory_space<vmem>>, vector<16xi32>,
      %gather3A_340 = tpu.vector_load_idx %arg12[%get3A_339] : memref<10000xf32, #tpu.memory_space<vmem>>[vector<16xi32>], vector<16xf32>,
      %add3A_341 = arith.addf %add3A_335, %gather3A_340 : vector<16xf32>
      %add3A_342 = arith.constant 48 : i32
      %add3A_343 = arith.addi %mul3A_323, %add3A_342 : i32
      %get3A_344 = arith.index_cast %add3A_343 : i32 to index
      %get3A_345 = tpu.vector_load %arg17[%get3A_344] {strides = array<i32>} : memref<10000xi32, #tpu.memory_space<vmem>>, vector<16xi32>,
      %gather3A_346 = tpu.vector_load_idx %arg12[%get3A_345] : memref<10000xf32, #tpu.memory_space<vmem>>[vector<16xi32>], vector<16xf32>,
      %add3A_347 = arith.addf %add3A_341, %gather3A_346 : vector<16xf32>
      %add3A_348 = arith.constant 64 : i32
      %add3A_349 = arith.addi %mul3A_323, %add3A_348 : i32
      %get3A_350 = arith.index_cast %add3A_349 : i32 to index
      %get3A_351 = tpu.vector_load %arg17[%get3A_350] {strides = array<i32>} : memref<10000xi32, #tpu.memory_space<vmem>>, vector<16xi32>,
      %gather3A_352 = tpu.vector_load_idx %arg12[%get3A_351] : memref<10000xf32, #tpu.memory_space<vmem>>[vector<16xi32>], vector<16xf32>,
      %add3A_353 = arith.addf %add3A_347, %gather3A_352 : vector<16xf32>
      %while3A_354 = arith.constant 0 : i32
      %while3A_355 = arith.constant 40 : i32
      %while3A_356 = arith.subi %while3A_355, %while3A_354 : i32
      %while3A_357 = arith.addi %while3A_354, %while3A_356 : i32
      %while3A_358 = arith.constant 1 : i32
      %while3A_359 = arith.divsi %while3A_356, %while3A_358 : i32
      %while3A_360 = arith.muli %while3A_359, %while3A_358 : i32
      %while3A_361 = arith.addi %while3A_354, %while3A_360 : i32
      %while3A_362 = arith.constant 1 : i32
      %while3A_363:8 = scf.for %while3A_371 = %while3A_354 to %while3A_361 step %while3A_362 iter_args(%while3A_372 = %while3A_304#0, %while3A_373 = %while3A_304#1, %while3A_374 = %while3A_304#2, %while3A_375 = %while3A_304#3, %while3A_376 = %while3A_304#4, %while3A_377 = %while3A_304#5, %while3A_378 = %while3A_304#6, %while3A_379 = %while3A_304#7) -> (vector<16xf32>, vector<16xf32>, vector<16xf32>, vector<16xf32>, vector<16xf32>, vector<16xf32>, vector<16xf32>, vector<16xf32>)  : i32 {
        %mul3A_380 = arith.constant 2 : i32
        %mul3A_381 = arith.muli %while3A_371, %mul3A_380 : i32
        %add3A_382 = arith.constant 0 : i32
        %add3A_383 = arith.addi %mul3A_381, %add3A_382 : i32
        %get3A_384 = arith.index_cast %add3A_383 : i32 to index
        %get3A_385 = arith.constant 0 : index
        %get3A_386 = tpu.vector_load %arg14[%get3A_384, %get3A_385] {strides = array<i32>} : memref<80x128xf32, #tpu.memory_space<vmem>>, vector<16xf32>,
        %get3A_387 = arith.index_cast %add3A_383 : i32 to index
        %get3A_388 = arith.constant 0 : index
        %get3A_389 = tpu.vector_load %arg16[%get3A_387, %get3A_388] {strides = array<i32>} : memref<80x128xf32, #tpu.memory_space<vmem>>, vector<16xf32>,
        %mul3A_390 = arith.mulf %get3A_386, %get3A_389 : vector<16xf32>
        %add3A_391 = arith.addf %while3A_372, %mul3A_390 : vector<16xf32>
        %get3A_392 = arith.index_cast %add3A_383 : i32 to index
        %get3A_393 = arith.constant 16 : index
        %get3A_394 = tpu.vector_load %arg14[%get3A_392, %get3A_393] {strides = array<i32>} : memref<80x128xf32, #tpu.memory_space<vmem>>, vector<16xf32>,
        %get3A_395 = arith.index_cast %add3A_383 : i32 to index
        %get3A_396 = arith.constant 16 : index
        %get3A_397 = tpu.vector_load %arg16[%get3A_395, %get3A_396] {strides = array<i32>} : memref<80x128xf32, #tpu.memory_space<vmem>>, vector<16xf32>,
        %mul3A_398 = arith.mulf %get3A_394, %get3A_397 : vector<16xf32>
        %add3A_399 = arith.addf %while3A_373, %mul3A_398 : vector<16xf32>
        %get3A_400 = arith.index_cast %add3A_383 : i32 to index
        %get3A_401 = arith.constant 32 : index
        %get3A_402 = tpu.vector_load %arg14[%get3A_400, %get3A_401] {strides = array<i32>} : memref<80x128xf32, #tpu.memory_space<vmem>>, vector<16xf32>,
        %get3A_403 = arith.index_cast %add3A_383 : i32 to index
        %get3A_404 = arith.constant 32 : index
        %get3A_405 = tpu.vector_load %arg16[%get3A_403, %get3A_404] {strides = array<i32>} : memref<80x128xf32, #tpu.memory_space<vmem>>, vector<16xf32>,
        %mul3A_406 = arith.mulf %get3A_402, %get3A_405 : vector<16xf32>
        %add3A_407 = arith.addf %while3A_374, %mul3A_406 : vector<16xf32>
        %get3A_408 = arith.index_cast %add3A_383 : i32 to index
        %get3A_409 = arith.constant 48 : index
        %get3A_410 = tpu.vector_load %arg14[%get3A_408, %get3A_409] {strides = array<i32>} : memref<80x128xf32, #tpu.memory_space<vmem>>, vector<16xf32>,
        %get3A_411 = arith.index_cast %add3A_383 : i32 to index
        %get3A_412 = arith.constant 48 : index
        %get3A_413 = tpu.vector_load %arg16[%get3A_411, %get3A_412] {strides = array<i32>} : memref<80x128xf32, #tpu.memory_space<vmem>>, vector<16xf32>,
        %mul3A_414 = arith.mulf %get3A_410, %get3A_413 : vector<16xf32>
        %add3A_415 = arith.addf %while3A_375, %mul3A_414 : vector<16xf32>
        %get3A_416 = arith.index_cast %add3A_383 : i32 to index
        %get3A_417 = arith.constant 64 : index
        %get3A_418 = tpu.vector_load %arg14[%get3A_416, %get3A_417] {strides = array<i32>} : memref<80x128xf32, #tpu.memory_space<vmem>>, vector<16xf32>,
        %get3A_419 = arith.index_cast %add3A_383 : i32 to index
        %get3A_420 = arith.constant 64 : index
        %get3A_421 = tpu.vector_load %arg16[%get3A_419, %get3A_420] {strides = array<i32>} : memref<80x128xf32, #tpu.memory_space<vmem>>, vector<16xf32>,
        %mul3A_422 = arith.mulf %get3A_418, %get3A_421 : vector<16xf32>
        %add3A_423 = arith.addf %while3A_376, %mul3A_422 : vector<16xf32>
        %get3A_424 = arith.index_cast %add3A_383 : i32 to index
        %get3A_425 = arith.constant 80 : index
        %get3A_426 = tpu.vector_load %arg14[%get3A_424, %get3A_425] {strides = array<i32>} : memref<80x128xf32, #tpu.memory_space<vmem>>, vector<16xf32>,
        %get3A_427 = arith.index_cast %add3A_383 : i32 to index
        %get3A_428 = arith.constant 80 : index
        %get3A_429 = tpu.vector_load %arg16[%get3A_427, %get3A_428] {strides = array<i32>} : memref<80x128xf32, #tpu.memory_space<vmem>>, vector<16xf32>,
        %mul3A_430 = arith.mulf %get3A_426, %get3A_429 : vector<16xf32>
        %add3A_431 = arith.addf %while3A_377, %mul3A_430 : vector<16xf32>
        %get3A_432 = arith.index_cast %add3A_383 : i32 to index
        %get3A_433 = arith.constant 96 : index
        %get3A_434 = tpu.vector_load %arg14[%get3A_432, %get3A_433] {strides = array<i32>} : memref<80x128xf32, #tpu.memory_space<vmem>>, vector<16xf32>,
        %get3A_435 = arith.index_cast %add3A_383 : i32 to index
        %get3A_436 = arith.constant 96 : index
        %get3A_437 = tpu.vector_load %arg16[%get3A_435, %get3A_436] {strides = array<i32>} : memref<80x128xf32, #tpu.memory_space<vmem>>, vector<16xf32>,
        %mul3A_438 = arith.mulf %get3A_434, %get3A_437 : vector<16xf32>
        %add3A_439 = arith.addf %while3A_378, %mul3A_438 : vector<16xf32>
        %get3A_440 = arith.index_cast %add3A_383 : i32 to index
        %get3A_441 = arith.constant 112 : index
        %get3A_442 = tpu.vector_load %arg14[%get3A_440, %get3A_441] {strides = array<i32>} : memref<80x128xf32, #tpu.memory_space<vmem>>, vector<16xf32>,
        %get3A_443 = arith.index_cast %add3A_383 : i32 to index
        %get3A_444 = arith.constant 112 : index
        %get3A_445 = tpu.vector_load %arg16[%get3A_443, %get3A_444] {strides = array<i32>} : memref<80x128xf32, #tpu.memory_space<vmem>>, vector<16xf32>,
        %mul3A_446 = arith.mulf %get3A_442, %get3A_445 : vector<16xf32>
        %add3A_447 = arith.addf %while3A_379, %mul3A_446 : vector<16xf32>
        %mul3A_448 = arith.constant 2 : i32
        %mul3A_449 = arith.muli %while3A_371, %mul3A_448 : i32
        %add3A_450 = arith.constant 1 : i32
        %add3A_451 = arith.addi %mul3A_449, %add3A_450 : i32
        %get3A_452 = arith.index_cast %add3A_451 : i32 to index
        %get3A_453 = arith.constant 0 : index
        %get3A_454 = tpu.vector_load %arg14[%get3A_452, %get3A_453] {strides = array<i32>} : memref<80x128xf32, #tpu.memory_space<vmem>>, vector<16xf32>,
        %get3A_455 = arith.index_cast %add3A_451 : i32 to index
        %get3A_456 = arith.constant 0 : index
        %get3A_457 = tpu.vector_load %arg16[%get3A_455, %get3A_456] {strides = array<i32>} : memref<80x128xf32, #tpu.memory_space<vmem>>, vector<16xf32>,
        %mul3A_458 = arith.mulf %get3A_454, %get3A_457 : vector<16xf32>
        %add3A_459 = arith.addf %add3A_391, %mul3A_458 : vector<16xf32>
        %get3A_460 = arith.index_cast %add3A_451 : i32 to index
        %get3A_461 = arith.constant 16 : index
        %get3A_462 = tpu.vector_load %arg14[%get3A_460, %get3A_461] {strides = array<i32>} : memref<80x128xf32, #tpu.memory_space<vmem>>, vector<16xf32>,
        %get3A_463 = arith.index_cast %add3A_451 : i32 to index
        %get3A_464 = arith.constant 16 : index
        %get3A_465 = tpu.vector_load %arg16[%get3A_463, %get3A_464] {strides = array<i32>} : memref<80x128xf32, #tpu.memory_space<vmem>>, vector<16xf32>,
        %mul3A_466 = arith.mulf %get3A_462, %get3A_465 : vector<16xf32>
        %add3A_467 = arith.addf %add3A_399, %mul3A_466 : vector<16xf32>
        %get3A_468 = arith.index_cast %add3A_451 : i32 to index
        %get3A_469 = arith.constant 32 : index
        %get3A_470 = tpu.vector_load %arg14[%get3A_468, %get3A_469] {strides = array<i32>} : memref<80x128xf32, #tpu.memory_space<vmem>>, vector<16xf32>,
        %get3A_471 = arith.index_cast %add3A_451 : i32 to index
        %get3A_472 = arith.constant 32 : index
        %get3A_473 = tpu.vector_load %arg16[%get3A_471, %get3A_472] {strides = array<i32>} : memref<80x128xf32, #tpu.memory_space<vmem>>, vector<16xf32>,
        %mul3A_474 = arith.mulf %get3A_470, %get3A_473 : vector<16xf32>
        %add3A_475 = arith.addf %add3A_407, %mul3A_474 : vector<16xf32>
        %get3A_476 = arith.index_cast %add3A_451 : i32 to index
        %get3A_477 = arith.constant 48 : index
        %get3A_478 = tpu.vector_load %arg14[%get3A_476, %get3A_477] {strides = array<i32>} : memref<80x128xf32, #tpu.memory_space<vmem>>, vector<16xf32>,
        %get3A_479 = arith.index_cast %add3A_451 : i32 to index
        %get3A_480 = arith.constant 48 : index
        %get3A_481 = tpu.vector_load %arg16[%get3A_479, %get3A_480] {strides = array<i32>} : memref<80x128xf32, #tpu.memory_space<vmem>>, vector<16xf32>,
        %mul3A_482 = arith.mulf %get3A_478, %get3A_481 : vector<16xf32>
        %add3A_483 = arith.addf %add3A_415, %mul3A_482 : vector<16xf32>
        %get3A_484 = arith.index_cast %add3A_451 : i32 to index
        %get3A_485 = arith.constant 64 : index
        %get3A_486 = tpu.vector_load %arg14[%get3A_484, %get3A_485] {strides = array<i32>} : memref<80x128xf32, #tpu.memory_space<vmem>>, vector<16xf32>,
        %get3A_487 = arith.index_cast %add3A_451 : i32 to index
        %get3A_488 = arith.constant 64 : index
        %get3A_489 = tpu.vector_load %arg16[%get3A_487, %get3A_488] {strides = array<i32>} : memref<80x128xf32, #tpu.memory_space<vmem>>, vector<16xf32>,
        %mul3A_490 = arith.mulf %get3A_486, %get3A_489 : vector<16xf32>
        %add3A_491 = arith.addf %add3A_423, %mul3A_490 : vector<16xf32>
        %get3A_492 = arith.index_cast %add3A_451 : i32 to index
        %get3A_493 = arith.constant 80 : index
        %get3A_494 = tpu.vector_load %arg14[%get3A_492, %get3A_493] {strides = array<i32>} : memref<80x128xf32, #tpu.memory_space<vmem>>, vector<16xf32>,
        %get3A_495 = arith.index_cast %add3A_451 : i32 to index
        %get3A_496 = arith.constant 80 : index
        %get3A_497 = tpu.vector_load %arg16[%get3A_495, %get3A_496] {strides = array<i32>} : memref<80x128xf32, #tpu.memory_space<vmem>>, vector<16xf32>,
        %mul3A_498 = arith.mulf %get3A_494, %get3A_497 : vector<16xf32>
        %add3A_499 = arith.addf %add3A_431, %mul3A_498 : vector<16xf32>
        %get3A_500 = arith.index_cast %add3A_451 : i32 to index
        %get3A_501 = arith.constant 96 : index
        %get3A_502 = tpu.vector_load %arg14[%get3A_500, %get3A_501] {strides = array<i32>} : memref<80x128xf32, #tpu.memory_space<vmem>>, vector<16xf32>,
        %get3A_503 = arith.index_cast %add3A_451 : i32 to index
        %get3A_504 = arith.constant 96 : index
        %get3A_505 = tpu.vector_load %arg16[%get3A_503, %get3A_504] {strides = array<i32>} : memref<80x128xf32, #tpu.memory_space<vmem>>, vector<16xf32>,
        %mul3A_506 = arith.mulf %get3A_502, %get3A_505 : vector<16xf32>
        %add3A_507 = arith.addf %add3A_439, %mul3A_506 : vector<16xf32>
        %get3A_508 = arith.index_cast %add3A_451 : i32 to index
        %get3A_509 = arith.constant 112 : index
        %get3A_510 = tpu.vector_load %arg14[%get3A_508, %get3A_509] {strides = array<i32>} : memref<80x128xf32, #tpu.memory_space<vmem>>, vector<16xf32>,
        %get3A_511 = arith.index_cast %add3A_451 : i32 to index
        %get3A_512 = arith.constant 112 : index
        %get3A_513 = tpu.vector_load %arg16[%get3A_511, %get3A_512] {strides = array<i32>} : memref<80x128xf32, #tpu.memory_space<vmem>>, vector<16xf32>,
        %mul3A_514 = arith.mulf %get3A_510, %get3A_513 : vector<16xf32>
        %add3A_515 = arith.addf %add3A_447, %mul3A_514 : vector<16xf32>
        scf.yield %add3A_459, %add3A_467, %add3A_475, %add3A_483, %add3A_491, %add3A_499, %add3A_507, %add3A_515 : vector<16xf32>, vector<16xf32>, vector<16xf32>, vector<16xf32>, vector<16xf32>, vector<16xf32>, vector<16xf32>, vector<16xf32>
      }
      %while3A_364 = arith.constant 1 : i32
      %while3A_365:8 = scf.for %while3A_371 = %while3A_361 to %while3A_357 step %while3A_364 iter_args(%while3A_372 = %while3A_363#0, %while3A_373 = %while3A_363#1, %while3A_374 = %while3A_363#2, %while3A_375 = %while3A_363#3, %while3A_376 = %while3A_363#4, %while3A_377 = %while3A_363#5, %while3A_378 = %while3A_363#6, %while3A_379 = %while3A_363#7) -> (vector<16xf32>, vector<16xf32>, vector<16xf32>, vector<16xf32>, vector<16xf32>, vector<16xf32>, vector<16xf32>, vector<16xf32>)  : i32 {
        %mul3A_380 = arith.constant 2 : i32
        %mul3A_381 = arith.muli %while3A_371, %mul3A_380 : i32
        %add3A_382 = arith.constant 0 : i32
        %add3A_383 = arith.addi %mul3A_381, %add3A_382 : i32
        %get3A_384 = arith.index_cast %add3A_383 : i32 to index
        %get3A_385 = arith.constant 0 : index
        %get3A_386 = tpu.vector_load %arg14[%get3A_384, %get3A_385] {strides = array<i32>} : memref<80x128xf32, #tpu.memory_space<vmem>>, vector<16xf32>,
        %get3A_387 = arith.index_cast %add3A_383 : i32 to index
        %get3A_388 = arith.constant 0 : index
        %get3A_389 = tpu.vector_load %arg16[%get3A_387, %get3A_388] {strides = array<i32>} : memref<80x128xf32, #tpu.memory_space<vmem>>, vector<16xf32>,
        %mul3A_390 = arith.mulf %get3A_386, %get3A_389 : vector<16xf32>
        %add3A_391 = arith.addf %while3A_372, %mul3A_390 : vector<16xf32>
        %get3A_392 = arith.index_cast %add3A_383 : i32 to index
        %get3A_393 = arith.constant 16 : index
        %get3A_394 = tpu.vector_load %arg14[%get3A_392, %get3A_393] {strides = array<i32>} : memref<80x128xf32, #tpu.memory_space<vmem>>, vector<16xf32>,
        %get3A_395 = arith.index_cast %add3A_383 : i32 to index
        %get3A_396 = arith.constant 16 : index
        %get3A_397 = tpu.vector_load %arg16[%get3A_395, %get3A_396] {strides = array<i32>} : memref<80x128xf32, #tpu.memory_space<vmem>>, vector<16xf32>,
        %mul3A_398 = arith.mulf %get3A_394, %get3A_397 : vector<16xf32>
        %add3A_399 = arith.addf %while3A_373, %mul3A_398 : vector<16xf32>
        %get3A_400 = arith.index_cast %add3A_383 : i32 to index
        %get3A_401 = arith.constant 32 : index
        %get3A_402 = tpu.vector_load %arg14[%get3A_400, %get3A_401] {strides = array<i32>} : memref<80x128xf32, #tpu.memory_space<vmem>>, vector<16xf32>,
        %get3A_403 = arith.index_cast %add3A_383 : i32 to index
        %get3A_404 = arith.constant 32 : index
        %get3A_405 = tpu.vector_load %arg16[%get3A_403, %get3A_404] {strides = array<i32>} : memref<80x128xf32, #tpu.memory_space<vmem>>, vector<16xf32>,
        %mul3A_406 = arith.mulf %get3A_402, %get3A_405 : vector<16xf32>
        %add3A_407 = arith.addf %while3A_374, %mul3A_406 : vector<16xf32>
        %get3A_408 = arith.index_cast %add3A_383 : i32 to index
        %get3A_409 = arith.constant 48 : index
        %get3A_410 = tpu.vector_load %arg14[%get3A_408, %get3A_409] {strides = array<i32>} : memref<80x128xf32, #tpu.memory_space<vmem>>, vector<16xf32>,
        %get3A_411 = arith.index_cast %add3A_383 : i32 to index
        %get3A_412 = arith.constant 48 : index
        %get3A_413 = tpu.vector_load %arg16[%get3A_411, %get3A_412] {strides = array<i32>} : memref<80x128xf32, #tpu.memory_space<vmem>>, vector<16xf32>,
        %mul3A_414 = arith.mulf %get3A_410, %get3A_413 : vector<16xf32>
        %add3A_415 = arith.addf %while3A_375, %mul3A_414 : vector<16xf32>
        %get3A_416 = arith.index_cast %add3A_383 : i32 to index
        %get3A_417 = arith.constant 64 : index
        %get3A_418 = tpu.vector_load %arg14[%get3A_416, %get3A_417] {strides = array<i32>} : memref<80x128xf32, #tpu.memory_space<vmem>>, vector<16xf32>,
        %get3A_419 = arith.index_cast %add3A_383 : i32 to index
        %get3A_420 = arith.constant 64 : index
        %get3A_421 = tpu.vector_load %arg16[%get3A_419, %get3A_420] {strides = array<i32>} : memref<80x128xf32, #tpu.memory_space<vmem>>, vector<16xf32>,
        %mul3A_422 = arith.mulf %get3A_418, %get3A_421 : vector<16xf32>
        %add3A_423 = arith.addf %while3A_376, %mul3A_422 : vector<16xf32>
        %get3A_424 = arith.index_cast %add3A_383 : i32 to index
        %get3A_425 = arith.constant 80 : index
        %get3A_426 = tpu.vector_load %arg14[%get3A_424, %get3A_425] {strides = array<i32>} : memref<80x128xf32, #tpu.memory_space<vmem>>, vector<16xf32>,
        %get3A_427 = arith.index_cast %add3A_383 : i32 to index
        %get3A_428 = arith.constant 80 : index
        %get3A_429 = tpu.vector_load %arg16[%get3A_427, %get3A_428] {strides = array<i32>} : memref<80x128xf32, #tpu.memory_space<vmem>>, vector<16xf32>,
        %mul3A_430 = arith.mulf %get3A_426, %get3A_429 : vector<16xf32>
        %add3A_431 = arith.addf %while3A_377, %mul3A_430 : vector<16xf32>
        %get3A_432 = arith.index_cast %add3A_383 : i32 to index
        %get3A_433 = arith.constant 96 : index
        %get3A_434 = tpu.vector_load %arg14[%get3A_432, %get3A_433] {strides = array<i32>} : memref<80x128xf32, #tpu.memory_space<vmem>>, vector<16xf32>,
        %get3A_435 = arith.index_cast %add3A_383 : i32 to index
        %get3A_436 = arith.constant 96 : index
        %get3A_437 = tpu.vector_load %arg16[%get3A_435, %get3A_436] {strides = array<i32>} : memref<80x128xf32, #tpu.memory_space<vmem>>, vector<16xf32>,
        %mul3A_438 = arith.mulf %get3A_434, %get3A_437 : vector<16xf32>
        %add3A_439 = arith.addf %while3A_378, %mul3A_438 : vector<16xf32>
        %get3A_440 = arith.index_cast %add3A_383 : i32 to index
        %get3A_441 = arith.constant 112 : index
        %get3A_442 = tpu.vector_load %arg14[%get3A_440, %get3A_441] {strides = array<i32>} : memref<80x128xf32, #tpu.memory_space<vmem>>, vector<16xf32>,
        %get3A_443 = arith.index_cast %add3A_383 : i32 to index
        %get3A_444 = arith.constant 112 : index
        %get3A_445 = tpu.vector_load %arg16[%get3A_443, %get3A_444] {strides = array<i32>} : memref<80x128xf32, #tpu.memory_space<vmem>>, vector<16xf32>,
        %mul3A_446 = arith.mulf %get3A_442, %get3A_445 : vector<16xf32>
        %add3A_447 = arith.addf %while3A_379, %mul3A_446 : vector<16xf32>
        %mul3A_448 = arith.constant 2 : i32
        %mul3A_449 = arith.muli %while3A_371, %mul3A_448 : i32
        %add3A_450 = arith.constant 1 : i32
        %add3A_451 = arith.addi %mul3A_449, %add3A_450 : i32
        %get3A_452 = arith.index_cast %add3A_451 : i32 to index
        %get3A_453 = arith.constant 0 : index
        %get3A_454 = tpu.vector_load %arg14[%get3A_452, %get3A_453] {strides = array<i32>} : memref<80x128xf32, #tpu.memory_space<vmem>>, vector<16xf32>,
        %get3A_455 = arith.index_cast %add3A_451 : i32 to index
        %get3A_456 = arith.constant 0 : index
        %get3A_457 = tpu.vector_load %arg16[%get3A_455, %get3A_456] {strides = array<i32>} : memref<80x128xf32, #tpu.memory_space<vmem>>, vector<16xf32>,
        %mul3A_458 = arith.mulf %get3A_454, %get3A_457 : vector<16xf32>
        %add3A_459 = arith.addf %add3A_391, %mul3A_458 : vector<16xf32>
        %get3A_460 = arith.index_cast %add3A_451 : i32 to index
        %get3A_461 = arith.constant 16 : index
        %get3A_462 = tpu.vector_load %arg14[%get3A_460, %get3A_461] {strides = array<i32>} : memref<80x128xf32, #tpu.memory_space<vmem>>, vector<16xf32>,
        %get3A_463 = arith.index_cast %add3A_451 : i32 to index
        %get3A_464 = arith.constant 16 : index
        %get3A_465 = tpu.vector_load %arg16[%get3A_463, %get3A_464] {strides = array<i32>} : memref<80x128xf32, #tpu.memory_space<vmem>>, vector<16xf32>,
        %mul3A_466 = arith.mulf %get3A_462, %get3A_465 : vector<16xf32>
        %add3A_467 = arith.addf %add3A_399, %mul3A_466 : vector<16xf32>
        %get3A_468 = arith.index_cast %add3A_451 : i32 to index
        %get3A_469 = arith.constant 32 : index
        %get3A_470 = tpu.vector_load %arg14[%get3A_468, %get3A_469] {strides = array<i32>} : memref<80x128xf32, #tpu.memory_space<vmem>>, vector<16xf32>,
        %get3A_471 = arith.index_cast %add3A_451 : i32 to index
        %get3A_472 = arith.constant 32 : index
        %get3A_473 = tpu.vector_load %arg16[%get3A_471, %get3A_472] {strides = array<i32>} : memref<80x128xf32, #tpu.memory_space<vmem>>, vector<16xf32>,
        %mul3A_474 = arith.mulf %get3A_470, %get3A_473 : vector<16xf32>
        %add3A_475 = arith.addf %add3A_407, %mul3A_474 : vector<16xf32>
        %get3A_476 = arith.index_cast %add3A_451 : i32 to index
        %get3A_477 = arith.constant 48 : index
        %get3A_478 = tpu.vector_load %arg14[%get3A_476, %get3A_477] {strides = array<i32>} : memref<80x128xf32, #tpu.memory_space<vmem>>, vector<16xf32>,
        %get3A_479 = arith.index_cast %add3A_451 : i32 to index
        %get3A_480 = arith.constant 48 : index
        %get3A_481 = tpu.vector_load %arg16[%get3A_479, %get3A_480] {strides = array<i32>} : memref<80x128xf32, #tpu.memory_space<vmem>>, vector<16xf32>,
        %mul3A_482 = arith.mulf %get3A_478, %get3A_481 : vector<16xf32>
        %add3A_483 = arith.addf %add3A_415, %mul3A_482 : vector<16xf32>
        %get3A_484 = arith.index_cast %add3A_451 : i32 to index
        %get3A_485 = arith.constant 64 : index
        %get3A_486 = tpu.vector_load %arg14[%get3A_484, %get3A_485] {strides = array<i32>} : memref<80x128xf32, #tpu.memory_space<vmem>>, vector<16xf32>,
        %get3A_487 = arith.index_cast %add3A_451 : i32 to index
        %get3A_488 = arith.constant 64 : index
        %get3A_489 = tpu.vector_load %arg16[%get3A_487, %get3A_488] {strides = array<i32>} : memref<80x128xf32, #tpu.memory_space<vmem>>, vector<16xf32>,
        %mul3A_490 = arith.mulf %get3A_486, %get3A_489 : vector<16xf32>
        %add3A_491 = arith.addf %add3A_423, %mul3A_490 : vector<16xf32>
        %get3A_492 = arith.index_cast %add3A_451 : i32 to index
        %get3A_493 = arith.constant 80 : index
        %get3A_494 = tpu.vector_load %arg14[%get3A_492, %get3A_493] {strides = array<i32>} : memref<80x128xf32, #tpu.memory_space<vmem>>, vector<16xf32>,
        %get3A_495 = arith.index_cast %add3A_451 : i32 to index
        %get3A_496 = arith.constant 80 : index
        %get3A_497 = tpu.vector_load %arg16[%get3A_495, %get3A_496] {strides = array<i32>} : memref<80x128xf32, #tpu.memory_space<vmem>>, vector<16xf32>,
        %mul3A_498 = arith.mulf %get3A_494, %get3A_497 : vector<16xf32>
        %add3A_499 = arith.addf %add3A_431, %mul3A_498 : vector<16xf32>
        %get3A_500 = arith.index_cast %add3A_451 : i32 to index
        %get3A_501 = arith.constant 96 : index
        %get3A_502 = tpu.vector_load %arg14[%get3A_500, %get3A_501] {strides = array<i32>} : memref<80x128xf32, #tpu.memory_space<vmem>>, vector<16xf32>,
        %get3A_503 = arith.index_cast %add3A_451 : i32 to index
        %get3A_504 = arith.constant 96 : index
        %get3A_505 = tpu.vector_load %arg16[%get3A_503, %get3A_504] {strides = array<i32>} : memref<80x128xf32, #tpu.memory_space<vmem>>, vector<16xf32>,
        %mul3A_506 = arith.mulf %get3A_502, %get3A_505 : vector<16xf32>
        %add3A_507 = arith.addf %add3A_439, %mul3A_506 : vector<16xf32>
        %get3A_508 = arith.index_cast %add3A_451 : i32 to index
        %get3A_509 = arith.constant 112 : index
        %get3A_510 = tpu.vector_load %arg14[%get3A_508, %get3A_509] {strides = array<i32>} : memref<80x128xf32, #tpu.memory_space<vmem>>, vector<16xf32>,
        %get3A_511 = arith.index_cast %add3A_451 : i32 to index
        %get3A_512 = arith.constant 112 : index
        %get3A_513 = tpu.vector_load %arg16[%get3A_511, %get3A_512] {strides = array<i32>} : memref<80x128xf32, #tpu.memory_space<vmem>>, vector<16xf32>,
        %mul3A_514 = arith.mulf %get3A_510, %get3A_513 : vector<16xf32>
        %add3A_515 = arith.addf %add3A_447, %mul3A_514 : vector<16xf32>
        scf.yield %add3A_459, %add3A_467, %add3A_475, %add3A_483, %add3A_491, %add3A_499, %add3A_507, %add3A_515 : vector<16xf32>, vector<16xf32>, vector<16xf32>, vector<16xf32>, vector<16xf32>, vector<16xf32>, vector<16xf32>, vector<16xf32>
      }
      %le3A_366 = arith.constant 39 : i32
      %le3A_367 = arith.cmpi sle, %while3A_225, %le3A_366 : i32
      %convert_element_type3A_368 = arith.extui %le3A_367 : i1 to i32
      %cond3A_369 = arith.constant 0 : i32
      %cond3A_370 = arith.cmpi ne, %convert_element_type3A_368, %cond3A_369 : i32
      scf.if %cond3A_370 {
        %dma_wait3A_371 = arith.constant 0 : i32
        %dma_wait3A_372 = arith.constant 0 : i32
        %dma_wait3A_373 = arith.constant 0 : i32
        %dma_wait3A_374 = tpu.memref_slice %arg19[%dma_wait3A_371, %dma_wait3A_373] : memref<160x128xf32, #tpu.memory_space<vmem>> -> memref<1x128xf32, #tpu.memory_space<vmem>>
        %dma_wait3A_375 = tpu.memref_squeeze %dma_wait3A_374 : memref<1x128xf32, #tpu.memory_space<vmem>> -> memref<128xf32, #tpu.memory_space<vmem>>
        %dma_wait3A_376 = arith.constant 0 : i32
        %dma_wait3A_377 = tpu.memref_slice %arg20[%dma_wait3A_372, %dma_wait3A_376] : memref<160x128xi32, #tpu.memory_space<vmem>> -> memref<1x128xi32, #tpu.memory_space<vmem>>
        %dma_wait3A_378 = tpu.memref_squeeze %dma_wait3A_377 : memref<1x128xi32, #tpu.memory_space<vmem>> -> memref<128xi32, #tpu.memory_space<vmem>>
        %dma_wait3A_379 = arith.constant 0 : i32
        %dma_wait3A_380 = tpu.memref_slice %arg24[%dma_wait3A_379] : memref<10240xf32, #tpu.memory_space<vmem_shared>> -> memref<10240xf32, #tpu.memory_space<vmem_shared>>
        tpu.wait_indirect_dma semaphore(%arg29 : memref<!tpu.dma_semaphore, #tpu.memory_space<semaphore_mem>>) src(%dma_wait3A_375 : memref<128xf32, #tpu.memory_space<vmem>>) dst(%dma_wait3A_380 : memref<10240xf32, #tpu.memory_space<vmem_shared>>)
        %dma_wait3A_381 = arith.constant 0 : i32
        %dma_wait3A_382 = arith.constant 0 : i32
        %dma_wait3A_383 = arith.constant 0 : i32
        %dma_wait3A_384 = tpu.memref_slice %arg19[%dma_wait3A_381, %dma_wait3A_383] : memref<160x128xf32, #tpu.memory_space<vmem>> -> memref<1x128xf32, #tpu.memory_space<vmem>>
        %dma_wait3A_385 = tpu.memref_squeeze %dma_wait3A_384 : memref<1x128xf32, #tpu.memory_space<vmem>> -> memref<128xf32, #tpu.memory_space<vmem>>
        %dma_wait3A_386 = arith.constant 0 : i32
        %dma_wait3A_387 = tpu.memref_slice %arg20[%dma_wait3A_382, %dma_wait3A_386] : memref<160x128xi32, #tpu.memory_space<vmem>> -> memref<1x128xi32, #tpu.memory_space<vmem>>
        %dma_wait3A_388 = tpu.memref_squeeze %dma_wait3A_387 : memref<1x128xi32, #tpu.memory_space<vmem>> -> memref<128xi32, #tpu.memory_space<vmem>>
        %dma_wait3A_389 = arith.constant 0 : i32
        %dma_wait3A_390 = tpu.memref_slice %arg24[%dma_wait3A_389] : memref<10240xf32, #tpu.memory_space<vmem_shared>> -> memref<10240xf32, #tpu.memory_space<vmem_shared>>
        tpu.wait_indirect_dma semaphore(%arg29 : memref<!tpu.dma_semaphore, #tpu.memory_space<semaphore_mem>>) src(%dma_wait3A_385 : memref<128xf32, #tpu.memory_space<vmem>>) dst(%dma_wait3A_390 : memref<10240xf32, #tpu.memory_space<vmem_shared>>)
        %dma_wait3A_391 = arith.constant 0 : i32
        %dma_wait3A_392 = arith.constant 0 : i32
        %dma_wait3A_393 = arith.constant 0 : i32
        %dma_wait3A_394 = tpu.memref_slice %arg19[%dma_wait3A_391, %dma_wait3A_393] : memref<160x128xf32, #tpu.memory_space<vmem>> -> memref<1x128xf32, #tpu.memory_space<vmem>>
        %dma_wait3A_395 = tpu.memref_squeeze %dma_wait3A_394 : memref<1x128xf32, #tpu.memory_space<vmem>> -> memref<128xf32, #tpu.memory_space<vmem>>
        %dma_wait3A_396 = arith.constant 0 : i32
        %dma_wait3A_397 = tpu.memref_slice %arg20[%dma_wait3A_392, %dma_wait3A_396] : memref<160x128xi32, #tpu.memory_space<vmem>> -> memref<1x128xi32, #tpu.memory_space<vmem>>
        %dma_wait3A_398 = tpu.memref_squeeze %dma_wait3A_397 : memref<1x128xi32, #tpu.memory_space<vmem>> -> memref<128xi32, #tpu.memory_space<vmem>>
        %dma_wait3A_399 = arith.constant 0 : i32
        %dma_wait3A_400 = tpu.memref_slice %arg24[%dma_wait3A_399] : memref<10240xf32, #tpu.memory_space<vmem_shared>> -> memref<10240xf32, #tpu.memory_space<vmem_shared>>
        tpu.wait_indirect_dma semaphore(%arg29 : memref<!tpu.dma_semaphore, #tpu.memory_space<semaphore_mem>>) src(%dma_wait3A_395 : memref<128xf32, #tpu.memory_space<vmem>>) dst(%dma_wait3A_400 : memref<10240xf32, #tpu.memory_space<vmem_shared>>)
        %dma_wait3A_401 = arith.constant 0 : i32
        %dma_wait3A_402 = arith.constant 0 : i32
        %dma_wait3A_403 = arith.constant 0 : i32
        %dma_wait3A_404 = tpu.memref_slice %arg19[%dma_wait3A_401, %dma_wait3A_403] : memref<160x128xf32, #tpu.memory_space<vmem>> -> memref<1x128xf32, #tpu.memory_space<vmem>>
        %dma_wait3A_405 = tpu.memref_squeeze %dma_wait3A_404 : memref<1x128xf32, #tpu.memory_space<vmem>> -> memref<128xf32, #tpu.memory_space<vmem>>
        %dma_wait3A_406 = arith.constant 0 : i32
        %dma_wait3A_407 = tpu.memref_slice %arg20[%dma_wait3A_402, %dma_wait3A_406] : memref<160x128xi32, #tpu.memory_space<vmem>> -> memref<1x128xi32, #tpu.memory_space<vmem>>
        %dma_wait3A_408 = tpu.memref_squeeze %dma_wait3A_407 : memref<1x128xi32, #tpu.memory_space<vmem>> -> memref<128xi32, #tpu.memory_space<vmem>>
        %dma_wait3A_409 = arith.constant 0 : i32
        %dma_wait3A_410 = tpu.memref_slice %arg24[%dma_wait3A_409] : memref<10240xf32, #tpu.memory_space<vmem_shared>> -> memref<10240xf32, #tpu.memory_space<vmem_shared>>
        tpu.wait_indirect_dma semaphore(%arg29 : memref<!tpu.dma_semaphore, #tpu.memory_space<semaphore_mem>>) src(%dma_wait3A_405 : memref<128xf32, #tpu.memory_space<vmem>>) dst(%dma_wait3A_410 : memref<10240xf32, #tpu.memory_space<vmem_shared>>)
      } else {
      }
      scf.yield %while3A_365#0, %while3A_365#1, %while3A_365#2, %while3A_365#3, %while3A_365#4, %while3A_365#5, %while3A_365#6, %while3A_365#7, %add3A_353 : vector<16xf32>, vector<16xf32>, vector<16xf32>, vector<16xf32>, vector<16xf32>, vector<16xf32>, vector<16xf32>, vector<16xf32>, vector<16xf32>
    }
    %dma_wait3A_144 = arith.constant 0 : i32
    %dma_wait3A_145 = tpu.memref_slice %arg17[%dma_wait3A_144] : memref<10000xi32, #tpu.memory_space<vmem>> -> memref<80xi32, #tpu.memory_space<vmem>>
    %dma_wait3A_146 = arith.constant 0 : i32
    %dma_wait3A_147 = arith.constant 0 : i32
    %dma_wait3A_148 = tpu.memref_slice %arg2[%dma_wait3A_146, %dma_wait3A_147] : memref<10000x128xf32, #tpu.memory_space<hbm>> -> memref<10000x128xf32, #tpu.memory_space<hbm>>
    tpu.wait_indirect_dma semaphore(%arg25 : memref<!tpu.dma_semaphore, #tpu.memory_space<semaphore_mem>>) src(%dma_wait3A_148 : memref<10000x128xf32, #tpu.memory_space<hbm>>) dst(%arg13 : memref<80x128xf32, #tpu.memory_space<vmem>>)
    %dma_wait3A_149 = arith.constant 0 : i32
    %dma_wait3A_150 = tpu.memref_slice %arg18[%dma_wait3A_149] : memref<10000xi32, #tpu.memory_space<vmem>> -> memref<80xi32, #tpu.memory_space<vmem>>
    %dma_wait3A_151 = arith.constant 0 : i32
    %dma_wait3A_152 = arith.constant 0 : i32
    %dma_wait3A_153 = tpu.memref_slice %arg3[%dma_wait3A_151, %dma_wait3A_152] : memref<10000x128xf32, #tpu.memory_space<hbm>> -> memref<10000x128xf32, #tpu.memory_space<hbm>>
    tpu.wait_indirect_dma semaphore(%arg27 : memref<!tpu.dma_semaphore, #tpu.memory_space<semaphore_mem>>) src(%dma_wait3A_153 : memref<10000x128xf32, #tpu.memory_space<hbm>>) dst(%arg15 : memref<80x128xf32, #tpu.memory_space<vmem>>)
    %mul3A_154 = arith.constant 124 : i32
    %mul3A_155 = arith.constant 80 : i32
    %mul3A_156 = arith.muli %mul3A_154, %mul3A_155 : i32
    %add3A_157 = arith.constant 0 : i32
    %add3A_158 = arith.addi %mul3A_156, %add3A_157 : i32
    %get3A = arith.index_cast %add3A_158 : i32 to index
    %get3A_159 = tpu.vector_load %arg17[%get3A] {strides = array<i32>} : memref<10000xi32, #tpu.memory_space<vmem>>, vector<16xi32>,
    %gather3A = tpu.vector_load_idx %arg12[%get3A_159] : memref<10000xf32, #tpu.memory_space<vmem>>[vector<16xi32>], vector<16xf32>,
    %add3A_160 = arith.addf %while3A_143#8, %gather3A : vector<16xf32>
    %add3A_161 = arith.constant 16 : i32
    %add3A_162 = arith.addi %mul3A_156, %add3A_161 : i32
    %get3A_163 = arith.index_cast %add3A_162 : i32 to index
    %get3A_164 = tpu.vector_load %arg17[%get3A_163] {strides = array<i32>} : memref<10000xi32, #tpu.memory_space<vmem>>, vector<16xi32>,
    %gather3A_165 = tpu.vector_load_idx %arg12[%get3A_164] : memref<10000xf32, #tpu.memory_space<vmem>>[vector<16xi32>], vector<16xf32>,
    %add3A_166 = arith.addf %add3A_160, %gather3A_165 : vector<16xf32>
    %add3A_167 = arith.constant 32 : i32
    %add3A_168 = arith.addi %mul3A_156, %add3A_167 : i32
    %get3A_169 = arith.index_cast %add3A_168 : i32 to index
    %get3A_170 = tpu.vector_load %arg17[%get3A_169] {strides = array<i32>} : memref<10000xi32, #tpu.memory_space<vmem>>, vector<16xi32>,
    %gather3A_171 = tpu.vector_load_idx %arg12[%get3A_170] : memref<10000xf32, #tpu.memory_space<vmem>>[vector<16xi32>], vector<16xf32>,
    %add3A_172 = arith.addf %add3A_166, %gather3A_171 : vector<16xf32>
    %add3A_173 = arith.constant 48 : i32
    %add3A_174 = arith.addi %mul3A_156, %add3A_173 : i32
    %get3A_175 = arith.index_cast %add3A_174 : i32 to index
    %get3A_176 = tpu.vector_load %arg17[%get3A_175] {strides = array<i32>} : memref<10000xi32, #tpu.memory_space<vmem>>, vector<16xi32>,
    %gather3A_177 = tpu.vector_load_idx %arg12[%get3A_176] : memref<10000xf32, #tpu.memory_space<vmem>>[vector<16xi32>], vector<16xf32>,
    %add3A_178 = arith.addf %add3A_172, %gather3A_177 : vector<16xf32>
    %add3A_179 = arith.constant 64 : i32
    %add3A_180 = arith.addi %mul3A_156, %add3A_179 : i32
    %get3A_181 = arith.index_cast %add3A_180 : i32 to index
    %get3A_182 = tpu.vector_load %arg17[%get3A_181] {strides = array<i32>} : memref<10000xi32, #tpu.memory_space<vmem>>, vector<16xi32>,
    %gather3A_183 = tpu.vector_load_idx %arg12[%get3A_182] : memref<10000xf32, #tpu.memory_space<vmem>>[vector<16xi32>], vector<16xf32>,
    %add3A_184 = arith.addf %add3A_178, %gather3A_183 : vector<16xf32>
    %while3A_185 = arith.constant 0 : i32
    %while3A_186 = arith.constant 40 : i32
    %while3A_187 = arith.subi %while3A_186, %while3A_185 : i32
    %while3A_188 = arith.addi %while3A_185, %while3A_187 : i32
    %while3A_189 = arith.constant 1 : i32
    %while3A_190 = arith.divsi %while3A_187, %while3A_189 : i32
    %while3A_191 = arith.muli %while3A_190, %while3A_189 : i32
    %while3A_192 = arith.addi %while3A_185, %while3A_191 : i32
    %while3A_193 = arith.constant 1 : i32
    %while3A_194:8 = scf.for %while3A_225 = %while3A_185 to %while3A_192 step %while3A_193 iter_args(%while3A_226 = %while3A_143#0, %while3A_227 = %while3A_143#1, %while3A_228 = %while3A_143#2, %while3A_229 = %while3A_143#3, %while3A_230 = %while3A_143#4, %while3A_231 = %while3A_143#5, %while3A_232 = %while3A_143#6, %while3A_233 = %while3A_143#7) -> (vector<16xf32>, vector<16xf32>, vector<16xf32>, vector<16xf32>, vector<16xf32>, vector<16xf32>, vector<16xf32>, vector<16xf32>)  : i32 {
      %mul3A_234 = arith.constant 2 : i32
      %mul3A_235 = arith.muli %while3A_225, %mul3A_234 : i32
      %add3A_236 = arith.constant 0 : i32
      %add3A_237 = arith.addi %mul3A_235, %add3A_236 : i32
      %get3A_238 = arith.index_cast %add3A_237 : i32 to index
      %get3A_239 = arith.constant 0 : index
      %get3A_240 = tpu.vector_load %arg13[%get3A_238, %get3A_239] {strides = array<i32>} : memref<80x128xf32, #tpu.memory_space<vmem>>, vector<16xf32>,
      %get3A_241 = arith.index_cast %add3A_237 : i32 to index
      %get3A_242 = arith.constant 0 : index
      %get3A_243 = tpu.vector_load %arg15[%get3A_241, %get3A_242] {strides = array<i32>} : memref<80x128xf32, #tpu.memory_space<vmem>>, vector<16xf32>,
      %mul3A_244 = arith.mulf %get3A_240, %get3A_243 : vector<16xf32>
      %add3A_245 = arith.addf %while3A_226, %mul3A_244 : vector<16xf32>
      %get3A_246 = arith.index_cast %add3A_237 : i32 to index
      %get3A_247 = arith.constant 16 : index
      %get3A_248 = tpu.vector_load %arg13[%get3A_246, %get3A_247] {strides = array<i32>} : memref<80x128xf32, #tpu.memory_space<vmem>>, vector<16xf32>,
      %get3A_249 = arith.index_cast %add3A_237 : i32 to index
      %get3A_250 = arith.constant 16 : index
      %get3A_251 = tpu.vector_load %arg15[%get3A_249, %get3A_250] {strides = array<i32>} : memref<80x128xf32, #tpu.memory_space<vmem>>, vector<16xf32>,
      %mul3A_252 = arith.mulf %get3A_248, %get3A_251 : vector<16xf32>
      %add3A_253 = arith.addf %while3A_227, %mul3A_252 : vector<16xf32>
      %get3A_254 = arith.index_cast %add3A_237 : i32 to index
      %get3A_255 = arith.constant 32 : index
      %get3A_256 = tpu.vector_load %arg13[%get3A_254, %get3A_255] {strides = array<i32>} : memref<80x128xf32, #tpu.memory_space<vmem>>, vector<16xf32>,
      %get3A_257 = arith.index_cast %add3A_237 : i32 to index
      %get3A_258 = arith.constant 32 : index
      %get3A_259 = tpu.vector_load %arg15[%get3A_257, %get3A_258] {strides = array<i32>} : memref<80x128xf32, #tpu.memory_space<vmem>>, vector<16xf32>,
      %mul3A_260 = arith.mulf %get3A_256, %get3A_259 : vector<16xf32>
      %add3A_261 = arith.addf %while3A_228, %mul3A_260 : vector<16xf32>
      %get3A_262 = arith.index_cast %add3A_237 : i32 to index
      %get3A_263 = arith.constant 48 : index
      %get3A_264 = tpu.vector_load %arg13[%get3A_262, %get3A_263] {strides = array<i32>} : memref<80x128xf32, #tpu.memory_space<vmem>>, vector<16xf32>,
      %get3A_265 = arith.index_cast %add3A_237 : i32 to index
      %get3A_266 = arith.constant 48 : index
      %get3A_267 = tpu.vector_load %arg15[%get3A_265, %get3A_266] {strides = array<i32>} : memref<80x128xf32, #tpu.memory_space<vmem>>, vector<16xf32>,
      %mul3A_268 = arith.mulf %get3A_264, %get3A_267 : vector<16xf32>
      %add3A_269 = arith.addf %while3A_229, %mul3A_268 : vector<16xf32>
      %get3A_270 = arith.index_cast %add3A_237 : i32 to index
      %get3A_271 = arith.constant 64 : index
      %get3A_272 = tpu.vector_load %arg13[%get3A_270, %get3A_271] {strides = array<i32>} : memref<80x128xf32, #tpu.memory_space<vmem>>, vector<16xf32>,
      %get3A_273 = arith.index_cast %add3A_237 : i32 to index
      %get3A_274 = arith.constant 64 : index
      %get3A_275 = tpu.vector_load %arg15[%get3A_273, %get3A_274] {strides = array<i32>} : memref<80x128xf32, #tpu.memory_space<vmem>>, vector<16xf32>,
      %mul3A_276 = arith.mulf %get3A_272, %get3A_275 : vector<16xf32>
      %add3A_277 = arith.addf %while3A_230, %mul3A_276 : vector<16xf32>
      %get3A_278 = arith.index_cast %add3A_237 : i32 to index
      %get3A_279 = arith.constant 80 : index
      %get3A_280 = tpu.vector_load %arg13[%get3A_278, %get3A_279] {strides = array<i32>} : memref<80x128xf32, #tpu.memory_space<vmem>>, vector<16xf32>,
      %get3A_281 = arith.index_cast %add3A_237 : i32 to index
      %get3A_282 = arith.constant 80 : index
      %get3A_283 = tpu.vector_load %arg15[%get3A_281, %get3A_282] {strides = array<i32>} : memref<80x128xf32, #tpu.memory_space<vmem>>, vector<16xf32>,
      %mul3A_284 = arith.mulf %get3A_280, %get3A_283 : vector<16xf32>
      %add3A_285 = arith.addf %while3A_231, %mul3A_284 : vector<16xf32>
      %get3A_286 = arith.index_cast %add3A_237 : i32 to index
      %get3A_287 = arith.constant 96 : index
      %get3A_288 = tpu.vector_load %arg13[%get3A_286, %get3A_287] {strides = array<i32>} : memref<80x128xf32, #tpu.memory_space<vmem>>, vector<16xf32>,
      %get3A_289 = arith.index_cast %add3A_237 : i32 to index
      %get3A_290 = arith.constant 96 : index
      %get3A_291 = tpu.vector_load %arg15[%get3A_289, %get3A_290] {strides = array<i32>} : memref<80x128xf32, #tpu.memory_space<vmem>>, vector<16xf32>,
      %mul3A_292 = arith.mulf %get3A_288, %get3A_291 : vector<16xf32>
      %add3A_293 = arith.addf %while3A_232, %mul3A_292 : vector<16xf32>
      %get3A_294 = arith.index_cast %add3A_237 : i32 to index
      %get3A_295 = arith.constant 112 : index
      %get3A_296 = tpu.vector_load %arg13[%get3A_294, %get3A_295] {strides = array<i32>} : memref<80x128xf32, #tpu.memory_space<vmem>>, vector<16xf32>,
      %get3A_297 = arith.index_cast %add3A_237 : i32 to index
      %get3A_298 = arith.constant 112 : index
      %get3A_299 = tpu.vector_load %arg15[%get3A_297, %get3A_298] {strides = array<i32>} : memref<80x128xf32, #tpu.memory_space<vmem>>, vector<16xf32>,
      %mul3A_300 = arith.mulf %get3A_296, %get3A_299 : vector<16xf32>
      %add3A_301 = arith.addf %while3A_233, %mul3A_300 : vector<16xf32>
      %mul3A_302 = arith.constant 2 : i32
      %mul3A_303 = arith.muli %while3A_225, %mul3A_302 : i32
      %add3A_304 = arith.constant 1 : i32
      %add3A_305 = arith.addi %mul3A_303, %add3A_304 : i32
      %get3A_306 = arith.index_cast %add3A_305 : i32 to index
      %get3A_307 = arith.constant 0 : index
      %get3A_308 = tpu.vector_load %arg13[%get3A_306, %get3A_307] {strides = array<i32>} : memref<80x128xf32, #tpu.memory_space<vmem>>, vector<16xf32>,
      %get3A_309 = arith.index_cast %add3A_305 : i32 to index
      %get3A_310 = arith.constant 0 : index
      %get3A_311 = tpu.vector_load %arg15[%get3A_309, %get3A_310] {strides = array<i32>} : memref<80x128xf32, #tpu.memory_space<vmem>>, vector<16xf32>,
      %mul3A_312 = arith.mulf %get3A_308, %get3A_311 : vector<16xf32>
      %add3A_313 = arith.addf %add3A_245, %mul3A_312 : vector<16xf32>
      %get3A_314 = arith.index_cast %add3A_305 : i32 to index
      %get3A_315 = arith.constant 16 : index
      %get3A_316 = tpu.vector_load %arg13[%get3A_314, %get3A_315] {strides = array<i32>} : memref<80x128xf32, #tpu.memory_space<vmem>>, vector<16xf32>,
      %get3A_317 = arith.index_cast %add3A_305 : i32 to index
      %get3A_318 = arith.constant 16 : index
      %get3A_319 = tpu.vector_load %arg15[%get3A_317, %get3A_318] {strides = array<i32>} : memref<80x128xf32, #tpu.memory_space<vmem>>, vector<16xf32>,
      %mul3A_320 = arith.mulf %get3A_316, %get3A_319 : vector<16xf32>
      %add3A_321 = arith.addf %add3A_253, %mul3A_320 : vector<16xf32>
      %get3A_322 = arith.index_cast %add3A_305 : i32 to index
      %get3A_323 = arith.constant 32 : index
      %get3A_324 = tpu.vector_load %arg13[%get3A_322, %get3A_323] {strides = array<i32>} : memref<80x128xf32, #tpu.memory_space<vmem>>, vector<16xf32>,
      %get3A_325 = arith.index_cast %add3A_305 : i32 to index
      %get3A_326 = arith.constant 32 : index
      %get3A_327 = tpu.vector_load %arg15[%get3A_325, %get3A_326] {strides = array<i32>} : memref<80x128xf32, #tpu.memory_space<vmem>>, vector<16xf32>,
      %mul3A_328 = arith.mulf %get3A_324, %get3A_327 : vector<16xf32>
      %add3A_329 = arith.addf %add3A_261, %mul3A_328 : vector<16xf32>
      %get3A_330 = arith.index_cast %add3A_305 : i32 to index
      %get3A_331 = arith.constant 48 : index
      %get3A_332 = tpu.vector_load %arg13[%get3A_330, %get3A_331] {strides = array<i32>} : memref<80x128xf32, #tpu.memory_space<vmem>>, vector<16xf32>,
      %get3A_333 = arith.index_cast %add3A_305 : i32 to index
      %get3A_334 = arith.constant 48 : index
      %get3A_335 = tpu.vector_load %arg15[%get3A_333, %get3A_334] {strides = array<i32>} : memref<80x128xf32, #tpu.memory_space<vmem>>, vector<16xf32>,
      %mul3A_336 = arith.mulf %get3A_332, %get3A_335 : vector<16xf32>
      %add3A_337 = arith.addf %add3A_269, %mul3A_336 : vector<16xf32>
      %get3A_338 = arith.index_cast %add3A_305 : i32 to index
      %get3A_339 = arith.constant 64 : index
      %get3A_340 = tpu.vector_load %arg13[%get3A_338, %get3A_339] {strides = array<i32>} : memref<80x128xf32, #tpu.memory_space<vmem>>, vector<16xf32>,
      %get3A_341 = arith.index_cast %add3A_305 : i32 to index
      %get3A_342 = arith.constant 64 : index
      %get3A_343 = tpu.vector_load %arg15[%get3A_341, %get3A_342] {strides = array<i32>} : memref<80x128xf32, #tpu.memory_space<vmem>>, vector<16xf32>,
      %mul3A_344 = arith.mulf %get3A_340, %get3A_343 : vector<16xf32>
      %add3A_345 = arith.addf %add3A_277, %mul3A_344 : vector<16xf32>
      %get3A_346 = arith.index_cast %add3A_305 : i32 to index
      %get3A_347 = arith.constant 80 : index
      %get3A_348 = tpu.vector_load %arg13[%get3A_346, %get3A_347] {strides = array<i32>} : memref<80x128xf32, #tpu.memory_space<vmem>>, vector<16xf32>,
      %get3A_349 = arith.index_cast %add3A_305 : i32 to index
      %get3A_350 = arith.constant 80 : index
      %get3A_351 = tpu.vector_load %arg15[%get3A_349, %get3A_350] {strides = array<i32>} : memref<80x128xf32, #tpu.memory_space<vmem>>, vector<16xf32>,
      %mul3A_352 = arith.mulf %get3A_348, %get3A_351 : vector<16xf32>
      %add3A_353 = arith.addf %add3A_285, %mul3A_352 : vector<16xf32>
      %get3A_354 = arith.index_cast %add3A_305 : i32 to index
      %get3A_355 = arith.constant 96 : index
      %get3A_356 = tpu.vector_load %arg13[%get3A_354, %get3A_355] {strides = array<i32>} : memref<80x128xf32, #tpu.memory_space<vmem>>, vector<16xf32>,
      %get3A_357 = arith.index_cast %add3A_305 : i32 to index
      %get3A_358 = arith.constant 96 : index
      %get3A_359 = tpu.vector_load %arg15[%get3A_357, %get3A_358] {strides = array<i32>} : memref<80x128xf32, #tpu.memory_space<vmem>>, vector<16xf32>,
      %mul3A_360 = arith.mulf %get3A_356, %get3A_359 : vector<16xf32>
      %add3A_361 = arith.addf %add3A_293, %mul3A_360 : vector<16xf32>
      %get3A_362 = arith.index_cast %add3A_305 : i32 to index
      %get3A_363 = arith.constant 112 : index
      %get3A_364 = tpu.vector_load %arg13[%get3A_362, %get3A_363] {strides = array<i32>} : memref<80x128xf32, #tpu.memory_space<vmem>>, vector<16xf32>,
      %get3A_365 = arith.index_cast %add3A_305 : i32 to index
      %get3A_366 = arith.constant 112 : index
      %get3A_367 = tpu.vector_load %arg15[%get3A_365, %get3A_366] {strides = array<i32>} : memref<80x128xf32, #tpu.memory_space<vmem>>, vector<16xf32>,
      %mul3A_368 = arith.mulf %get3A_364, %get3A_367 : vector<16xf32>
      %add3A_369 = arith.addf %add3A_301, %mul3A_368 : vector<16xf32>
      scf.yield %add3A_313, %add3A_321, %add3A_329, %add3A_337, %add3A_345, %add3A_353, %add3A_361, %add3A_369 : vector<16xf32>, vector<16xf32>, vector<16xf32>, vector<16xf32>, vector<16xf32>, vector<16xf32>, vector<16xf32>, vector<16xf32>
    }
    %while3A_195 = arith.constant 1 : i32
    %while3A_196:8 = scf.for %while3A_225 = %while3A_192 to %while3A_188 step %while3A_195 iter_args(%while3A_226 = %while3A_194#0, %while3A_227 = %while3A_194#1, %while3A_228 = %while3A_194#2, %while3A_229 = %while3A_194#3, %while3A_230 = %while3A_194#4, %while3A_231 = %while3A_194#5, %while3A_232 = %while3A_194#6, %while3A_233 = %while3A_194#7) -> (vector<16xf32>, vector<16xf32>, vector<16xf32>, vector<16xf32>, vector<16xf32>, vector<16xf32>, vector<16xf32>, vector<16xf32>)  : i32 {
      %mul3A_234 = arith.constant 2 : i32
      %mul3A_235 = arith.muli %while3A_225, %mul3A_234 : i32
      %add3A_236 = arith.constant 0 : i32
      %add3A_237 = arith.addi %mul3A_235, %add3A_236 : i32
      %get3A_238 = arith.index_cast %add3A_237 : i32 to index
      %get3A_239 = arith.constant 0 : index
      %get3A_240 = tpu.vector_load %arg13[%get3A_238, %get3A_239] {strides = array<i32>} : memref<80x128xf32, #tpu.memory_space<vmem>>, vector<16xf32>,
      %get3A_241 = arith.index_cast %add3A_237 : i32 to index
      %get3A_242 = arith.constant 0 : index
      %get3A_243 = tpu.vector_load %arg15[%get3A_241, %get3A_242] {strides = array<i32>} : memref<80x128xf32, #tpu.memory_space<vmem>>, vector<16xf32>,
      %mul3A_244 = arith.mulf %get3A_240, %get3A_243 : vector<16xf32>
      %add3A_245 = arith.addf %while3A_226, %mul3A_244 : vector<16xf32>
      %get3A_246 = arith.index_cast %add3A_237 : i32 to index
      %get3A_247 = arith.constant 16 : index
      %get3A_248 = tpu.vector_load %arg13[%get3A_246, %get3A_247] {strides = array<i32>} : memref<80x128xf32, #tpu.memory_space<vmem>>, vector<16xf32>,
      %get3A_249 = arith.index_cast %add3A_237 : i32 to index
      %get3A_250 = arith.constant 16 : index
      %get3A_251 = tpu.vector_load %arg15[%get3A_249, %get3A_250] {strides = array<i32>} : memref<80x128xf32, #tpu.memory_space<vmem>>, vector<16xf32>,
      %mul3A_252 = arith.mulf %get3A_248, %get3A_251 : vector<16xf32>
      %add3A_253 = arith.addf %while3A_227, %mul3A_252 : vector<16xf32>
      %get3A_254 = arith.index_cast %add3A_237 : i32 to index
      %get3A_255 = arith.constant 32 : index
      %get3A_256 = tpu.vector_load %arg13[%get3A_254, %get3A_255] {strides = array<i32>} : memref<80x128xf32, #tpu.memory_space<vmem>>, vector<16xf32>,
      %get3A_257 = arith.index_cast %add3A_237 : i32 to index
      %get3A_258 = arith.constant 32 : index
      %get3A_259 = tpu.vector_load %arg15[%get3A_257, %get3A_258] {strides = array<i32>} : memref<80x128xf32, #tpu.memory_space<vmem>>, vector<16xf32>,
      %mul3A_260 = arith.mulf %get3A_256, %get3A_259 : vector<16xf32>
      %add3A_261 = arith.addf %while3A_228, %mul3A_260 : vector<16xf32>
      %get3A_262 = arith.index_cast %add3A_237 : i32 to index
      %get3A_263 = arith.constant 48 : index
      %get3A_264 = tpu.vector_load %arg13[%get3A_262, %get3A_263] {strides = array<i32>} : memref<80x128xf32, #tpu.memory_space<vmem>>, vector<16xf32>,
      %get3A_265 = arith.index_cast %add3A_237 : i32 to index
      %get3A_266 = arith.constant 48 : index
      %get3A_267 = tpu.vector_load %arg15[%get3A_265, %get3A_266] {strides = array<i32>} : memref<80x128xf32, #tpu.memory_space<vmem>>, vector<16xf32>,
      %mul3A_268 = arith.mulf %get3A_264, %get3A_267 : vector<16xf32>
      %add3A_269 = arith.addf %while3A_229, %mul3A_268 : vector<16xf32>
      %get3A_270 = arith.index_cast %add3A_237 : i32 to index
      %get3A_271 = arith.constant 64 : index
      %get3A_272 = tpu.vector_load %arg13[%get3A_270, %get3A_271] {strides = array<i32>} : memref<80x128xf32, #tpu.memory_space<vmem>>, vector<16xf32>,
      %get3A_273 = arith.index_cast %add3A_237 : i32 to index
      %get3A_274 = arith.constant 64 : index
      %get3A_275 = tpu.vector_load %arg15[%get3A_273, %get3A_274] {strides = array<i32>} : memref<80x128xf32, #tpu.memory_space<vmem>>, vector<16xf32>,
      %mul3A_276 = arith.mulf %get3A_272, %get3A_275 : vector<16xf32>
      %add3A_277 = arith.addf %while3A_230, %mul3A_276 : vector<16xf32>
      %get3A_278 = arith.index_cast %add3A_237 : i32 to index
      %get3A_279 = arith.constant 80 : index
      %get3A_280 = tpu.vector_load %arg13[%get3A_278, %get3A_279] {strides = array<i32>} : memref<80x128xf32, #tpu.memory_space<vmem>>, vector<16xf32>,
      %get3A_281 = arith.index_cast %add3A_237 : i32 to index
      %get3A_282 = arith.constant 80 : index
      %get3A_283 = tpu.vector_load %arg15[%get3A_281, %get3A_282] {strides = array<i32>} : memref<80x128xf32, #tpu.memory_space<vmem>>, vector<16xf32>,
      %mul3A_284 = arith.mulf %get3A_280, %get3A_283 : vector<16xf32>
      %add3A_285 = arith.addf %while3A_231, %mul3A_284 : vector<16xf32>
      %get3A_286 = arith.index_cast %add3A_237 : i32 to index
      %get3A_287 = arith.constant 96 : index
      %get3A_288 = tpu.vector_load %arg13[%get3A_286, %get3A_287] {strides = array<i32>} : memref<80x128xf32, #tpu.memory_space<vmem>>, vector<16xf32>,
      %get3A_289 = arith.index_cast %add3A_237 : i32 to index
      %get3A_290 = arith.constant 96 : index
      %get3A_291 = tpu.vector_load %arg15[%get3A_289, %get3A_290] {strides = array<i32>} : memref<80x128xf32, #tpu.memory_space<vmem>>, vector<16xf32>,
      %mul3A_292 = arith.mulf %get3A_288, %get3A_291 : vector<16xf32>
      %add3A_293 = arith.addf %while3A_232, %mul3A_292 : vector<16xf32>
      %get3A_294 = arith.index_cast %add3A_237 : i32 to index
      %get3A_295 = arith.constant 112 : index
      %get3A_296 = tpu.vector_load %arg13[%get3A_294, %get3A_295] {strides = array<i32>} : memref<80x128xf32, #tpu.memory_space<vmem>>, vector<16xf32>,
      %get3A_297 = arith.index_cast %add3A_237 : i32 to index
      %get3A_298 = arith.constant 112 : index
      %get3A_299 = tpu.vector_load %arg15[%get3A_297, %get3A_298] {strides = array<i32>} : memref<80x128xf32, #tpu.memory_space<vmem>>, vector<16xf32>,
      %mul3A_300 = arith.mulf %get3A_296, %get3A_299 : vector<16xf32>
      %add3A_301 = arith.addf %while3A_233, %mul3A_300 : vector<16xf32>
      %mul3A_302 = arith.constant 2 : i32
      %mul3A_303 = arith.muli %while3A_225, %mul3A_302 : i32
      %add3A_304 = arith.constant 1 : i32
      %add3A_305 = arith.addi %mul3A_303, %add3A_304 : i32
      %get3A_306 = arith.index_cast %add3A_305 : i32 to index
      %get3A_307 = arith.constant 0 : index
      %get3A_308 = tpu.vector_load %arg13[%get3A_306, %get3A_307] {strides = array<i32>} : memref<80x128xf32, #tpu.memory_space<vmem>>, vector<16xf32>,
      %get3A_309 = arith.index_cast %add3A_305 : i32 to index
      %get3A_310 = arith.constant 0 : index
      %get3A_311 = tpu.vector_load %arg15[%get3A_309, %get3A_310] {strides = array<i32>} : memref<80x128xf32, #tpu.memory_space<vmem>>, vector<16xf32>,
      %mul3A_312 = arith.mulf %get3A_308, %get3A_311 : vector<16xf32>
      %add3A_313 = arith.addf %add3A_245, %mul3A_312 : vector<16xf32>
      %get3A_314 = arith.index_cast %add3A_305 : i32 to index
      %get3A_315 = arith.constant 16 : index
      %get3A_316 = tpu.vector_load %arg13[%get3A_314, %get3A_315] {strides = array<i32>} : memref<80x128xf32, #tpu.memory_space<vmem>>, vector<16xf32>,
      %get3A_317 = arith.index_cast %add3A_305 : i32 to index
      %get3A_318 = arith.constant 16 : index
      %get3A_319 = tpu.vector_load %arg15[%get3A_317, %get3A_318] {strides = array<i32>} : memref<80x128xf32, #tpu.memory_space<vmem>>, vector<16xf32>,
      %mul3A_320 = arith.mulf %get3A_316, %get3A_319 : vector<16xf32>
      %add3A_321 = arith.addf %add3A_253, %mul3A_320 : vector<16xf32>
      %get3A_322 = arith.index_cast %add3A_305 : i32 to index
      %get3A_323 = arith.constant 32 : index
      %get3A_324 = tpu.vector_load %arg13[%get3A_322, %get3A_323] {strides = array<i32>} : memref<80x128xf32, #tpu.memory_space<vmem>>, vector<16xf32>,
      %get3A_325 = arith.index_cast %add3A_305 : i32 to index
      %get3A_326 = arith.constant 32 : index
      %get3A_327 = tpu.vector_load %arg15[%get3A_325, %get3A_326] {strides = array<i32>} : memref<80x128xf32, #tpu.memory_space<vmem>>, vector<16xf32>,
      %mul3A_328 = arith.mulf %get3A_324, %get3A_327 : vector<16xf32>
      %add3A_329 = arith.addf %add3A_261, %mul3A_328 : vector<16xf32>
      %get3A_330 = arith.index_cast %add3A_305 : i32 to index
      %get3A_331 = arith.constant 48 : index
      %get3A_332 = tpu.vector_load %arg13[%get3A_330, %get3A_331] {strides = array<i32>} : memref<80x128xf32, #tpu.memory_space<vmem>>, vector<16xf32>,
      %get3A_333 = arith.index_cast %add3A_305 : i32 to index
      %get3A_334 = arith.constant 48 : index
      %get3A_335 = tpu.vector_load %arg15[%get3A_333, %get3A_334] {strides = array<i32>} : memref<80x128xf32, #tpu.memory_space<vmem>>, vector<16xf32>,
      %mul3A_336 = arith.mulf %get3A_332, %get3A_335 : vector<16xf32>
      %add3A_337 = arith.addf %add3A_269, %mul3A_336 : vector<16xf32>
      %get3A_338 = arith.index_cast %add3A_305 : i32 to index
      %get3A_339 = arith.constant 64 : index
      %get3A_340 = tpu.vector_load %arg13[%get3A_338, %get3A_339] {strides = array<i32>} : memref<80x128xf32, #tpu.memory_space<vmem>>, vector<16xf32>,
      %get3A_341 = arith.index_cast %add3A_305 : i32 to index
      %get3A_342 = arith.constant 64 : index
      %get3A_343 = tpu.vector_load %arg15[%get3A_341, %get3A_342] {strides = array<i32>} : memref<80x128xf32, #tpu.memory_space<vmem>>, vector<16xf32>,
      %mul3A_344 = arith.mulf %get3A_340, %get3A_343 : vector<16xf32>
      %add3A_345 = arith.addf %add3A_277, %mul3A_344 : vector<16xf32>
      %get3A_346 = arith.index_cast %add3A_305 : i32 to index
      %get3A_347 = arith.constant 80 : index
      %get3A_348 = tpu.vector_load %arg13[%get3A_346, %get3A_347] {strides = array<i32>} : memref<80x128xf32, #tpu.memory_space<vmem>>, vector<16xf32>,
      %get3A_349 = arith.index_cast %add3A_305 : i32 to index
      %get3A_350 = arith.constant 80 : index
      %get3A_351 = tpu.vector_load %arg15[%get3A_349, %get3A_350] {strides = array<i32>} : memref<80x128xf32, #tpu.memory_space<vmem>>, vector<16xf32>,
      %mul3A_352 = arith.mulf %get3A_348, %get3A_351 : vector<16xf32>
      %add3A_353 = arith.addf %add3A_285, %mul3A_352 : vector<16xf32>
      %get3A_354 = arith.index_cast %add3A_305 : i32 to index
      %get3A_355 = arith.constant 96 : index
      %get3A_356 = tpu.vector_load %arg13[%get3A_354, %get3A_355] {strides = array<i32>} : memref<80x128xf32, #tpu.memory_space<vmem>>, vector<16xf32>,
      %get3A_357 = arith.index_cast %add3A_305 : i32 to index
      %get3A_358 = arith.constant 96 : index
      %get3A_359 = tpu.vector_load %arg15[%get3A_357, %get3A_358] {strides = array<i32>} : memref<80x128xf32, #tpu.memory_space<vmem>>, vector<16xf32>,
      %mul3A_360 = arith.mulf %get3A_356, %get3A_359 : vector<16xf32>
      %add3A_361 = arith.addf %add3A_293, %mul3A_360 : vector<16xf32>
      %get3A_362 = arith.index_cast %add3A_305 : i32 to index
      %get3A_363 = arith.constant 112 : index
      %get3A_364 = tpu.vector_load %arg13[%get3A_362, %get3A_363] {strides = array<i32>} : memref<80x128xf32, #tpu.memory_space<vmem>>, vector<16xf32>,
      %get3A_365 = arith.index_cast %add3A_305 : i32 to index
      %get3A_366 = arith.constant 112 : index
      %get3A_367 = tpu.vector_load %arg15[%get3A_365, %get3A_366] {strides = array<i32>} : memref<80x128xf32, #tpu.memory_space<vmem>>, vector<16xf32>,
      %mul3A_368 = arith.mulf %get3A_364, %get3A_367 : vector<16xf32>
      %add3A_369 = arith.addf %add3A_301, %mul3A_368 : vector<16xf32>
      scf.yield %add3A_313, %add3A_321, %add3A_329, %add3A_337, %add3A_345, %add3A_353, %add3A_361, %add3A_369 : vector<16xf32>, vector<16xf32>, vector<16xf32>, vector<16xf32>, vector<16xf32>, vector<16xf32>, vector<16xf32>, vector<16xf32>
    }
    %barrier3A_197 = arith.constant 0 : index
    tpu.barrier barrier_id(%barrier3A_197)
    %add3A_198 = arith.addf %while3A_196#0, %while3A_196#1 : vector<16xf32>
    %add3A_199 = arith.addf %add3A_198, %while3A_196#2 : vector<16xf32>
    %add3A_200 = arith.addf %add3A_199, %while3A_196#3 : vector<16xf32>
    %add3A_201 = arith.addf %add3A_200, %while3A_196#4 : vector<16xf32>
    %add3A_202 = arith.addf %add3A_201, %while3A_196#5 : vector<16xf32>
    %add3A_203 = arith.addf %add3A_202, %while3A_196#6 : vector<16xf32>
    %add3A_204 = arith.addf %add3A_203, %while3A_196#7 : vector<16xf32>
    %swap3A_205 = arith.constant 0 : index
    %swap3A_206 = tpu.vector_load %arg23[%swap3A_205] {strides = array<i32>} : memref<16xf32, #tpu.memory_space<vmem>>, vector<16xf32>,
    tpu.vector_store %arg23[%swap3A_205], %add3A_204 {strides = array<i32>} : memref<16xf32, #tpu.memory_space<vmem>>, vector<16xf32>,
    "tpu.region"() ({
      %run_scoped3A = tpu.sem_alloc : memref<!tpu.dma_semaphore, #tpu.memory_space<semaphore_mem>>
      %dma_start3A_225 = arith.constant 0 : i32
      %dma_start3A_226 = tpu.memref_slice %arg9[%add3A, %dma_start3A_225] : memref<32x16xf32, #tpu.memory_space<hbm>> -> memref<1x16xf32, #tpu.memory_space<hbm>>
      %dma_start3A_227 = tpu.memref_squeeze %dma_start3A_226 : memref<1x16xf32, #tpu.memory_space<hbm>> -> memref<16xf32, #tpu.memory_space<hbm>>
      %dma_start3A_228 = arith.constant 0 : i32
      %dma_start3A_229 = tpu.memref_slice %arg9[%add3A, %dma_start3A_228] : memref<32x16xf32, #tpu.memory_space<hbm>> -> memref<1x16xf32, #tpu.memory_space<hbm>>
      %dma_start3A_230 = tpu.memref_squeeze %dma_start3A_229 : memref<1x16xf32, #tpu.memory_space<hbm>> -> memref<16xf32, #tpu.memory_space<hbm>>
      tpu.enqueue_dma source(%arg23 : memref<16xf32, #tpu.memory_space<vmem>>) target(%dma_start3A_230 : memref<16xf32, #tpu.memory_space<hbm>>) target_semaphore(%run_scoped3A : memref<!tpu.dma_semaphore, #tpu.memory_space<semaphore_mem>>)
      %dma_wait3A_231 = arith.constant 0 : i32
      %dma_wait3A_232 = tpu.memref_slice %arg9[%add3A, %dma_wait3A_231] : memref<32x16xf32, #tpu.memory_space<hbm>> -> memref<1x16xf32, #tpu.memory_space<hbm>>
      %dma_wait3A_233 = tpu.memref_squeeze %dma_wait3A_232 : memref<1x16xf32, #tpu.memory_space<hbm>> -> memref<16xf32, #tpu.memory_space<hbm>>
      %dma_wait3A_234 = arith.constant 0 : i32
      %dma_wait3A_235 = tpu.memref_slice %arg9[%add3A, %dma_wait3A_234] : memref<32x16xf32, #tpu.memory_space<hbm>> -> memref<1x16xf32, #tpu.memory_space<hbm>>
      %dma_wait3A_236 = tpu.memref_squeeze %dma_wait3A_235 : memref<1x16xf32, #tpu.memory_space<hbm>> -> memref<16xf32, #tpu.memory_space<hbm>>
      tpu.wait_dma2 semaphore(%run_scoped3A : memref<!tpu.dma_semaphore, #tpu.memory_space<semaphore_mem>>) src(%arg23 : memref<16xf32, #tpu.memory_space<vmem>>) dst(%dma_wait3A_236 : memref<16xf32, #tpu.memory_space<hbm>>)
      tpu.yield
    }) : () -> ()
    %swap3A_207 = arith.constant 0 : index
    %swap3A_208 = tpu.vector_load %arg23[%swap3A_207] {strides = array<i32>} : memref<16xf32, #tpu.memory_space<vmem>>, vector<16xf32>,
    tpu.vector_store %arg23[%swap3A_207], %add3A_184 {strides = array<i32>} : memref<16xf32, #tpu.memory_space<vmem>>, vector<16xf32>,
    "tpu.region"() ({
      %run_scoped3A = tpu.sem_alloc : memref<!tpu.dma_semaphore, #tpu.memory_space<semaphore_mem>>
      %dma_start3A_225 = arith.constant 0 : i32
      %dma_start3A_226 = tpu.memref_slice %arg10[%add3A, %dma_start3A_225] : memref<32x16xf32, #tpu.memory_space<hbm>> -> memref<1x16xf32, #tpu.memory_space<hbm>>
      %dma_start3A_227 = tpu.memref_squeeze %dma_start3A_226 : memref<1x16xf32, #tpu.memory_space<hbm>> -> memref<16xf32, #tpu.memory_space<hbm>>
      %dma_start3A_228 = arith.constant 0 : i32
      %dma_start3A_229 = tpu.memref_slice %arg10[%add3A, %dma_start3A_228] : memref<32x16xf32, #tpu.memory_space<hbm>> -> memref<1x16xf32, #tpu.memory_space<hbm>>
      %dma_start3A_230 = tpu.memref_squeeze %dma_start3A_229 : memref<1x16xf32, #tpu.memory_space<hbm>> -> memref<16xf32, #tpu.memory_space<hbm>>
      tpu.enqueue_dma source(%arg23 : memref<16xf32, #tpu.memory_space<vmem>>) target(%dma_start3A_230 : memref<16xf32, #tpu.memory_space<hbm>>) target_semaphore(%run_scoped3A : memref<!tpu.dma_semaphore, #tpu.memory_space<semaphore_mem>>)
      %dma_wait3A_231 = arith.constant 0 : i32
      %dma_wait3A_232 = tpu.memref_slice %arg10[%add3A, %dma_wait3A_231] : memref<32x16xf32, #tpu.memory_space<hbm>> -> memref<1x16xf32, #tpu.memory_space<hbm>>
      %dma_wait3A_233 = tpu.memref_squeeze %dma_wait3A_232 : memref<1x16xf32, #tpu.memory_space<hbm>> -> memref<16xf32, #tpu.memory_space<hbm>>
      %dma_wait3A_234 = arith.constant 0 : i32
      %dma_wait3A_235 = tpu.memref_slice %arg10[%add3A, %dma_wait3A_234] : memref<32x16xf32, #tpu.memory_space<hbm>> -> memref<1x16xf32, #tpu.memory_space<hbm>>
      %dma_wait3A_236 = tpu.memref_squeeze %dma_wait3A_235 : memref<1x16xf32, #tpu.memory_space<hbm>> -> memref<16xf32, #tpu.memory_space<hbm>>
      tpu.wait_dma2 semaphore(%run_scoped3A : memref<!tpu.dma_semaphore, #tpu.memory_space<semaphore_mem>>) src(%arg23 : memref<16xf32, #tpu.memory_space<vmem>>) dst(%dma_wait3A_236 : memref<16xf32, #tpu.memory_space<hbm>>)
      tpu.yield
    }) : () -> ()
    %mul3A_209 = arith.constant 640 : i32
    %mul3A_210 = arith.muli %arg1, %mul3A_209 : i32
    "tpu.region"() ({
      %run_scoped3A = tpu.sem_alloc : memref<!tpu.dma_semaphore, #tpu.memory_space<semaphore_mem>>
      %dma_start3A_225 = tpu.memref_slice %arg24[%mul3A_210] : memref<10240xf32, #tpu.memory_space<vmem_shared>> -> memref<640xf32, #tpu.memory_space<vmem_shared>>
      %dma_start3A_226 = tpu.memref_slice %arg24[%mul3A_210] : memref<10240xf32, #tpu.memory_space<vmem_shared>> -> memref<640xf32, #tpu.memory_space<vmem_shared>>
      tpu.enqueue_dma source(%dma_start3A_226 : memref<640xf32, #tpu.memory_space<vmem_shared>>) target(%arg22 : memref<640xf32, #tpu.memory_space<vmem>>) target_semaphore(%run_scoped3A : memref<!tpu.dma_semaphore, #tpu.memory_space<semaphore_mem>>)
      %dma_wait3A_227 = tpu.memref_slice %arg24[%mul3A_210] : memref<10240xf32, #tpu.memory_space<vmem_shared>> -> memref<640xf32, #tpu.memory_space<vmem_shared>>
      %dma_wait3A_228 = tpu.memref_slice %arg24[%mul3A_210] : memref<10240xf32, #tpu.memory_space<vmem_shared>> -> memref<640xf32, #tpu.memory_space<vmem_shared>>
      tpu.wait_dma2 semaphore(%run_scoped3A : memref<!tpu.dma_semaphore, #tpu.memory_space<semaphore_mem>>) src(%dma_wait3A_228 : memref<640xf32, #tpu.memory_space<vmem_shared>>) dst(%arg22 : memref<640xf32, #tpu.memory_space<vmem>>)
      tpu.yield
    }) : () -> ()
    %while3A_211 = arith.constant 0 : i32
    %while3A_212 = arith.constant 40 : i32
    %while3A_213 = arith.subi %while3A_212, %while3A_211 : i32
    %while3A_214 = arith.addi %while3A_211, %while3A_213 : i32
    %while3A_215 = arith.constant 1 : i32
    %while3A_216 = arith.divsi %while3A_213, %while3A_215 : i32
    %while3A_217 = arith.muli %while3A_216, %while3A_215 : i32
    %while3A_218 = arith.addi %while3A_211, %while3A_217 : i32
    %while3A_219 = arith.constant 1 : i32
    %while3A_220 = scf.for %while3A_225 = %while3A_211 to %while3A_218 step %while3A_219 iter_args(%while3A_226 = %broadcast_in_dim3A_1) -> (vector<16xf32>)  : i32 {
      %mul3A_227 = arith.constant 16 : i32
      %mul3A_228 = arith.muli %while3A_225, %mul3A_227 : i32
      %get3A_229 = arith.index_cast %mul3A_228 : i32 to index
      %get3A_230 = tpu.vector_load %arg22[%get3A_229] {strides = array<i32>} : memref<640xf32, #tpu.memory_space<vmem>>, vector<16xf32>,
      %gt3A = arith.constant 0.000000e+00 : f32
      %gt3A_231 = vector.broadcast %gt3A : f32 to vector<16xf32>
      %gt3A_232 = arith.cmpf ogt, %get3A_230, %gt3A_231 : vector<16xf32>
      %select_n3A = arith.select %gt3A_232, %broadcast_in_dim3A_3, %broadcast_in_dim3A_1 : vector<16xi1>, vector<16xf32>
      %add3A_233 = arith.addf %while3A_226, %select_n3A : vector<16xf32>
      scf.yield %add3A_233 : vector<16xf32>
    }
    %while3A_221 = arith.constant 1 : i32
    %while3A_222 = scf.for %while3A_225 = %while3A_218 to %while3A_214 step %while3A_221 iter_args(%while3A_226 = %while3A_220) -> (vector<16xf32>)  : i32 {
      %mul3A_227 = arith.constant 16 : i32
      %mul3A_228 = arith.muli %while3A_225, %mul3A_227 : i32
      %get3A_229 = arith.index_cast %mul3A_228 : i32 to index
      %get3A_230 = tpu.vector_load %arg22[%get3A_229] {strides = array<i32>} : memref<640xf32, #tpu.memory_space<vmem>>, vector<16xf32>,
      %gt3A = arith.constant 0.000000e+00 : f32
      %gt3A_231 = vector.broadcast %gt3A : f32 to vector<16xf32>
      %gt3A_232 = arith.cmpf ogt, %get3A_230, %gt3A_231 : vector<16xf32>
      %select_n3A = arith.select %gt3A_232, %broadcast_in_dim3A_3, %broadcast_in_dim3A_1 : vector<16xi1>, vector<16xf32>
      %add3A_233 = arith.addf %while3A_226, %select_n3A : vector<16xf32>
      scf.yield %add3A_233 : vector<16xf32>
    }
    %swap3A_223 = arith.constant 0 : index
    %swap3A_224 = tpu.vector_load %arg23[%swap3A_223] {strides = array<i32>} : memref<16xf32, #tpu.memory_space<vmem>>, vector<16xf32>,
    tpu.vector_store %arg23[%swap3A_223], %while3A_222 {strides = array<i32>} : memref<16xf32, #tpu.memory_space<vmem>>, vector<16xf32>,
    "tpu.region"() ({
      %run_scoped3A = tpu.sem_alloc : memref<!tpu.dma_semaphore, #tpu.memory_space<semaphore_mem>>
      %dma_start3A_225 = arith.constant 0 : i32
      %dma_start3A_226 = tpu.memref_slice %arg11[%add3A, %dma_start3A_225] : memref<32x16xf32, #tpu.memory_space<hbm>> -> memref<1x16xf32, #tpu.memory_space<hbm>>
      %dma_start3A_227 = tpu.memref_squeeze %dma_start3A_226 : memref<1x16xf32, #tpu.memory_space<hbm>> -> memref<16xf32, #tpu.memory_space<hbm>>
      %dma_start3A_228 = arith.constant 0 : i32
      %dma_start3A_229 = tpu.memref_slice %arg11[%add3A, %dma_start3A_228] : memref<32x16xf32, #tpu.memory_space<hbm>> -> memref<1x16xf32, #tpu.memory_space<hbm>>
      %dma_start3A_230 = tpu.memref_squeeze %dma_start3A_229 : memref<1x16xf32, #tpu.memory_space<hbm>> -> memref<16xf32, #tpu.memory_space<hbm>>
      tpu.enqueue_dma source(%arg23 : memref<16xf32, #tpu.memory_space<vmem>>) target(%dma_start3A_230 : memref<16xf32, #tpu.memory_space<hbm>>) target_semaphore(%run_scoped3A : memref<!tpu.dma_semaphore, #tpu.memory_space<semaphore_mem>>)
      %dma_wait3A_231 = arith.constant 0 : i32
      %dma_wait3A_232 = tpu.memref_slice %arg11[%add3A, %dma_wait3A_231] : memref<32x16xf32, #tpu.memory_space<hbm>> -> memref<1x16xf32, #tpu.memory_space<hbm>>
      %dma_wait3A_233 = tpu.memref_squeeze %dma_wait3A_232 : memref<1x16xf32, #tpu.memory_space<hbm>> -> memref<16xf32, #tpu.memory_space<hbm>>
      %dma_wait3A_234 = arith.constant 0 : i32
      %dma_wait3A_235 = tpu.memref_slice %arg11[%add3A, %dma_wait3A_234] : memref<32x16xf32, #tpu.memory_space<hbm>> -> memref<1x16xf32, #tpu.memory_space<hbm>>
      %dma_wait3A_236 = tpu.memref_squeeze %dma_wait3A_235 : memref<1x16xf32, #tpu.memory_space<hbm>> -> memref<16xf32, #tpu.memory_space<hbm>>
      tpu.wait_dma2 semaphore(%run_scoped3A : memref<!tpu.dma_semaphore, #tpu.memory_space<semaphore_mem>>) src(%arg23 : memref<16xf32, #tpu.memory_space<vmem>>) dst(%dma_wait3A_236 : memref<16xf32, #tpu.memory_space<hbm>>)
      tpu.yield
    }) : () -> ()
    return
  }
}

module attributes {stable_mosaic.version = 14 : i64} {
  func.func @body(%arg0: i32, %arg1: memref<2000x128xf32, #tpu.memory_space<vmem>>, %arg2: memref<2000x128xf32, #tpu.memory_space<vmem>>, %arg3: memref<2000x128xf32, #tpu.memory_space<vmem>>, %arg4: memref<2000x1xf32, #tpu.memory_space<vmem>>) attributes {dimension_semantics = [#tpu.dimension_semantics<arbitrary>], iteration_bounds = array<i64: 5>, scalar_prefetch = 0 : i64, scratch_operands = 0 : i64, tpu.core_type = #tpu.core_type<tc>, window_params = [{transform_indices = @transform_0, window_bounds = array<i64: 2000, 128>}, {transform_indices = @transform_1, window_bounds = array<i64: 2000, 128>}, {transform_indices = @transform_2, window_bounds = array<i64: 2000, 128>}, {transform_indices = @transform_3, window_bounds = array<i64: 2000, 1>}]} {
    %get3A = arith.constant 0 : index
    %get3A_0 = arith.constant 0 : index
    %get3A_1 = vector.load %arg1[%get3A, %get3A_0] : memref<2000x128xf32, #tpu.memory_space<vmem>>, vector<2000x128xf32>
    %reduce_max3A = arith.constant dense<0xFF800000> : vector<2000xf32>
    %reduce_max3A_2 = vector.multi_reduction <maximumf>, %get3A_1, %reduce_max3A [1] : vector<2000x128xf32> to vector<2000xf32>
    %broadcast_in_dim3A = vector.shape_cast %reduce_max3A_2 : vector<2000xf32> to vector<2000x1xf32>
    %sub3A = vector.broadcast %broadcast_in_dim3A : vector<2000x1xf32> to vector<2000x128xf32>
    %sub3A_3 = arith.subf %get3A_1, %sub3A : vector<2000x128xf32>
    %exp3A = math.exp %sub3A_3 : vector<2000x128xf32>
    %reduce_sum3A = arith.constant dense<0.000000e+00> : vector<2000xf32>
    %reduce_sum3A_4 = vector.multi_reduction <add>, %exp3A, %reduce_sum3A [1] : vector<2000x128xf32> to vector<2000xf32>
    %broadcast_in_dim3A_5 = vector.shape_cast %reduce_sum3A_4 : vector<2000xf32> to vector<2000x1xf32>
    %log3A = math.log %broadcast_in_dim3A_5 : vector<2000x1xf32>
    %sub3A_6 = vector.broadcast %log3A : vector<2000x1xf32> to vector<2000x128xf32>
    %sub3A_7 = arith.subf %sub3A_3, %sub3A_6 : vector<2000x128xf32>
    %div3A = vector.broadcast %broadcast_in_dim3A_5 : vector<2000x1xf32> to vector<2000x128xf32>
    %div3A_8 = arith.divf %exp3A, %div3A : vector<2000x128xf32>
    %swap3A = arith.constant 0 : index
    %swap3A_9 = arith.constant 0 : index
    %swap3A_10 = vector.load %arg2[%swap3A, %swap3A_9] : memref<2000x128xf32, #tpu.memory_space<vmem>>, vector<2000x128xf32>
    tpu.vector_store %arg2[%swap3A, %swap3A_9], %sub3A_7 {strides = array<i32>} : memref<2000x128xf32, #tpu.memory_space<vmem>>, vector<2000x128xf32>,
    %swap3A_11 = arith.constant 0 : index
    %swap3A_12 = arith.constant 0 : index
    %swap3A_13 = vector.load %arg3[%swap3A_11, %swap3A_12] : memref<2000x128xf32, #tpu.memory_space<vmem>>, vector<2000x128xf32>
    tpu.vector_store %arg3[%swap3A_11, %swap3A_12], %div3A_8 {strides = array<i32>} : memref<2000x128xf32, #tpu.memory_space<vmem>>, vector<2000x128xf32>,
    %mul3A = arith.mulf %div3A_8, %sub3A_7 : vector<2000x128xf32>
    %reduce_sum3A_14 = arith.constant dense<0.000000e+00> : vector<2000xf32>
    %reduce_sum3A_15 = vector.multi_reduction <add>, %mul3A, %reduce_sum3A_14 [1] : vector<2000x128xf32> to vector<2000xf32>
    %broadcast_in_dim3A_16 = vector.shape_cast %reduce_sum3A_15 : vector<2000xf32> to vector<2000x1xf32>
    %swap3A_17 = arith.constant 0 : index
    %swap3A_18 = arith.constant 0 : index
    %swap3A_19 = vector.load %arg4[%swap3A_17, %swap3A_18] : memref<2000x1xf32, #tpu.memory_space<vmem>>, vector<2000x1xf32>
    tpu.vector_store %arg4[%swap3A_17, %swap3A_18], %broadcast_in_dim3A_16 {strides = array<i32>} : memref<2000x1xf32, #tpu.memory_space<vmem>>, vector<2000x1xf32>,
    return
  }
  func.func @transform_0(%arg0: i32) -> (i32, i32) {
    %c0_i32 = arith.constant 0 : i32
    %c0_i32_0 = arith.constant 0 : i32
    return %arg0, %c0_i32 : i32, i32
  }
  func.func @transform_1(%arg0: i32) -> (i32, i32) {
    %c0_i32 = arith.constant 0 : i32
    %c0_i32_0 = arith.constant 0 : i32
    return %arg0, %c0_i32 : i32, i32
  }
  func.func @transform_2(%arg0: i32) -> (i32, i32) {
    %c0_i32 = arith.constant 0 : i32
    %c0_i32_0 = arith.constant 0 : i32
    return %arg0, %c0_i32 : i32, i32
  }
  func.func @transform_3(%arg0: i32) -> (i32, i32) {
    %c0_i32 = arith.constant 0 : i32
    %c0_i32_0 = arith.constant 0 : i32
    return %arg0, %c0_i32 : i32, i32
  }
}

</mosaic_0001>

<sc_bundles>
// kernel: kernel.4.cloned.1.call-start
scs
__scs_entry_jumppad:
0x0: {  	(pc) =	sbr.rel $0x88, $3  }
0x1: {  	(tag) =	ssettag $0x0;
	lr =	simm.s32 $0x1  }
0x2: {  	[smem:$0x3F9E] =	sst lr;
	_ =	strace $0xD0000000  }
0x3: {  	_ = 	snop  }
0x4: {  	_ = 	snop  }
0x5: {  	_ = 	snop  }
0x6: {  	_ = 	snop  }
0x7: {  	_ = 	snop  }
__scs_overlays_trampoline_lowered:
0x8: {  	[smem:$0x3FAD] =	sst s0  }
0x9: {  	[smem:$0x3FAE] =	sst s1  }
0xa: {  	[smem:$0x3FAF] =	sst s2  }
0xb: {  	[smem:$0x3FB0] =	sst s3  }
0xc: {  	[smem:$0x3FB1] =	sst s4  }
0xd: {  	[smem:$0x3FB2] =	sst s5  }
0xe: {  	[smem:$0x3FB3] =	sst s6  }
0xf: {  	[smem:$0x3FB4] =	sst s7  }
0x10: {  	[smem:$0x3FB5] =	sst s8  }
0x11: {  	[smem:$0x3FB6] =	sst s9;
	s0 =	simm.s32 @!p0 $0x0  }
0x12: {  	s1 =	sld [smem:$0x3F9C];
	s0 =	simm.s32 @p0 $0x1  }
0x13: {  	[smem:$0x3FB7] =	sst s0;
	s0 =	simm.s32 @!p1 $0x0  }
0x14: {  	s2 =	sld [smem:$0x3F9B];
	s0 =	simm.s32 @p1 $0x1  }
0x15: {  	[smem:$0x3FB8] =	sst s0;
	s0 =	simm.s32 @!p2 $0x0  }
0x16: {  	s3 =	sld [smem:$0x3FDB];
	s0 =	simm.s32 @p2 $0x1  }
0x17: {  	s4 =	simm.s32 $0x1BF5;
	[smem:$0x3FBA] =	sst s0  }
0x18: {  	s0 =	sld [smem:$0x3F9D];
	_ =	swait.ge [sflag:s4], $0x0  }
0x19: {  	s7 =	sld [smem:$0x3F9E]  }
0x1a: {  	s8 =	sadd.s32 $0xFFFFE003, lr  }
0x1b: {  	s9 =	sadd.s32 $0xFFFFFEF7, lr;
	s5 =	simm.s32 $0xFFFFFFFF;
	p2 =	slt.u32 s8, $0xFFFFF086  }
0x1c: {  	p1 =	slt.u32 s9, $0xF7A;
	s5 =	simm.s32 @!p2 $0x0  }
0x1d: {  	s5 =	simm.s32 @p1 $0x1;
	p0 =	seq.s32 s7, s2  }
0x1e: {  	s7 =	smul.u32 @!p0 $0xF7A, s2;
	p2 =	seq.s32 @!p0 s5, $0x0  }
0x1f: {  	s9 =	smul.u32 $0xF7A, s1;
	s8 =	simm.s32 @!p0 $0x1BF5;
	p2 =	por !p2, p0  }
0x20: {  	[sflag:s8] =	ssyncset.s32 @!p0 $0xFFFFF086;
	s6 =	sadd.s32 @!p0 s3, s7;
	s7 =	simm.s32 @!p0 $0x108  }
0x21: {  	s3 =	sadd.s32 s3, s9;
	s6 =	sadd.s32 @!p0 $0x88, s6;
	s7 =	simm.s32 @p2 $0x1082  }
0x22: {  	[simem:s7], [sflag:s8] =	dma.local @!p0 [hbm:s6], $0xF7A  }
0x23: {  	s9 =	sor.u32 $0xD0000000, s2;
	s6 =	simm.s32 $0x108;
	_ =	swait.ge @!p0 [sflag:s8], $0x0  }
0x24: {  	s3 =	sadd.s32 $0x88, s3;
	s6 =	simm.s32 @!p1 $0x1082;
	[sflag:s4] =	ssyncset.s32 $0xFFFFF086  }
0x25: {  	[simem:s6], [sflag:s4] =	dma.local [hbm:s3], $0xF7A  }
0x26: {  	[smem:$0x3F9E] =	sst s1;
	(tag) =	ssettag s2;
	_ =	strace s9  }
0x27: {  	s1 =	sld [smem:$0x3FAE]  }
0x28: {  	s2 =	sld [smem:$0x3FAF]  }
0x29: {  	s4 =	sld [smem:$0x3FB1]  }
0x2a: {  	p0 =	seq.s32 s5, $0x0;
	s5 =	sld [smem:$0x3FB2]  }
0x2b: {  	s6 =	sld [smem:$0x3FB3]  }
0x2c: {  	s7 =	sld [smem:$0x3FB4]  }
0x2d: {  	s3 =	simm.s32 $0x108;
	s8 =	sld [smem:$0x3FB5]  }
0x2e: {  	s3 =	simm.s32 @!p0 $0x1082;
	s9 =	sld [smem:$0x3FB6]  }
0x2f: {  	lr =	sadd.s32 s0, s3;
	s0 =	sld [smem:$0x3FAD]  }
0x30: {  	s3 =	sld [smem:$0x3FB0]  }
0x31: {  	[smem:$0x3FB9] =	sst s10  }
0x32: {  	s10 =	sld [smem:$0x3FB7];
	_ =	sdelay $0x3  }
0x33: {  	p0 =	seq.s32 s10, $0x1;
	s10 =	sld [smem:$0x3FB9];
	_ =	sdelay $0x3  }
0x34: {  	[smem:$0x3FB9] =	sst s10  }
0x35: {  	s10 =	sld [smem:$0x3FB8];
	_ =	sdelay $0x3  }
0x36: {  	p1 =	seq.s32 s10, $0x1;
	s10 =	sld [smem:$0x3FB9];
	_ =	sdelay $0x3  }
0x37: {  	[smem:$0x3FB9] =	sst s10  }
0x38: {  	s10 =	sld [smem:$0x3FBA]  }
0x39: {  	_ = 	snop;
	(pc) =	sbr.ind lr, $3  }
0x3a: {  	_ = 	snop  }
0x3b: {  	_ = 	snop  }
0x3c: {  	p2 =	seq.s32 s10, $0x1;
	s10 =	sld [smem:$0x3FB9]  }
0x3d: {  	_ =	shalt  }
0x3e: {  	_ =	shalt  }
0x3f: {  	_ =	shalt  }
0x40: {  	_ =	shalt  }
0x41: {  	_ =	shalt  }
0x42: {  	_ =	shalt  }
0x43: {  	_ =	shalt  }
0x44: {  	_ =	shalt  }
0x45: {  	_ =	shalt  }
0x46: {  	_ =	shalt  }
0x47: {  	_ =	shalt  }
0x48: {  	_ =	shalt  }
0x49: {  	_ =	shalt  }
0x4a: {  	_ =	shalt  }
0x4b: {  	_ =	shalt  }
0x4c: {  	_ =	shalt  }
0x4d: {  	_ =	shalt  }
0x4e: {  	_ =	shalt  }
0x4f: {  	_ =	shalt  }
0x50: {  	_ =	shalt  }
0x51: {  	_ =	shalt  }
0x52: {  	_ =	shalt  }
0x53: {  	_ =	shalt  }
0x54: {  	_ =	shalt  }
0x55: {  	_ =	shalt  }
0x56: {  	_ =	shalt  }
0x57: {  	_ =	shalt  }
0x58: {  	_ =	shalt  }
0x59: {  	_ =	shalt  }
0x5a: {  	_ =	shalt  }
0x5b: {  	_ =	shalt  }
0x5c: {  	_ =	shalt  }
0x5d: {  	_ =	shalt  }
0x5e: {  	_ =	shalt  }
0x5f: {  	_ =	shalt  }
0x60: {  	_ =	shalt  }
0x61: {  	_ =	shalt  }
0x62: {  	_ =	shalt  }
0x63: {  	_ =	shalt  }
0x64: {  	_ =	shalt  }
0x65: {  	_ =	shalt  }
0x66: {  	_ =	shalt  }
0x67: {  	_ =	shalt  }
0x68: {  	_ =	shalt  }
0x69: {  	_ =	shalt  }
0x6a: {  	_ =	shalt  }
0x6b: {  	_ =	shalt  }
0x6c: {  	_ =	shalt  }
0x6d: {  	_ =	shalt  }
0x6e: {  	_ =	shalt  }
0x6f: {  	_ =	shalt  }
0x70: {  	_ =	shalt  }
0x71: {  	_ =	shalt  }
0x72: {  	_ =	shalt  }
0x73: {  	_ =	shalt  }
0x74: {  	_ =	shalt  }
0x75: {  	_ =	shalt  }
0x76: {  	_ =	shalt  }
0x77: {  	_ =	shalt  }
0x78: {  	_ =	shalt  }
0x79: {  	_ =	shalt  }
0x7a: {  	_ =	shalt  }
0x7b: {  	_ =	shalt  }
0x7c: {  	_ =	shalt  }
0x7d: {  	_ =	shalt  }
0x7e: {  	_ =	shalt  }
0x7f: {  	_ =	shalt  }
0x80: {  	_ =	shalt  }
0x81: {  	_ =	shalt  }
0x82: {  	_ =	shalt  }
0x83: {  	_ =	shalt  }
0x84: {  	_ =	shalt  }
0x85: {  	_ =	shalt  }
0x86: {  	_ =	shalt  }
0x87: {  	_ =	shalt  }
.Lfunc_end0:
.L_simem_size_0:
called_computation_lowered:
.L_overlay_start_0:
0x88: {  	s2 =	sld [smem:$0x3FD9]  }
0x89: {  	s3 =	sld [smem:$0x3FFE];
	_ =	sdelay $0x1  }
0x8a: {  	s1 =	srdreg.scid  }
0x8b: {  	s0 =	sand.u32 $0x1, s1  }
0x8c: {  	s16 =	sshll.u32 s0, $0xA;
	s2 =	sadd.s32 s3, s2  }
0x8d: {  	s2 =	sadd.s32 s2, s16  }
0x8e: {  	[smem:$0x3FC5] =	sst s2  }
0x8f: {  	_ = 	snop  }
0x90: {  	(tm) =	ssettm $0x1  }
0x91: {  	s17 =	sld [smem:$0x3FFB];
	_ =	sdelay $0x3  }
0x92: {  	_ =	strace s17  }
0x93: {  	s2 =	sld [smem:$0x3FFC];
	_ =	sdelay $0x3  }
0x94: {  	_ =	strace s2  }
0x95: {  	s2 =	sld [smem:$0x3FFD];
	_ =	sdelay $0x3  }
0x96: {  	_ =	strace s2  }
0x97: {  	_ =	strace $0x8FFFFFFF  }
0x98: {  	s18 =	sld [smem:$0x3FDB];
	_ =	sdelay $0x1  }
0x99: {  	s19 =	simm.s32 $_scs_section_size  }
0x9a: {  	s4 =	simm.s32 $_size__tile_overlayer_lowered;
	s5 =	simm.s32 $_tile_overlayer_lowered  }
0x9b: {  	s22 =	simm.s32 $0x1BFF;
	s21 =	sshll.u32 s5, $0x1;
	s2 =	sadd.s32 s19, s18  }
0x9c: {  	s6 =	simm.s32 $0x0;
	s20 =	sshll.u32 s4, $0x1;
	s4 =	sadd.s32 s21, s2  }
0x9d: {  	[timem:s6], [sflag:s22] =	dma.local [hbm:s4], s20  }
0x9e: {  	_ =	swait.ge [sflag:s22], s20  }
0x9f: {  	s3 =	ssub.s32 $0x0, s20;
	[sflag:s22] =	ssyncset.done $0x0  }
0xa0: {  	[sflag:s22] =	ssyncadd.s32 s3;
	_ =	sdelay $0x1  }
0xa1: {  	s23 =	simm.s32 $0x1B8B  }
0xa2: {  	_ =	swait.ge [sflag:s23], $0x1  }
0xa3: {  	[sflag:s23] =	ssyncset.done $0x0  }
0xa4: {  	s25 =	simm.s32 $0x1B8E;
	s24 =	sld [smem:$0x3FFE];
	[sflag:s23] =	ssyncadd.s32 $0xFFFFFFFF  }
0xa5: {  	s26 =	simm.s32 $execute0_lowered;
	[smem:$0x3FD2] =	sst s25  }
0xa6: {  	s4 =	sshll.u32 s26, $0x1;
	_ =	strace $0x80000046;
	[dreg:$0x1] =	wrdreg $0xFFFFFFFF  }
0xa7: {  	s28 =	simm.s32 $_size_execute0_lowered;
	s2 =	sadd.s32 s2, s4;
	[dreg:$0x0] =	wrdreg $0x0  }
0xa8: {  	s4 =	sshll.u32 s28, $0x1;
	[dreg:$0x2] =	wrdreg s2  }
0xa9: {  	[dreg:$0x3] =	wrdreg s4  }
0xaa: {  	[dreg:$0x4] =	wrdreg $0xC0  }
0xab: {  	_ =	task [dreg:s6], $0x5FFFF  }
0xac: {  	[dreg:$0x1] =	wrdreg $0xFFFFFFFF  }
0xad: {  	[dreg:$0x0] =	wrdreg $0x60  }
0xae: {  	[dreg:$0x2] =	wrdreg s24  }
0xaf: {  	[dreg:$0x3] =	wrdreg $0x1BC000  }
0xb0: {  	[dreg:$0x4] =	wrdreg $0x9  }
0xb1: {  	_ =	task.clear_ibuf [dreg:s6], $0x5FFFF;
	_ =	strace $0x90000046  }
0xb2: {  	s29 =	simm.s32 $0x9;
	_ =	strace $0x80000048  }
0xb3: {  	_ =	swait.ge [sflag:s29], $0x1  }
0xb4: {  	[sflag:s29] =	ssyncadd.s32 $0xFFFFFFFF  }
0xb5: {  	_ =	strace $0x90000048  }
0xb6: {  	_ =	sfence  }
0xb7: {  	s30 =	sld [smem:$0x0];
	_ =	sdelay $0x2  }
0xb8: {  	s31 =	sshll.u32 s1, $0xD;
	s1 =	sshrl.u32 s1, $0x2  }
0xb9: {  	s3 =	sand.u32 $0x4000, s31;
	s1 =	sadd.s32 s1, s30  }
0xba: {  	s0 =	sor.u32 s3, s0;
	s1 =	sshll.u32 s1, $0x11  }
0xbb: {  	s0 =	sor.u32 s1, s0  }
0xbc: {  	s0 =	sadd.s32 $0x8F2B, s0  }
0xbd: {  	[sflag:s0] =	ssyncadd.remote.s32 $0x1  }
0xbe: {  	_ =	sfence.sel $0xFFFF  }
0xbf: {  	[dreg:$0x0] =	wrdreg $0xFFFFFFFF;
	(pc) =	sbr.abs _section_cstart, $3  }
0xc0: {  	[dreg:$0x1] =	wrdreg $0xFFFFFFFF  }
0xc1: {  	_ =	task.clear_ibuf [dreg:s6], $0x2FFFF;
	_ =	strace $0x9FFFFFFF  }
0xc2: {  	(tm) =	ssettm $0x7FFFFFFF  }
0xc3: {  	_ =	shalt  }
tec
execute0_lowered:
.L_overlay_start_1:
0x0: {  	(tag) =	ssettag $0x1  }
0x1: {  	s1 =	rddreg [dreg:$0x0]  }
0x2: {  	s2 =	rddreg [dreg:$0x1];
	s0 =	srdreg.scid  }
0x3: {  	s4 =	simm.s32 $0x0;
	s6 =	stileid.u32;
	s16 =	simm.s32 $0xC780  }
0x4: {  	s17 =	simm.s32 $0xEF00;
	s21 =	simm.s32 $0x6;
	s22 =	simm.s32 $0x3  }
0x5: {  	s23 =	simm.s32 $0x2;
	s24 =	simm.s32 $0x50;
	s25 =	simm.s32 $0x2780  }
0x6: {  	s26 =	simm.s32 $0x7780;
	s18 =	simm.s32 $0x1BB80;
	s20 =	simm.s32 $0x0  }
0x7: {  	s0 =	sand.u32 $0x1, s0;
	[smem:$0x7FF] =	sst s4;
	s5 =	sadd.s32 $0x27200, s1  }
0x8: {  	s7 =	sadd.s32 $0x76000, s1;
	s9 =	smul.u32 $0xA00, s6;
	s8 =	sshll.u32 s6, $0x4  }
0x9: {  	s3 =	sshll.u32 s0, $0x4;
	_ =	strace $0x80000047;
	[dreg:$0x3] =	wrdreg s7  }
0xa: {  	s8 =	sand.u32 $0x70, s8;
	s0 =	ssub.s32 $0x2, s0;
	s3 =	sor.u32 s6, s3  }
0xb: {  	s31 =	sshrl.u32 s0, $0x1;
	s11 =	sadd.s32 s9, s1;
	s12 =	sshrl.u32 s9, $0x2  }
0xc: {  	s30 =	smul.u32 $0x4E2, s3;
	s3 =	sshll.u32 s3, $0x4;
	s0 =	ssub.s32 s0, s31  }
0xd: {  	s9 =	sadd.s32 $0x62000, s11;
	s3 =	sand.u32 $0x180, s3;
	s15 =	smax.u32 s0, $0x1  }
0xe: {  	s0 =	simm.s32 $0x4;
	s10 =	sadd.s32 s30, s1;
	s3 =	sor.u32 s8, s3  }
0xf: {  	s3 =	sadd.s32 s3, s1;
	s7 =	sadd.s32 $0x4E400, s10;
	s8 =	sadd.s32 $0x58200, s10  }
0x10: {  	s10 =	sadd.s32 $0x6C000, s11;
	s11 =	sadd.s32 s12, s2;
	s12 =	sadd.s32 $0x76800, s3  }
0x11: {  	v0 =	vimm.f32 $0.0e+00;
	s13 =	sadd.s32 $0x76600, s3;
	s14 =	sadd.s32 $0x76A00, s3;
	s3 =	simm.s32 $0x1  }
.LBB2_1:
0x12: {  	s6 =	rddreg [dreg:$0x3]  }
0x13: {  	[tilespmem:s4], [sflag:$0x1] =	stream.linear.gather [hbm4b:s6+s4], $0x2780, $0x38;
	[tilespmem:$0x1BE80] =	vst v63  }
0x14: {  	_ = 	snop  }
0x15: {  	[tilespmem:s16], [sflag:$0x3] =	stream.linear.gather [hbm4b:s7+s4], $0x2710, $0x38;
	[tilespmem:$0x1BE80] =	vst v63  }
0x16: {  	_ = 	snop  }
0x17: {  	[tilespmem:s17], [sflag:$0x2] =	stream.linear.gather [hbm4b:s8+s4], $0x2710, $0x38;
	[tilespmem:$0x1BE80] =	vst v63  }
0x18: {  	s30 =	simm.s32 $0x16680  }
0x19: {  	[tilespmem:s30], [sflag:$0x4] =	stream.linear.gather [hbm4b:s9+s4], $0x5000, $0x38;
	[tilespmem:$0x1BE80] =	vst v63  }
0x1a: {  	s31 =	simm.s32 $0x11680  }
0x1b: {  	[tilespmem:s31], [sflag:$0x4] =	stream.linear.gather [hbm4b:s10+s4], $0x5000, $0x38;
	[tilespmem:$0x1BE80] =	vst v63  }
0x1c: {  	[tilespmem:$0x1B680] =	vst v0  }
0x1d: {  	[tilespmem:$0x1B690] =	vst v0  }
0x1e: {  	[tilespmem:$0x1B6A0] =	vst v0  }
0x1f: {  	[tilespmem:$0x1B6B0] =	vst v0  }
0x20: {  	[tilespmem:$0x1B6C0] =	vst v0  }
0x21: {  	[tilespmem:$0x1B6D0] =	vst v0  }
0x22: {  	[tilespmem:$0x1B6E0] =	vst v0  }
0x23: {  	[tilespmem:$0x1B6F0] =	vst v0  }
0x24: {  	[tilespmem:$0x1B700] =	vst v0  }
0x25: {  	[tilespmem:$0x1B710] =	vst v0  }
0x26: {  	[tilespmem:$0x1B720] =	vst v0  }
0x27: {  	[tilespmem:$0x1B730] =	vst v0  }
0x28: {  	[tilespmem:$0x1B740] =	vst v0  }
0x29: {  	[tilespmem:$0x1B750] =	vst v0  }
0x2a: {  	[tilespmem:$0x1B760] =	vst v0  }
0x2b: {  	[tilespmem:$0x1B770] =	vst v0  }
0x2c: {  	[tilespmem:$0x1B780] =	vst v0  }
0x2d: {  	[tilespmem:$0x1B790] =	vst v0  }
0x2e: {  	[tilespmem:$0x1B7A0] =	vst v0  }
0x2f: {  	[tilespmem:$0x1B7B0] =	vst v0  }
0x30: {  	[tilespmem:$0x1B7C0] =	vst v0  }
0x31: {  	[tilespmem:$0x1B7D0] =	vst v0  }
0x32: {  	[tilespmem:$0x1B7E0] =	vst v0  }
0x33: {  	[tilespmem:$0x1B7F0] =	vst v0  }
0x34: {  	[tilespmem:$0x1B800] =	vst v0  }
0x35: {  	[tilespmem:$0x1B810] =	vst v0  }
0x36: {  	[tilespmem:$0x1B820] =	vst v0  }
0x37: {  	[tilespmem:$0x1B830] =	vst v0  }
0x38: {  	[tilespmem:$0x1B840] =	vst v0  }
0x39: {  	[tilespmem:$0x1B850] =	vst v0  }
0x3a: {  	[tilespmem:$0x1B860] =	vst v0  }
0x3b: {  	[tilespmem:$0x1B870] =	vst v0  }
0x3c: {  	[tilespmem:$0x1B880] =	vst v0  }
0x3d: {  	[tilespmem:$0x1B890] =	vst v0  }
0x3e: {  	[tilespmem:$0x1B8A0] =	vst v0  }
0x3f: {  	[tilespmem:$0x1B8B0] =	vst v0  }
0x40: {  	[tilespmem:$0x1B8C0] =	vst v0  }
0x41: {  	[tilespmem:$0x1B8D0] =	vst v0  }
0x42: {  	[tilespmem:$0x1B8E0] =	vst v0  }
0x43: {  	s19 =	simm.s32 $0x1B680;
	[tilespmem:$0x1B8F0] =	vst v0  }
0x44: {  	[spmem:s11] =	stream.linear.scatter [tilespmem:s19], [sflag:$0x6], $0x280, $0x38;
	[tilespmem:$0x1BE80] =	vst v63  }
0x45: {  	_ =	swait.ge [sflag:s21], $0x280  }
0x46: {  	[sflag:s21] =	ssyncset.done $0x0  }
0x47: {  	[sflag:s21] =	ssyncadd.s32 $0xFFFFFD80  }
0x48: {  	[bflag:$0x0] =	sbarrier.arrive $0xFFFF  }
0x49: {  	_ =	swait.ge [sflag:s22], $0x2710  }
0x4a: {  	[sflag:s22] =	ssyncset.done $0x0  }
0x4b: {  	[sflag:s22] =	ssyncadd.s32 $0xFFFFD8F0  }
0x4c: {  	_ =	swait.ge [sflag:s23], $0x2710  }
0x4d: {  	[sflag:s23] =	ssyncset.done $0x0  }
0x4e: {  	[sflag:s23] =	ssyncadd.s32 $0xFFFFD8F0  }
0x4f: {  	[tilespmem:s25], [sflag:$0x1] =	stream.indirect.gather [hbm4b:s5+s24], $0x80, s16, s24, $0xb8;
	[tilespmem:$0x1BE80] =	vst v63  }
0x50: {  	_ = 	snop  }
0x51: {  	[tilespmem:s26], [sflag:$0x3] =	stream.indirect.gather [hbm4b:s1+s24], $0x80, s17, s24, $0xb8;
	[tilespmem:$0x1BE80] =	vst v63  }
0x52: {  	s29 =	simm.s32 $0xC7D0;
	s19 =	simm.s32 $0x4F80  }
0x53: {  	[tilespmem:s19], [sflag:$0x2] =	stream.indirect.gather [hbm4b:s5+s24], $0x80, s29, s24, $0xb8;
	[tilespmem:$0x1BE80] =	vst v63  }
0x54: {  	s30 =	simm.s32 $0xEF50;
	s31 =	simm.s32 $0x9F80  }
0x55: {  	[tilespmem:s31], [sflag:$0x4] =	stream.indirect.gather [hbm4b:s1+s24], $0x80, s30, s24, $0xb8;
	[tilespmem:$0x1BE80] =	vst v63  }
0x56: {  	_ =	swait.ge [sflag:s0], $0x5000  }
0x57: {  	[sflag:s0] =	ssyncset.done $0x0  }
0x58: {  	[sflag:s0] =	ssyncadd.s32 $0xFFFFB000  }
0x59: {  	_ =	swait.ge [sflag:s0], $0x5000  }
0x5a: {  	[sflag:s0] =	ssyncset.done $0x0  }
0x5b: {  	[sflag:s0] =	ssyncadd.s32 $0xFFFFB000  }
0x5c: {  	v1 =	vimm.f32 $0.0e+00;
	v2 =	vimm.f32 $0.0e+00;
	v3 =	vimm.f32 $0.0e+00;
	_ =	swait.ge [sflag:s3], $0x2780  }
0x5d: {  	v4 =	vimm.f32 $0.0e+00;
	v5 =	vimm.f32 $0.0e+00;
	v6 =	vimm.f32 $0.0e+00;
	[sflag:s3] =	ssyncset.done $0x0  }
0x5e: {  	v7 =	vimm.f32 $0.0e+00;
	v8 =	vimm.f32 $0.0e+00;
	v9 =	vimm.f32 $0.0e+00;
	s28 =	simm.s32 $0x0;
	[sflag:s3] =	ssyncadd.s32 $0xFFFFD880  }
.LBB2_2:
0x5f: {  	_ =	swait.ge [sflag:s3], $0x2800  }
0x60: {  	[sflag:s3] =	ssyncset.done $0x0  }
0x61: {  	[sflag:s3] =	ssyncadd.s32 $0xFFFFD800  }
0x62: {  	s29 =	smul.u32 $0xA0, s28;
	_ =	swait.ge [sflag:s22], $0x2800  }
0x63: {  	[sflag:s22] =	ssyncset.done $0x0  }
0x64: {  	s30 =	sadd.s32 $0xC820, s29;
	[sflag:s22] =	ssyncadd.s32 $0xFFFFD800  }
0x65: {  	[tilespmem:s25], [sflag:$0x1] =	stream.indirect.gather [hbm4b:s5+s24], $0x80, s30, s24, $0xb8;
	[tilespmem:$0x1BE80] =	vst v63  }
0x66: {  	p0 =	sgt.u32 s28, $0x27;
	s30 =	sadd.s32 $0xEFA0, s29  }
0x67: {  	[tilespmem:s26], [sflag:$0x3] =	stream.indirect.gather [hbm4b:s1+s24], $0x80, s30, s24, $0xb8;
	[tilespmem:$0x1BE80] =	vst v63  }
0x68: {  	s30 =	sshll.u32 @!p0 s28, $0x9  }
0x69: {  	s6 =	simm.s32 @!p0 $0x80;
	s31 =	sadd.s32 @!p0 $0x11680, s30;
	s19 =	sadd.s32 @!p0 $0x16680, s30  }
0x6a: {  	[spmem:s2] =	stream.indirect.scatter.add.f32 @!p0 [tilespmem:s31], [sflag:$0x5], $0x1, s19, s6, $0xb8;
	[tilespmem:$0x1BE80] =	vst v63  }
0x6b: {  	s19 =	sadd.s32 @!p0 $0x11700, s30;
	s31 =	sadd.s32 @!p0 $0x16700, s30  }
0x6c: {  	[spmem:s2] =	stream.indirect.scatter.add.f32 @!p0 [tilespmem:s19], [sflag:$0x5], $0x1, s31, s6, $0xb8;
	[tilespmem:$0x1BE80] =	vst v63  }
0x6d: {  	s19 =	sadd.s32 @!p0 $0x11780, s30;
	s31 =	sadd.s32 @!p0 $0x16780, s30  }
0x6e: {  	[spmem:s2] =	stream.indirect.scatter.add.f32 @!p0 [tilespmem:s19], [sflag:$0x5], $0x1, s31, s6, $0xb8;
	[tilespmem:$0x1BE80] =	vst v63  }
0x6f: {  	s19 =	sadd.s32 @!p0 $0x11800, s30;
	s30 =	sadd.s32 @!p0 $0x16800, s30  }
0x70: {  	[spmem:s2] =	stream.indirect.scatter.add.f32 @!p0 [tilespmem:s19], [sflag:$0x5], $0x1, s30, s6, $0xb8;
	[tilespmem:$0x1BE80] =	vst v63  }
0x71: {  	v10 =	vld [tilespmem:s29+$0xC780]  }
0x72: {  	v11 =	vld [tilespmem:s29+$0xC790]  }
0x73: {  	v12 =	vld [tilespmem:s29+$0xC7A0]  }
0x74: {  	v13 =	vld [tilespmem:s29+$0xC7B0]  }
0x75: {  	s30 =	simm.s32 $0xF0;
	v15 =	vld [tilespmem:s29+$0xC7C0]  }
0x76: {  	v17 =	vld [tilespmem:s30+$0x2720]  }
0x77: {  	v18 =	vld [tilespmem:s30+$0x7720]  }
0x78: {  	v19 =	vld [tilespmem:s30+$0x2730]  }
0x79: {  	v22 =	vld [tilespmem:s30+$0x7730]  }
0x7a: {  	v23 =	vld [tilespmem:s30+$0x2740]  }
0x7b: {  	v24 =	vld [tilespmem:s30+$0x7740]  }
0x7c: {  	v25 =	vld [tilespmem:s30+$0x2750]  }
0x7d: {  	v44 =	vld [tilespmem:s30+$0x7750]  }
0x7e: {  	v46 =	vld [tilespmem:s30+$0x2760]  }
0x7f: {  	v47 =	vld [tilespmem:s30+$0x7760]  }
0x80: {  	v20 =	vld [tilespmem:s30+$0x2770]  }
0x81: {  	v21 =	vld [tilespmem:s30+$0x7770]  }
0x82: {  	v28 =	vld [tilespmem:s30+$0x2690]  }
0x83: {  	v31 =	vld [tilespmem:s30+$0x7690]  }
0x84: {  	v35 =	vld [tilespmem:s30+$0x26A0]  }
0x85: {  	v40 =	vld [tilespmem:s30+$0x76A0]  }
0x86: {  	v37 =	vld [tilespmem:s30+$0x26B0]  }
0x87: {  	v41 =	vld [tilespmem:s30+$0x76B0]  }
0x88: {  	v43 =	vld [tilespmem:s30+$0x26C0]  }
0x89: {  	v45 =	vld [tilespmem:s30+$0x76C0]  }
0x8a: {  	v38 =	vld [tilespmem:s30+$0x26D0]  }
0x8b: {  	v42 =	vld [tilespmem:s30+$0x76D0]  }
0x8c: {  	v29 =	vld [tilespmem:s30+$0x26E0]  }
0x8d: {  	v16 =	vld.idx.msk [tilespmem:v10+s4+$0x0], $0xffff  }
0x8e: {  	v14 =	vld.idx.msk [tilespmem:v11+s4+$0x0], $0xffff  }
0x8f: {  	v11 =	vld.idx.msk [tilespmem:v13+s4+$0x0], $0xffff  }
0x90: {  	v10 =	vld.idx.msk [tilespmem:v15+s4+$0x0], $0xffff  }
0x91: {  	v13 =	vld [tilespmem:s30+$0x2710]  }
0x92: {  	v15 =	vld [tilespmem:s30+$0x7710]  }
0x93: {  	v32 =	vld [tilespmem:s30+$0x76E0]  }
0x94: {  	v27 =	vld [tilespmem:s30+$0x26F0]  }
0x95: {  	v39 =	vld [tilespmem:s30+$0x76F0];
	v34 =	vmul.f32 v18, v17;
	v30 =	vmul.f32 v22, v19  }
0x96: {  	v36 =	vld [tilespmem:s30+$0x2700];
	v26 =	vmul.f32 v24, v23;
	v25 =	vmul.f32 v44, v25  }
0x97: {  	s31 =	simm.s32 $0x7C0;
	v24 =	vmul.f32 v47, v46;
	v12 =	vld.idx.msk [tilespmem:v12+s4+$0x0], $0xffff;
	v33 =	vmul.f32 v15, v13  }
.LBB2_3:
0x98: {  	p1 =	sne.s32 s31, $0x9FC0;
	v13 =	vmul.f32 v31, v28;
	v15 =	vmul.f32 v40, v35;
	v17 =	vld [tilespmem:s30+$0x7700]  }
0x99: {  	v18 =	vmul.f32 v41, v37;
	v19 =	vmul.f32 v45, v43;
	v22 =	vld [tilespmem:s30+$0x2780]  }
0x9a: {  	v9 =	vadd.f32 v13, v9;
	v8 =	vadd.f32 v15, v8;
	v13 =	vmul.f32 v42, v38;
	v15 =	vld [tilespmem:s30+$0x7780];
	s30 =	sshra.s32 s31, $0x2  }
0x9b: {  	v7 =	vadd.f32 v18, v7;
	v6 =	vadd.f32 v19, v6;
	v18 =	vmul.f32 v32, v29;
	v23 =	vld [tilespmem:s30+$0x2710]  }
0x9c: {  	v27 =	vmul.f32 v39, v27;
	v19 =	vld [tilespmem:s30+$0x7710];
	v9 =	vadd.f32 v33, v9;
	v8 =	vadd.f32 v34, v8  }
0x9d: {  	v7 =	vadd.f32 v30, v7;
	v6 =	vadd.f32 v26, v6;
	v34 =	vld [tilespmem:s30+$0x2720];
	v17 =	vmul.f32 v17, v36  }
0x9e: {  	v5 =	vadd.f32 v13, v5;
	v4 =	vadd.f32 v18, v4;
	v13 =	vmul.f32 v21, v20;
	v26 =	vld [tilespmem:s30+$0x7720]  }
0x9f: {  	v3 =	vadd.f32 v27, v3;
	v18 =	vld [tilespmem:s30+$0x2730];
	v2 =	vadd.f32 v17, v2;
	v15 =	vmul.f32 v15, v22  }
0xa0: {  	v5 =	vadd.f32 v25, v5;
	v4 =	vadd.f32 v24, v4;
	v17 =	vld [tilespmem:s30+$0x7730]  }
0xa1: {  	v3 =	vadd.f32 v13, v3;
	v22 =	vld [tilespmem:s30+$0x2740];
	v2 =	vadd.f32 v15, v2  }
0xa2: {  	v13 =	vld [tilespmem:s30+$0x7740]  }
0xa3: {  	v15 =	vld [tilespmem:s30+$0x2750]  }
0xa4: {  	v24 =	vld [tilespmem:s30+$0x7750]  }
0xa5: {  	v44 =	vld [tilespmem:s30+$0x2760]  }
0xa6: {  	v46 =	vld [tilespmem:s30+$0x7760]  }
0xa7: {  	v20 =	vld [tilespmem:s30+$0x2770]  }
0xa8: {  	v21 =	vld [tilespmem:s30+$0x7770]  }
0xa9: {  	v28 =	vld [tilespmem:s30+$0x2690]  }
0xaa: {  	v31 =	vld [tilespmem:s30+$0x7690]  }
0xab: {  	v35 =	vld [tilespmem:s30+$0x26A0]  }
0xac: {  	v40 =	vld [tilespmem:s30+$0x76A0]  }
0xad: {  	v37 =	vld [tilespmem:s30+$0x26B0]  }
0xae: {  	v41 =	vld [tilespmem:s30+$0x76B0]  }
0xaf: {  	v43 =	vld [tilespmem:s30+$0x26C0]  }
0xb0: {  	v45 =	vld [tilespmem:s30+$0x76C0]  }
0xb1: {  	v38 =	vld [tilespmem:s30+$0x26D0]  }
0xb2: {  	v42 =	vld [tilespmem:s30+$0x76D0]  }
.Ltmp0:
0xb3: {  	v29 =	vld [tilespmem:s30+$0x26E0];
	(pc) =	sbr.rel @p1 .LBB2_3-.Ltmp0, $4  }
0xb4: {  	v32 =	vld [tilespmem:s30+$0x76E0]  }
0xb5: {  	v33 =	vmul.f32 v19, v23;
	v34 =	vmul.f32 v26, v34;
	v27 =	vld [tilespmem:s30+$0x26F0]  }
0xb6: {  	v30 =	vmul.f32 v17, v18;
	v26 =	vmul.f32 v13, v22;
	v39 =	vld [tilespmem:s30+$0x76F0]  }
0xb7: {  	s31 =	sadd.s32 $0x400, s31;
	v25 =	vmul.f32 v24, v15;
	v24 =	vmul.f32 v46, v44;
	v36 =	vld [tilespmem:s30+$0x2700]  }
0xb8: {  	v46 =	vld [tilespmem:s30+$0x7700]  }
0xb9: {  	v47 =	vld [tilespmem:s30+$0x2780]  }
0xba: {  	v48 =	vld [tilespmem:s30+$0x7780];
	_ =	swait.ge [sflag:s23], $0x2800  }
0xbb: {  	[sflag:s23] =	ssyncset.done $0x0  }
0xbc: {  	[sflag:s23] =	ssyncadd.s32 $0xFFFFD800  }
0xbd: {  	p1 =	seq.s32 s28, $0x3D;
	_ =	swait.ge [sflag:s0], $0x2800  }
0xbe: {  	s6 =	sadd.s32 @!p1 $0xC870, s29;
	[sflag:s0] =	ssyncset.done $0x0  }
0xbf: {  	s19 =	simm.s32 @!p1 $0x50;
	s30 =	simm.s32 @!p1 $0x4F80;
	[sflag:s0] =	ssyncadd.s32 $0xFFFFD800  }
0xc0: {  	[tilespmem:s30], [sflag:$0x2] =	stream.indirect.gather @!p1 [hbm4b:s5+s19], $0x80, s6, s19, $0xb8;
	[tilespmem:$0x1BE80] =	vst v63  }
0xc1: {  	s6 =	sadd.s32 @!p1 $0xEFF0, s29;
	s30 =	simm.s32 @!p1 $0x9F80  }
0xc2: {  	[tilespmem:s30], [sflag:$0x4] =	stream.indirect.gather @!p1 [hbm4b:s1+s19], $0x80, s6, s19, $0xb8;
	[tilespmem:$0x1BE80] =	vst v63  }
0xc3: {  	v13 =	vld [tilespmem:s29+$0xC7D0]  }
0xc4: {  	v15 =	vld [tilespmem:s29+$0xC7E0]  }
0xc5: {  	s31 =	sand.u32 $0x3FE0, s29;
	v17 =	vld [tilespmem:s29+$0xC7F0]  }
0xc6: {  	v22 =	vld [tilespmem:s31+$0xC800]  }
0xc7: {  	v23 =	vld [tilespmem:s29+$0xC810];
	s29 =	simm.s32 $0xF0  }
0xc8: {  	v49 =	vld [tilespmem:s29+$0x4F10]  }
0xc9: {  	v50 =	vld [tilespmem:s29+$0x9F10]  }
0xca: {  	v51 =	vld [tilespmem:s29+$0x4F20]  }
0xcb: {  	v52 =	vld [tilespmem:s29+$0x9F20]  }
0xcc: {  	v53 =	vld [tilespmem:s29+$0x4F30]  }
0xcd: {  	v54 =	vld [tilespmem:s29+$0x9F30]  }
0xce: {  	v55 =	vld [tilespmem:s29+$0x4F40]  }
0xcf: {  	v56 =	vld [tilespmem:s29+$0x9F40]  }
0xd0: {  	v57 =	vld [tilespmem:s29+$0x4F50]  }
0xd1: {  	v58 =	vld [tilespmem:s29+$0x9F50]  }
0xd2: {  	v59 =	vld [tilespmem:s29+$0x4F60]  }
0xd3: {  	v60 =	vld [tilespmem:s29+$0x9F60]  }
0xd4: {  	v44 =	vld [tilespmem:s29+$0x4E90]  }
0xd5: {  	v61 =	vmul.f32 v31, v28;
	v35 =	vmul.f32 v40, v35;
	v28 =	vld [tilespmem:s29+$0x9E90]  }
0xd6: {  	v37 =	vmul.f32 v41, v37;
	v31 =	vld [tilespmem:s29+$0x4EA0]  }
0xd7: {  	v45 =	vmul.f32 v45, v43;
	v9 =	vadd.f32 v61, v9;
	v61 =	vadd.f32 v35, v8;
	v35 =	vld [tilespmem:s29+$0x9EA0]  }
0xd8: {  	v38 =	vmul.f32 v42, v38;
	v7 =	vadd.f32 v37, v7;
	v37 =	vld [tilespmem:s29+$0x4EB0]  }
0xd9: {  	v1 =	vadd.f32 v16, v1;
	v32 =	vmul.f32 v32, v29;
	v40 =	vadd.f32 v45, v6;
	v29 =	vld [tilespmem:s29+$0x9EB0]  }
0xda: {  	v5 =	vadd.f32 v38, v5;
	v27 =	vmul.f32 v39, v27;
	v8 =	vadd.f32 v33, v9;
	v16 =	vld [tilespmem:s29+$0x4EC0]  }
0xdb: {  	v7 =	vadd.f32 v30, v7;
	v9 =	vadd.f32 v26, v40;
	v30 =	vmul.f32 v46, v36;
	v26 =	vld [tilespmem:s29+$0x9EC0]  }
0xdc: {  	v1 =	vadd.f32 v14, v1;
	v4 =	vadd.f32 v32, v4;
	v14 =	vld [tilespmem:s29+$0x4ED0]  }
0xdd: {  	v20 =	vmul.f32 v21, v20;
	v21 =	vadd.f32 v27, v3;
	v62 =	vadd.f32 v30, v2;
	v27 =	vld [tilespmem:s29+$0x9ED0]  }
0xde: {  	v2 =	vadd.f32 v25, v5;
	v5 =	vadd.f32 v12, v1;
	v12 =	vld [tilespmem:s29+$0x4EE0]  }
0xdf: {  	v3 =	vadd.f32 v24, v4;
	v24 =	vld [tilespmem:s29+$0x9EE0]  }
0xe0: {  	v1 =	vadd.f32 v20, v21;
	v21 =	vld [tilespmem:s29+$0x4EF0]  }
0xe1: {  	v6 =	vadd.f32 v34, v61;
	v34 =	vld [tilespmem:s29+$0x9EF0]  }
0xe2: {  	v33 =	vld [tilespmem:s29+$0x4F00]  }
0xe3: {  	v19 =	vld.idx.msk [tilespmem:v13+s4+$0x0], $0xffff  }
0xe4: {  	v18 =	vld.idx.msk [tilespmem:v15+s4+$0x0], $0xffff  }
0xe5: {  	v17 =	vld.idx.msk [tilespmem:v17+s4+$0x0], $0xffff  }
0xe6: {  	v63 =	vmul.f32 v48, v47;
	v15 =	vld.idx.msk [tilespmem:v22+s4+$0x0], $0xffff  }
0xe7: {  	v5 =	vadd.f32 v11, v5;
	v25 =	vmul.f32 v50, v49;
	v30 =	vmul.f32 v52, v51;
	v13 =	vld.idx.msk [tilespmem:v23+s4+$0x0], $0xffff  }
0xe8: {  	v4 =	vadd.f32 v63, v62;
	v32 =	vmul.f32 v54, v53;
	v20 =	vmul.f32 v56, v55;
	v22 =	vld [tilespmem:s29+$0x4F70]  }
0xe9: {  	s30 =	simm.s32 $0x7C0;
	v5 =	vadd.f32 v10, v5;
	v11 =	vmul.f32 v58, v57;
	v10 =	vmul.f32 v60, v59;
	v23 =	vld [tilespmem:s29+$0x9F70]  }
.LBB2_5:
0xea: {  	p1 =	sne.s32 s30, $0x9FC0;
	v28 =	vmul.f32 v28, v44;
	v31 =	vmul.f32 v35, v31;
	v35 =	vld [tilespmem:s29+$0x9F00]  }
0xeb: {  	v29 =	vmul.f32 v29, v37;
	v16 =	vmul.f32 v26, v16;
	v26 =	vld [tilespmem:s29+$0x4F80]  }
0xec: {  	v14 =	vmul.f32 v27, v14;
	v8 =	vadd.f32 v28, v8;
	v6 =	vadd.f32 v31, v6;
	v27 =	vld [tilespmem:s29+$0x9F80];
	s29 =	sshra.s32 s30, $0x2  }
0xed: {  	v12 =	vmul.f32 v24, v12;
	v7 =	vadd.f32 v29, v7;
	v9 =	vadd.f32 v16, v9;
	v36 =	vld [tilespmem:s29+$0x4F10]  }
0xee: {  	v16 =	vmul.f32 v34, v21;
	v38 =	vld [tilespmem:s29+$0x9F10];
	v8 =	vadd.f32 v25, v8;
	v6 =	vadd.f32 v30, v6  }
0xef: {  	v7 =	vadd.f32 v32, v7;
	v9 =	vadd.f32 v20, v9;
	v30 =	vld [tilespmem:s29+$0x4F20];
	v21 =	vmul.f32 v35, v33  }
0xf0: {  	v2 =	vadd.f32 v14, v2;
	v3 =	vadd.f32 v12, v3;
	v12 =	vmul.f32 v23, v22;
	v20 =	vld [tilespmem:s29+$0x9F20]  }
0xf1: {  	v1 =	vadd.f32 v16, v1;
	v32 =	vld [tilespmem:s29+$0x4F30];
	v4 =	vadd.f32 v21, v4;
	v14 =	vmul.f32 v27, v26  }
0xf2: {  	v2 =	vadd.f32 v11, v2;
	v3 =	vadd.f32 v10, v3;
	v33 =	vld [tilespmem:s29+$0x9F30]  }
0xf3: {  	v1 =	vadd.f32 v12, v1;
	v10 =	vld [tilespmem:s29+$0x4F40];
	v4 =	vadd.f32 v14, v4  }
0xf4: {  	v11 =	vld [tilespmem:s29+$0x9F40]  }
0xf5: {  	v39 =	vld [tilespmem:s29+$0x4F50]  }
0xf6: {  	v40 =	vld [tilespmem:s29+$0x9F50]  }
0xf7: {  	v41 =	vld [tilespmem:s29+$0x4F60]  }
0xf8: {  	v42 =	vld [tilespmem:s29+$0x9F60]  }
0xf9: {  	v22 =	vld [tilespmem:s29+$0x4F70]  }
0xfa: {  	v23 =	vld [tilespmem:s29+$0x9F70]  }
0xfb: {  	v44 =	vld [tilespmem:s29+$0x4E90]  }
0xfc: {  	v28 =	vld [tilespmem:s29+$0x9E90]  }
0xfd: {  	v31 =	vld [tilespmem:s29+$0x4EA0]  }
0xfe: {  	v35 =	vld [tilespmem:s29+$0x9EA0]  }
0xff: {  	v37 =	vld [tilespmem:s29+$0x4EB0]  }
0x100: {  	v29 =	vld [tilespmem:s29+$0x9EB0]  }
0x101: {  	v16 =	vld [tilespmem:s29+$0x4EC0]  }
0x102: {  	v26 =	vld [tilespmem:s29+$0x9EC0]  }
0x103: {  	v14 =	vld [tilespmem:s29+$0x4ED0]  }
0x104: {  	v27 =	vld [tilespmem:s29+$0x9ED0]  }
.Ltmp1:
0x105: {  	v12 =	vld [tilespmem:s29+$0x4EE0];
	(pc) =	sbr.rel @p1 .LBB2_5-.Ltmp1, $4  }
0x106: {  	v24 =	vld [tilespmem:s29+$0x9EE0]  }
0x107: {  	v25 =	vmul.f32 v38, v36;
	v30 =	vmul.f32 v20, v30;
	v21 =	vld [tilespmem:s29+$0x4EF0]  }
0x108: {  	v32 =	vmul.f32 v33, v32;
	v20 =	vmul.f32 v11, v10;
	v34 =	vld [tilespmem:s29+$0x9EF0]  }
0x109: {  	s30 =	sadd.s32 $0x400, s30;
	v11 =	vmul.f32 v40, v39;
	v10 =	vmul.f32 v42, v41;
	v33 =	vld [tilespmem:s29+$0x4F00]  }
0x10a: {  	v36 =	vld [tilespmem:s29+$0x9F00]  }
0x10b: {  	v38 =	vld [tilespmem:s29+$0x4F80];
	s6 =	simm.s32 @!p0 $0x5  }
0x10c: {  	v28 =	vmul.f32 v28, v44;
	v39 =	vld [tilespmem:s29+$0x9F80];
	v31 =	vmul.f32 v35, v31;
	_ =	swait.ge @!p0 [sflag:s6], $0x80  }
0x10d: {  	v29 =	vmul.f32 v29, v37;
	v16 =	vmul.f32 v26, v16;
	v5 =	vadd.f32 v19, v5;
	[sflag:s6] =	ssyncset.done @!p0 $0x0  }
0x10e: {  	v14 =	vmul.f32 v27, v14;
	v8 =	vadd.f32 v28, v8;
	v6 =	vadd.f32 v31, v6;
	[sflag:s6] =	ssyncadd.s32 @!p0 $0xFFFFFF80  }
0x10f: {  	v12 =	vmul.f32 v24, v12;
	v7 =	vadd.f32 v29, v7;
	v16 =	vadd.f32 v16, v9;
	_ =	swait.ge @!p0 [sflag:s6], $0x80  }
0x110: {  	v5 =	vadd.f32 v18, v5;
	v2 =	vadd.f32 v14, v2;
	[sflag:s6] =	ssyncset.done @!p0 $0x0  }
0x111: {  	s28 =	sadd.s32 $0x1, s28;
	v3 =	vadd.f32 v12, v3;
	v9 =	vadd.f32 v25, v8;
	[sflag:s6] =	ssyncadd.s32 @!p0 $0xFFFFFF80  }
0x112: {  	p1 =	sne.s32 s28, $0x3E;
	v58 =	vmul.f32 v34, v21;
	v8 =	vadd.f32 v30, v6;
	v7 =	vadd.f32 v32, v7;
	_ =	swait.ge @!p0 [sflag:s6], $0x80  }
.Ltmp2:
0x113: {  	v6 =	vadd.f32 v20, v16;
	v60 =	vadd.f32 v17, v5;
	v59 =	vmul.f32 v36, v33;
	[sflag:s6] =	ssyncset.done @!p0 $0x0;
	(pc) =	sbr.rel @p1 .LBB2_2-.Ltmp2, $4  }
0x114: {  	v61 =	vmul.f32 v23, v22;
	v5 =	vadd.f32 v11, v2;
	v1 =	vadd.f32 v58, v1;
	[sflag:s6] =	ssyncadd.s32 @!p0 $0xFFFFFF80  }
0x115: {  	v63 =	vmul.f32 v39, v38;
	v11 =	vadd.f32 v15, v60;
	v62 =	vadd.f32 v59, v4;
	_ =	swait.ge @!p0 [sflag:s6], $0x80  }
0x116: {  	v4 =	vadd.f32 v10, v3;
	v3 =	vadd.f32 v61, v1;
	[sflag:s6] =	ssyncset.done @!p0 $0x0  }
0x117: {  	v1 =	vadd.f32 v13, v11;
	v2 =	vadd.f32 v63, v62;
	[sflag:s6] =	ssyncadd.s32 @!p0 $0xFFFFFF80  }
0x118: {  	_ =	swait.ge [sflag:s3], $0x2800  }
0x119: {  	[sflag:s3] =	ssyncset.done $0x0  }
0x11a: {  	[sflag:s3] =	ssyncadd.s32 $0xFFFFD800  }
0x11b: {  	_ =	swait.ge [sflag:s22], $0x2800  }
0x11c: {  	[sflag:s22] =	ssyncset.done $0x0  }
0x11d: {  	[sflag:s22] =	ssyncadd.s32 $0xFFFFD800  }
0x11e: {  	v10 =	vld [tilespmem:$0xEE40]  }
0x11f: {  	v11 =	vld [tilespmem:$0xEE50]  }
0x120: {  	v12 =	vld [tilespmem:$0xEE60]  }
0x121: {  	v15 =	vld [tilespmem:$0xEE70]  }
0x122: {  	s28 =	simm.s32 $0xF0;
	v16 =	vld [tilespmem:$0xEE80]  }
0x123: {  	v17 =	vld [tilespmem:s28+$0x2710]  }
0x124: {  	v18 =	vld [tilespmem:s28+$0x7710]  }
0x125: {  	v22 =	vld [tilespmem:s28+$0x2720]  }
0x126: {  	v26 =	vld [tilespmem:s28+$0x7720]  }
0x127: {  	v28 =	vld [tilespmem:s28+$0x2730]  }
0x128: {  	v32 =	vld [tilespmem:s28+$0x7730]  }
0x129: {  	v38 =	vld [tilespmem:s28+$0x2740]  }
0x12a: {  	v39 =	vld [tilespmem:s28+$0x7740]  }
0x12b: {  	v40 =	vld [tilespmem:s28+$0x2750]  }
0x12c: {  	v41 =	vld [tilespmem:s28+$0x7750]  }
0x12d: {  	v42 =	vld [tilespmem:s28+$0x2760]  }
0x12e: {  	v43 =	vld [tilespmem:s28+$0x7760]  }
0x12f: {  	v21 =	vld [tilespmem:s28+$0x2690]  }
0x130: {  	v24 =	vld [tilespmem:s28+$0x7690]  }
0x131: {  	v27 =	vld [tilespmem:s28+$0x26A0]  }
0x132: {  	v31 =	vld [tilespmem:s28+$0x76A0]  }
0x133: {  	v29 =	vld [tilespmem:s28+$0x26B0]  }
0x134: {  	v34 =	vld [tilespmem:s28+$0x76B0]  }
0x135: {  	v33 =	vld [tilespmem:s28+$0x26C0]  }
0x136: {  	v37 =	vld [tilespmem:s28+$0x76C0]  }
0x137: {  	v25 =	vld [tilespmem:s28+$0x26D0]  }
0x138: {  	v30 =	vld [tilespmem:s28+$0x76D0]  }
0x139: {  	v20 =	vld [tilespmem:s28+$0x26E0]  }
0x13a: {  	v23 =	vld [tilespmem:s28+$0x76E0]  }
0x13b: {  	v19 =	vld [tilespmem:s28+$0x26F0]  }
0x13c: {  	v36 =	vmul.f32 v26, v22;
	v26 =	vld [tilespmem:s28+$0x76F0]  }
0x13d: {  	v22 =	vld [tilespmem:s28+$0x2700]  }
0x13e: {  	v14 =	vld.idx.msk [tilespmem:v10+s4+$0x0], $0xffff  }
0x13f: {  	v13 =	vld.idx.msk [tilespmem:v11+s4+$0x0], $0xffff  }
0x140: {  	v12 =	vld.idx.msk [tilespmem:v12+s4+$0x0], $0xffff  }
0x141: {  	v11 =	vld.idx.msk [tilespmem:v15+s4+$0x0], $0xffff  }
0x142: {  	v35 =	vmul.f32 v18, v17;
	v10 =	vld.idx.msk [tilespmem:v16+s4+$0x0], $0xffff  }
0x143: {  	v32 =	vmul.f32 v32, v28;
	v28 =	vmul.f32 v39, v38;
	v15 =	vld [tilespmem:s28+$0x2770]  }
0x144: {  	s29 =	simm.s32 $0x7C0;
	v18 =	vmul.f32 v41, v40;
	v17 =	vmul.f32 v43, v42;
	v16 =	vld [tilespmem:s28+$0x7770]  }
.LBB2_8:
0x145: {  	p0 =	sne.s32 s29, $0x9FC0;
	v21 =	vmul.f32 v24, v21;
	v24 =	vmul.f32 v31, v27;
	v27 =	vld [tilespmem:s28+$0x7700]  }
0x146: {  	v29 =	vmul.f32 v34, v29;
	v31 =	vmul.f32 v37, v33;
	v33 =	vld [tilespmem:s28+$0x2780]  }
0x147: {  	v9 =	vadd.f32 v21, v9;
	v8 =	vadd.f32 v24, v8;
	v21 =	vmul.f32 v30, v25;
	v24 =	vld [tilespmem:s28+$0x7780];
	s28 =	sshra.s32 s29, $0x2  }
0x148: {  	v20 =	vmul.f32 v23, v20;
	v7 =	vadd.f32 v29, v7;
	v6 =	vadd.f32 v31, v6;
	v38 =	vld [tilespmem:s28+$0x2710]  }
0x149: {  	v19 =	vmul.f32 v26, v19;
	v39 =	vld [tilespmem:s28+$0x7710];
	v9 =	vadd.f32 v35, v9;
	v8 =	vadd.f32 v36, v8  }
0x14a: {  	v7 =	vadd.f32 v32, v7;
	v6 =	vadd.f32 v28, v6;
	v26 =	vld [tilespmem:s28+$0x2720];
	v22 =	vmul.f32 v27, v22  }
0x14b: {  	v15 =	vmul.f32 v16, v15;
	v4 =	vadd.f32 v20, v4;
	v5 =	vadd.f32 v21, v5;
	v28 =	vld [tilespmem:s28+$0x7720]  }
0x14c: {  	v3 =	vadd.f32 v19, v3;
	v32 =	vld [tilespmem:s28+$0x2730];
	v2 =	vadd.f32 v22, v2;
	v16 =	vmul.f32 v24, v33  }
0x14d: {  	v4 =	vadd.f32 v17, v4;
	v5 =	vadd.f32 v18, v5;
	v22 =	vld [tilespmem:s28+$0x7730]  }
0x14e: {  	v3 =	vadd.f32 v15, v3;
	v17 =	vld [tilespmem:s28+$0x2740];
	v2 =	vadd.f32 v16, v2  }
0x14f: {  	v18 =	vld [tilespmem:s28+$0x7740]  }
0x150: {  	v40 =	vld [tilespmem:s28+$0x2750]  }
0x151: {  	v41 =	vld [tilespmem:s28+$0x7750]  }
0x152: {  	v42 =	vld [tilespmem:s28+$0x2760]  }
0x153: {  	v43 =	vld [tilespmem:s28+$0x7760]  }
0x154: {  	v15 =	vld [tilespmem:s28+$0x2770]  }
0x155: {  	v16 =	vld [tilespmem:s28+$0x7770]  }
0x156: {  	v21 =	vld [tilespmem:s28+$0x2690]  }
0x157: {  	v24 =	vld [tilespmem:s28+$0x7690]  }
0x158: {  	v27 =	vld [tilespmem:s28+$0x26A0]  }
0x159: {  	v31 =	vld [tilespmem:s28+$0x76A0]  }
0x15a: {  	v29 =	vld [tilespmem:s28+$0x26B0]  }
0x15b: {  	v34 =	vld [tilespmem:s28+$0x76B0]  }
0x15c: {  	v33 =	vld [tilespmem:s28+$0x26C0]  }
0x15d: {  	v37 =	vld [tilespmem:s28+$0x76C0]  }
0x15e: {  	v25 =	vld [tilespmem:s28+$0x26D0]  }
0x15f: {  	v30 =	vld [tilespmem:s28+$0x76D0]  }
.Ltmp3:
0x160: {  	v20 =	vld [tilespmem:s28+$0x26E0];
	(pc) =	sbr.rel @p0 .LBB2_8-.Ltmp3, $4  }
0x161: {  	v23 =	vld [tilespmem:s28+$0x76E0]  }
0x162: {  	v35 =	vmul.f32 v39, v38;
	v36 =	vmul.f32 v28, v26;
	v19 =	vld [tilespmem:s28+$0x26F0]  }
0x163: {  	v32 =	vmul.f32 v22, v32;
	v28 =	vmul.f32 v18, v17;
	v26 =	vld [tilespmem:s28+$0x76F0]  }
0x164: {  	s29 =	sadd.s32 $0x400, s29;
	v18 =	vmul.f32 v41, v40;
	v17 =	vmul.f32 v43, v42;
	v22 =	vld [tilespmem:s28+$0x2700]  }
0x165: {  	v21 =	vmul.f32 v24, v21;
	v53 =	vmul.f32 v31, v27  }
0x166: {  	v54 =	vmul.f32 v34, v29  }
0x167: {  	v9 =	vadd.f32 v21, v9;
	v8 =	vadd.f32 v53, v8  }
0x168: {  	v55 =	vmul.f32 v37, v33;
	v7 =	vadd.f32 v54, v7  }
0x169: {  	v9 =	vadd.f32 v35, v9;
	v8 =	vadd.f32 v36, v8  }
0x16a: {  	v57 =	vmul.f32 v30, v25;
	v6 =	vadd.f32 v55, v6  }
0x16b: {  	v56 =	vld [tilespmem:s28+$0x7700];
	v7 =	vadd.f32 v32, v7;
	v8 =	vadd.f32 v8, v9  }
0x16c: {  	v58 =	vmul.f32 v23, v20;
	v5 =	vadd.f32 v57, v5  }
0x16d: {  	v59 =	vld [tilespmem:s28+$0x2780];
	v6 =	vadd.f32 v28, v6;
	v7 =	vadd.f32 v7, v8  }
0x16e: {  	v60 =	vld [tilespmem:s28+$0x7780];
	v19 =	vmul.f32 v26, v19;
	v4 =	vadd.f32 v58, v4  }
0x16f: {  	v5 =	vadd.f32 v18, v5;
	v6 =	vadd.f32 v6, v7  }
0x170: {  	v61 =	vmul.f32 v56, v22;
	v3 =	vadd.f32 v19, v3  }
0x171: {  	v62 =	vmul.f32 v16, v15;
	v4 =	vadd.f32 v17, v4;
	v5 =	vadd.f32 v5, v6  }
0x172: {  	v2 =	vadd.f32 v61, v2  }
0x173: {  	v63 =	vmul.f32 v60, v59;
	v3 =	vadd.f32 v62, v3;
	v4 =	vadd.f32 v4, v5  }
0x174: {  	v1 =	vadd.f32 v14, v1  }
0x175: {  	v2 =	vadd.f32 v63, v2;
	v3 =	vadd.f32 v3, v4  }
0x176: {  	v1 =	vadd.f32 v13, v1  }
0x177: {  	v2 =	vadd.f32 v2, v3  }
0x178: {  	[bflag:$0x0] =	sbarrier.arrive $0xFFFF;
	v1 =	vadd.f32 v12, v1  }
0x179: {  	s6 =	simm.s32 $0x0;
	[tilespmem:$0x1BB80] =	vst v2  }
0x17a: {  	v1 =	vadd.f32 v11, v1;
	[hbm4b:s12+s6] =	stream.linear.scatter [tilespmem:s18], [sflag:$0x6], $0x80, $0x38;
	[tilespmem:$0x1BE80] =	vst v63  }
0x17b: {  	_ =	swait.ge [sflag:s21], $0x80  }
0x17c: {  	v1 =	vadd.f32 v10, v1;
	[sflag:s21] =	ssyncset.done $0x0  }
0x17d: {  	[sflag:s21] =	ssyncadd.s32 $0xFFFFFF80  }
0x17e: {  	[tilespmem:$0x1BB80] =	vst v1  }
0x17f: {  	[hbm4b:s13+s6] =	stream.linear.scatter [tilespmem:s18], [sflag:$0x6], $0x80, $0x38;
	[tilespmem:$0x1BE80] =	vst v63  }
0x180: {  	_ =	swait.ge [sflag:s21], $0x80  }
0x181: {  	[sflag:s21] =	ssyncset.done $0x0  }
0x182: {  	s30 =	simm.s32 $0x1B900;
	[sflag:s21] =	ssyncadd.s32 $0xFFFFFF80  }
0x183: {  	[tilespmem:s30], [sflag:$0x6] =	stream.linear.gather [spmem:s11], $0x280, $0x38;
	[tilespmem:$0x1BE80] =	vst v63  }
0x184: {  	_ =	swait.ge [sflag:s21], $0x280  }
0x185: {  	[sflag:s21] =	ssyncset.done $0x0  }
0x186: {  	s31 =	simm.s32 $0x0;
	[sflag:s21] =	ssyncadd.s32 $0xFFFFFD80  }
0x187: {  	v2 =	vld [tilespmem:s31+$0x1B900]  }
0x188: {  	s28 =	simm.s32 $0x40;
	v1 =	vimm.f32 $0.0e+00  }
.LBB2_10:
0x189: {  	p0 =	sne.s32 s28, $0x9C0  }
.Ltmp4:
0x18a: {  	_ = 	snop;
	(pc) =	sbr.rel @p0 .LBB2_10-.Ltmp4, $4  }
0x18b: {  	_ = 	snop  }
0x18c: {  	s6 =	sshra.s32 s28, $0x2;
	s28 =	sadd.s32 $0x40, s28;
	vm0 =	vgt.f32 v2, $0.0e+00  }
0x18d: {  	v2 =	vld [tilespmem:s6+$0x1B900];
	v3 =	vsel vm0, $0x3F800000, v0  }
0x18e: {  	v1 =	vadd.f32 v3, v1  }
0x18f: {  	_ =	sdelay $0x2  }
0x190: {  	vm0 =	vgt.f32 v2, $0.0e+00  }
0x191: {  	v2 =	vsel vm0, $0x3F800000, v0  }
0x192: {  	s20 =	sadd.s32 $0x1, s20;
	v1 =	vadd.f32 v2, v1  }
0x193: {  	p0 =	sne.s32 s20, s15  }
.Ltmp5:
0x194: {  	[tilespmem:$0x1BB80] =	vst v1;
	(pc) =	sbr.rel @p0 .LBB2_1-.Ltmp5, $4  }
0x195: {  	[hbm4b:s14+s4] =	stream.linear.scatter [tilespmem:s18], [sflag:$0x6], $0x80, $0x38;
	[tilespmem:$0x1BE80] =	vst v63  }
0x196: {  	_ =	swait.ge [sflag:s21], $0x80  }
0x197: {  	[sflag:s21] =	ssyncset.done $0x0  }
0x198: {  	[sflag:s21] =	ssyncadd.s32 $0xFFFFFF80  }
0x199: {  	_ =	sfence.sel $0x180000  }
0x19a: {  	[bflag:$0x0] =	sbarrier.arrive $0xFFFF  }
0x19b: {  	_ =	strace $0x90000047  }
0x19c: {  	s0 =	stileid.u32;
	[bflag:$0x2] =	sbarrier.arrive $0xFFFF  }
0x19d: {  	p0 =	sne.s32 s0, $0x0;
	s0 =	rddreg [dreg:$0x2]  }
0x19e: {  	s0 =	sadd.s32 @!p0 $0x100000, s0  }
0x19f: {  	[sflag:s0] =	ssyncadd.tile.s32 @!p0 $0x1;
	_ =	shalt  }
.Lfunc_end2:
_tile_overlayer_lowered:
.L_overlay_start_2:
0x1a0: {  	(tag) =	ssettag $0x2  }
0x1a1: {  	s0 =	rddreg [dreg:$0x0];
	s2 =	stileid.u32  }
0x1a2: {  	s1 =	rddreg [dreg:$0x1];
	p0 =	sne.s32 s2, $0x0  }
0x1a3: {  	s3 =	rddreg [dreg:$0x2];
	[bflag:$0x3] =	sbarrier.arrive $0xFFFF;
	s2 =	simm.s32 @!p0 $0x1C06  }
0x1a4: {  	[timem:s3], [sflag:s2] =	dma.local @!p0 [hbm:s0], s1  }
0x1a5: {  	s0 =	simm.s32 @!p0 $0x6  }
0x1a6: {  	_ =	swait.ge @!p0 [sflag:s0], s1  }
0x1a7: {  	s1 =	ssub.s32 @!p0 $0x0, s1;
	[sflag:s0] =	ssyncset.done @!p0 $0x0  }
0x1a8: {  	[sflag:s0] =	ssyncadd.s32 @!p0 s1  }
0x1a9: {  	[bflag:$0x3] =	sbarrier.arrive $0xFFFF  }
0x1aa: {  	_ =	shalt  }

</sc_bundles>
